<compile_context>
chip_gen: v7x
topology: tpu7x:2x2x1
jax: 0.10.2.dev20260603
libtpu: 0.0.44.dev20260713+nightly
codegen_flags: <defaults>
</compile_context>

<pallas_src>
import functools

import jax
import jax.numpy as jnp
from jax import lax
from jax.experimental import pallas as pl
from jax.experimental.pallas import tpu as pltpu
from jax.experimental.pallas import tpu_sc as plsc

B = 16384
N = 32
NW = 32
GPW = B // NW
CH = 64
NLG = CH // 16
NCHUNK = GPW // CH
CC = CH * N

_TWO_OVER_PI = 0.6366197723675814
_MAGIC = 12582912.0
_P1 = 1.5703125
_P2 = 4.837512969970703125e-4
_P3 = 7.549789954891886e-8
_S1, _S2, _S3 = -1.6666654611e-1, 8.3321608736e-3, -1.9515295891e-4
_C1, _C2, _C3 = 4.166664568298827e-2, -1.388731625493765e-3, 2.443315711809948e-5


def _sincos(x):
    t = x * _TWO_OVER_PI
    kf = (t + _MAGIC) - _MAGIC
    ki = kf.astype(jnp.int32)
    r = x - kf * _P1
    r = r - kf * _P2
    r = r - kf * _P3
    z = r * r
    sp = r + r * z * (_S1 + z * (_S2 + z * _S3))
    cp = 1.0 - 0.5 * z + z * z * (_C1 + z * (_C2 + z * _C3))
    swap = (ki & 1) == 1
    s_b = jnp.where(swap, cp, sp)
    c_b = jnp.where(swap, sp, cp)
    s = jnp.where((ki & 2) == 2, -s_b, s_b)
    c = jnp.where(((ki + 1) & 2) == 2, -c_b, c_b)
    return c, s


def _bf16r(x):
    b = lax.bitcast_convert_type(x, jnp.int32)
    b = b + 32767 + ((b >> 16) & 1)
    b = b & jnp.int32(-65536)
    return lax.bitcast_convert_type(b, jnp.float32)


def _rnd9(m):
    return tuple(_bf16r(v) for v in m)


def _mm3(a, b):
    return tuple(
        a[3 * i + 0] * b[0 + j] + a[3 * i + 1] * b[3 + j] + a[3 * i + 2] * b[6 + j]
        for i in range(3) for j in range(3)
    )


def _sc_forward(xt, offst, params):
    mesh = plsc.VectorSubcoreMesh(core_axis_name="c", subcore_axis_name="s")
    f32 = jnp.float32

    @functools.partial(
        pl.kernel,
        out_type=[
            jax.ShapeDtypeStruct((3, B * N), f32),
            jax.ShapeDtypeStruct((3, 3, B * N), f32),
            jax.ShapeDtypeStruct((3, B * N), f32),
        ],
        mesh=mesh,
        compiler_params=pltpu.CompilerParams(needs_layout_passes=False,
                                             use_tc_tiling_on_sc=True),
        scratch_types=[
            pltpu.VMEM((12 * N * 16,), f32),
            pltpu.VMEM((1, CC), f32),
            pltpu.VMEM((6, CC), f32),
            pltpu.VMEM((3, CC), f32),
            pltpu.VMEM((3, 3, CC), f32),
            pltpu.VMEM((3, CC), f32),
        ],
    )
    def fk(x_hbm, offs_hbm, par_hbm, pos_hbm, rot_hbm, gpos_hbm,
           par_v, x_v, offs_v, pos_v, rot_v, gpos_v):
        cid = lax.axis_index("c")
        sid = lax.axis_index("s")
        wid = sid * 2 + cid
        pltpu.sync_copy(par_hbm, par_v)
        gvec = lax.iota(jnp.int32, 16)
        zvec = jnp.zeros((16,), jnp.int32)
        cvec = [jnp.full((16,), k, jnp.int32) for k in range(6)]

        def param(n, j):
            return plsc.load_gather(par_v, [(n * 12 + j) * 16 + gvec])

        def local_mat(n, colbase):
            col = colbase + n
            xv = plsc.load_gather(x_v, [zvec, col])
            o = [plsc.load_gather(offs_v, [cvec[j], col]) for j in range(6)]
            m11, m22, m33 = param(n, 0), param(n, 1), param(n, 2)
            m12, m13, m23 = param(n, 3), param(n, 4), param(n, 5)
            n1, n2, n3 = param(n, 6), param(n, 7), param(n, 8)
            anorm = param(n, 9)
            cth, sth = _sincos(xv * anorm)
            t0 = 1.0 - cth
            T = (cth + t0 * m11, t0 * m12 - sth * n3, t0 * m13 + sth * n2,
                 t0 * m12 + sth * n3, cth + t0 * m22, t0 * m23 - sth * n1,
                 t0 * m13 - sth * n2, t0 * m23 + sth * n1, cth + t0 * m33)
            cx, sx = _sincos(o[3])
            cy, sy = _sincos(o[4])
            cz, sz = _sincos(o[5])
            cx, sx = _bf16r(cx), _bf16r(sx)
            cy, sy = _bf16r(cy), _bf16r(sy)
            cz, sz = _bf16r(cz), _bf16r(sz)
            t00, t02 = _bf16r(cz * cy), _bf16r(cz * sy)
            t10, t12 = _bf16r(sz * cy), _bf16r(sz * sy)
            E = (t00, t02 * sx - sz * cx, t02 * cx + sz * sx,
                 t10, t12 * sx + cz * cx, t12 * cx - cz * sx,
                 -sy, cy * sx, cy * cx)
            L = _mm3(_rnd9(E), _rnd9(T))
            return L, (o[0], o[1], o[2]), col

        def store_node(col, rot, pos, gpos):
            for i in range(3):
                for j in range(3):
                    plsc.store_scatter(rot_v, [cvec[i], cvec[j], col], rot[3 * i + j])
            for k in range(3):
                plsc.store_scatter(pos_v, [cvec[k], col], pos[k])
                plsc.store_scatter(gpos_v, [cvec[k], col], gpos[k])

        def group_body(lg, carry):
            colbase = (lg * 16 + gvec) * N

            rot0, xyz0, col0 = local_mat(jnp.int32(0), colbase)
            zero = jnp.zeros((16,), f32)
            store_node(col0, rot0, (zero, zero, zero), xyz0)

            def node_body(n, st):
                rot = st[0:9]
                pos = st[9:12]
                gps = st[12:15]
                L, xyz, col = local_mat(n, colbase)
                rp = _rnd9(rot)
                xr = tuple(_bf16r(v) for v in xyz)
                d = tuple(rp[3 * i + 0] * xr[0] + rp[3 * i + 1] * xr[1]
                          + rp[3 * i + 2] * xr[2] for i in range(3))
                pos = (pos[0] + d[0], pos[1] + d[1], pos[2] + d[2])
                gps = (gps[0] + d[0], gps[1] + d[1], gps[2] + d[2])
                rot = _mm3(rp, _rnd9(L))
                store_node(col, rot, pos, gps)
                return rot + pos + gps

            init = rot0 + (zero, zero, zero) + xyz0
            lax.fori_loop(1, N, node_body, init, unroll=False)
            return carry

        def chunk_body(c, carry):
            c0 = (wid * GPW + c * CH) * N
            pltpu.sync_copy(x_hbm.at[:, pl.ds(c0, CC)], x_v)
            pltpu.sync_copy(offs_hbm.at[:, pl.ds(c0, CC)], offs_v)
            lax.fori_loop(0, NLG, group_body, jnp.int32(0), unroll=False)
            pltpu.sync_copy(pos_v, pos_hbm.at[:, pl.ds(c0, CC)])
            pltpu.sync_copy(rot_v, rot_hbm.at[:, :, pl.ds(c0, CC)])
            pltpu.sync_copy(gpos_v, gpos_hbm.at[:, pl.ds(c0, CC)])
            return carry

        lax.fori_loop(0, NCHUNK, chunk_body, jnp.int32(0), unroll=False)

    return fk(xt, offst, params)


def kernel(x, parent, offset, num_graphs, axis):
    f32 = jnp.float32
    xt = x.astype(f32).T
    offst = offset.astype(f32).T
    ax0 = axis.reshape(B, N, 3)[0].astype(f32)
    anorm = jnp.sqrt(jnp.sum(ax0 * ax0, axis=-1))
    n1, n2, n3 = ax0[:, 0], ax0[:, 1], ax0[:, 2]
    params = jnp.stack(
        [n1 * n1, n2 * n2, n3 * n3, n1 * n2, n1 * n3, n2 * n3,
         n1, n2, n3, anorm, jnp.zeros_like(anorm), jnp.zeros_like(anorm)],
        axis=-1)
    params16 = jnp.broadcast_to(params.reshape(12 * N, 1), (12 * N, 16))
    params16 = jnp.asarray(params16, f32).reshape(12 * N * 16)

    pos2, rot2, gpos2 = _sc_forward(xt, offst, params16)
    return (pos2.T, jnp.transpose(rot2, (2, 0, 1)), gpos2.T)

# --- scband reference (transcript-rebuilt; emitter-appended) ---
"""Pipeline reference for scband-forward-kinematics-axis-19902878450323 (READ-ONLY COPY).

The authoritative reference and input builder live on the scoring server;
editing this copy changes nothing except your own understanding.
"""

import jax, jax.numpy as jnp
import numpy as np


def _single_axis(euler, ax):
    c = jnp.cos(euler)
    s = jnp.sin(euler)
    z = jnp.zeros_like(c)
    o = jnp.ones_like(c)
    if ax == 'x':
        rows = [[o, z, z], [z, c, -s], [z, s, c]]
    elif ax == 'y':
        rows = [[c, z, s], [z, o, z], [-s, z, c]]
    else:
        rows = [[c, -s, z], [s, c, z], [z, z, o]]
    return jnp.stack([jnp.stack(r, axis=-1) for r in rows], axis=-2)


def _euler_transform(rpy, order):
    t = jnp.matmul(_single_axis(rpy[..., 2], order[2]),
                   _single_axis(rpy[..., 1], order[1]))
    return jnp.matmul(t, _single_axis(rpy[..., 0], order[0]))


def _axis_angle_transform(euler, axis):
    c = jnp.cos(euler)
    s = jnp.sin(euler)
    n1 = axis[..., 0]
    n2 = axis[..., 1]
    n3 = axis[..., 2]
    r00 = c + n1 * n1 * (1 - c)
    r01 = n1 * n2 * (1 - c) - n3 * s
    r02 = n1 * n3 * (1 - c) + n2 * s
    r10 = n1 * n2 * (1 - c) + n3 * s
    r11 = c + n2 * n2 * (1 - c)
    r12 = n2 * n3 * (1 - c) - n1 * s
    r20 = n1 * n3 * (1 - c) - n2 * s
    r21 = n2 * n3 * (1 - c) + n1 * s
    r22 = c + n3 * n3 * (1 - c)
    return jnp.stack([jnp.stack([r00, r01, r02], axis=-1),
                      jnp.stack([r10, r11, r12], axis=-1),
                      jnp.stack([r20, r21, r22], axis=-1)], axis=-2)


def _forward(x, offset, axis_full, parent_np, num_graphs, order='xyz'):
    x = x.reshape(num_graphs, -1)
    axis = axis_full.reshape(num_graphs, -1, 3)[0]
    axis_norm = jnp.linalg.norm(axis, axis=-1)
    x = x * axis_norm
    offset = offset.reshape(num_graphs, -1, 6)
    xyz = offset[:, :, :3]
    rpy = offset[:, :, 3:]
    B, N = x.shape
    transform = _axis_angle_transform(x, axis)
    rpy_t = _euler_transform(rpy, order)
    pos = [None] * N
    gpos = [None] * N
    rot = [None] * N
    for i in range(N):
        p = int(parent_np[i])
        local = jnp.matmul(rpy_t[:, i], transform[:, i])
        if p != -1:
            d = jnp.einsum('bij,bj->bi', rot[p], xyz[:, i])
            pos[i] = d + pos[p]
            gpos[i] = d + gpos[p]
            rot[i] = jnp.matmul(rot[p], local)
        else:
            pos[i] = jnp.zeros((B, 3), dtype=x.dtype)
            gpos[i] = xyz[:, i]
            rot[i] = local
    positions = jnp.stack(pos, axis=1).reshape(-1, 3)
    rot_matrices = jnp.stack(rot, axis=1).reshape(-1, 3, 3)
    global_positions = jnp.stack(gpos, axis=1).reshape(-1, 3)
    return positions, rot_matrices, global_positions


def setup_inputs(seed: int = 0) -> dict:
    key = jax.random.key(seed)
    num_graphs = 16384
    num_nodes = 32
    total = num_graphs * num_nodes
    k1, k2, k3 = jax.random.split(key, 3)
    x = jax.random.normal(k1, (total, 1), dtype=jnp.float32)
    offset = jax.random.normal(k2, (total, 6), dtype=jnp.float32)
    axis = jax.random.normal(k3, (total, 3), dtype=jnp.float32)
    # valid kinematic chain: node 0 is root (-1), node i has parent i-1
    chain = np.concatenate([np.array([-1]), np.arange(num_nodes - 1)]).astype(np.int64)
    parent = jnp.asarray(np.tile(chain, num_graphs))
    return {"x": x, "parent": parent, "offset": offset,
            "num_graphs": num_graphs, "axis": axis}


def reference(x, parent, offset, num_graphs, axis):
    num_graphs_static = 16384
    num_nodes = x.shape[0] // num_graphs_static
    parent_np = np.concatenate([np.array([-1]),
                                np.arange(num_nodes - 1)]).astype(np.int64)
    dep = (jnp.asarray(num_graphs).astype(x.dtype) * 0
           + (parent[0].astype(x.dtype) + 1) * 0 + 1)
    x = x * dep
    return _forward(x, offset, axis, parent_np, num_graphs_static)

if __name__ == "__main__":
    import jax
    _d = setup_inputs()
    print(jax.jit(kernel)(*tuple(_d.values())))

</pallas_src>

<mosaic_0001>
#map = affine_map<(d0, d1) -> (0, 0)>
#map1 = affine_map<(d0, d1) -> (0)>
#map2 = affine_map<(d0, d1) -> (0, 0, 0)>
module attributes {stable_mosaic.version = 14 : i64} {
  func.func @fk(%arg0: i32, %arg1: i32, %arg2: memref<1x524288xf32, #tpu.memory_space<hbm>>, %arg3: memref<6x524288xf32, #tpu.memory_space<hbm>>, %arg4: memref<6144xf32, #tpu.memory_space<hbm>>, %arg5: memref<3x524288xf32, #tpu.memory_space<hbm>>, %arg6: memref<3x3x524288xf32, #tpu.memory_space<hbm>>, %arg7: memref<3x524288xf32, #tpu.memory_space<hbm>>, %arg8: memref<6144xf32, #tpu.memory_space<vmem>>, %arg9: memref<1x2048xf32, #tpu.memory_space<vmem>>, %arg10: memref<6x2048xf32, #tpu.memory_space<vmem>>, %arg11: memref<3x2048xf32, #tpu.memory_space<vmem>>, %arg12: memref<3x3x2048xf32, #tpu.memory_space<vmem>>, %arg13: memref<3x2048xf32, #tpu.memory_space<vmem>>) attributes {dimension_semantics = [#tpu.dimension_semantics<core_parallel>, #tpu.dimension_semantics<subcore_parallel>], iteration_bounds = array<i64: 2, 16>, scalar_prefetch = 0 : i64, scratch_operands = 6 : i64, tpu.core_type = #tpu.core_type<sc_vector_subcore>, window_params = [{transform_indices = #map}, {transform_indices = #map}, {transform_indices = #map1}, {transform_indices = #map}, {transform_indices = #map2}, {transform_indices = #map}]} {
    %mul3A = arith.constant 2 : i32
    %mul3A_0 = arith.muli %arg1, %mul3A : i32
    %add3A = arith.addi %mul3A_0, %arg0 : i32
    "tpu.region"() ({
      %run_scoped3A = tpu.sem_alloc : memref<!tpu.dma_semaphore, #tpu.memory_space<semaphore_mem>>
      tpu.enqueue_dma source(%arg4 : memref<6144xf32, #tpu.memory_space<hbm>>) target(%arg8 : memref<6144xf32, #tpu.memory_space<vmem>>) target_semaphore(%run_scoped3A : memref<!tpu.dma_semaphore, #tpu.memory_space<semaphore_mem>>)
      tpu.wait_dma2 semaphore(%run_scoped3A : memref<!tpu.dma_semaphore, #tpu.memory_space<semaphore_mem>>) src(%arg4 : memref<6144xf32, #tpu.memory_space<hbm>>) dst(%arg8 : memref<6144xf32, #tpu.memory_space<vmem>>)
      tpu.yield
    }) : () -> ()
    %iota3A = tpu.iota {dimensions = array<i32: 0>} : vector<16xi32>
    %broadcast_in_dim3A = arith.constant 0 : i32
    %broadcast_in_dim3A_1 = vector.broadcast %broadcast_in_dim3A : i32 to vector<16xi32>
    %broadcast_in_dim3A_2 = arith.constant 0 : i32
    %broadcast_in_dim3A_3 = vector.broadcast %broadcast_in_dim3A_2 : i32 to vector<16xi32>
    %broadcast_in_dim3A_4 = arith.constant 1 : i32
    %broadcast_in_dim3A_5 = vector.broadcast %broadcast_in_dim3A_4 : i32 to vector<16xi32>
    %broadcast_in_dim3A_6 = arith.constant 2 : i32
    %broadcast_in_dim3A_7 = vector.broadcast %broadcast_in_dim3A_6 : i32 to vector<16xi32>
    %broadcast_in_dim3A_8 = arith.constant 3 : i32
    %broadcast_in_dim3A_9 = vector.broadcast %broadcast_in_dim3A_8 : i32 to vector<16xi32>
    %broadcast_in_dim3A_10 = arith.constant 4 : i32
    %broadcast_in_dim3A_11 = vector.broadcast %broadcast_in_dim3A_10 : i32 to vector<16xi32>
    %broadcast_in_dim3A_12 = arith.constant 5 : i32
    %broadcast_in_dim3A_13 = vector.broadcast %broadcast_in_dim3A_12 : i32 to vector<16xi32>
    %scan3A = arith.constant 0 : i32
    %scan3A_14 = arith.constant 0 : i32
    %scan3A_15 = arith.constant 8 : i32
    %scan3A_16 = arith.addi %scan3A_14, %scan3A_15 : i32
    %scan3A_17 = arith.constant 1 : i32
    scf.for %scan3A_19 = %scan3A_14 to %scan3A_16 step %scan3A_17  : i32 {
      %mul3A_20 = arith.constant 512 : i32
      %mul3A_21 = arith.muli %add3A, %mul3A_20 : i32
      %mul3A_22 = arith.constant 64 : i32
      %mul3A_23 = arith.muli %scan3A_19, %mul3A_22 : i32
      %add3A_24 = arith.addi %mul3A_21, %mul3A_23 : i32
      %mul3A_25 = arith.constant 32 : i32
      %mul3A_26 = arith.muli %add3A_24, %mul3A_25 : i32
      "tpu.region"() ({
        %run_scoped3A = tpu.sem_alloc : memref<!tpu.dma_semaphore, #tpu.memory_space<semaphore_mem>>
        %dma_start3A = arith.constant 0 : i32
        %dma_start3A_33 = tpu.memref_slice %arg2[%dma_start3A, %mul3A_26] : memref<1x524288xf32, #tpu.memory_space<hbm>> -> memref<1x2048xf32, #tpu.memory_space<hbm>>
        %dma_start3A_34 = arith.constant 0 : i32
        %dma_start3A_35 = tpu.memref_slice %arg2[%dma_start3A_34, %mul3A_26] : memref<1x524288xf32, #tpu.memory_space<hbm>> -> memref<1x2048xf32, #tpu.memory_space<hbm>>
        tpu.enqueue_dma source(%dma_start3A_35 : memref<1x2048xf32, #tpu.memory_space<hbm>>) target(%arg9 : memref<1x2048xf32, #tpu.memory_space<vmem>>) target_semaphore(%run_scoped3A : memref<!tpu.dma_semaphore, #tpu.memory_space<semaphore_mem>>)
        %dma_wait3A = arith.constant 0 : i32
        %dma_wait3A_36 = tpu.memref_slice %arg2[%dma_wait3A, %mul3A_26] : memref<1x524288xf32, #tpu.memory_space<hbm>> -> memref<1x2048xf32, #tpu.memory_space<hbm>>
        %dma_wait3A_37 = arith.constant 0 : i32
        %dma_wait3A_38 = tpu.memref_slice %arg2[%dma_wait3A_37, %mul3A_26] : memref<1x524288xf32, #tpu.memory_space<hbm>> -> memref<1x2048xf32, #tpu.memory_space<hbm>>
        tpu.wait_dma2 semaphore(%run_scoped3A : memref<!tpu.dma_semaphore, #tpu.memory_space<semaphore_mem>>) src(%dma_wait3A_38 : memref<1x2048xf32, #tpu.memory_space<hbm>>) dst(%arg9 : memref<1x2048xf32, #tpu.memory_space<vmem>>)
        tpu.yield
      }) : () -> ()
      "tpu.region"() ({
        %run_scoped3A = tpu.sem_alloc : memref<!tpu.dma_semaphore, #tpu.memory_space<semaphore_mem>>
        %dma_start3A = arith.constant 0 : i32
        %dma_start3A_33 = tpu.memref_slice %arg3[%dma_start3A, %mul3A_26] : memref<6x524288xf32, #tpu.memory_space<hbm>> -> memref<6x2048xf32, #tpu.memory_space<hbm>>
        %dma_start3A_34 = arith.constant 0 : i32
        %dma_start3A_35 = tpu.memref_slice %arg3[%dma_start3A_34, %mul3A_26] : memref<6x524288xf32, #tpu.memory_space<hbm>> -> memref<6x2048xf32, #tpu.memory_space<hbm>>
        tpu.enqueue_dma source(%dma_start3A_35 : memref<6x2048xf32, #tpu.memory_space<hbm>>) target(%arg10 : memref<6x2048xf32, #tpu.memory_space<vmem>>) target_semaphore(%run_scoped3A : memref<!tpu.dma_semaphore, #tpu.memory_space<semaphore_mem>>)
        %dma_wait3A = arith.constant 0 : i32
        %dma_wait3A_36 = tpu.memref_slice %arg3[%dma_wait3A, %mul3A_26] : memref<6x524288xf32, #tpu.memory_space<hbm>> -> memref<6x2048xf32, #tpu.memory_space<hbm>>
        %dma_wait3A_37 = arith.constant 0 : i32
        %dma_wait3A_38 = tpu.memref_slice %arg3[%dma_wait3A_37, %mul3A_26] : memref<6x524288xf32, #tpu.memory_space<hbm>> -> memref<6x2048xf32, #tpu.memory_space<hbm>>
        tpu.wait_dma2 semaphore(%run_scoped3A : memref<!tpu.dma_semaphore, #tpu.memory_space<semaphore_mem>>) src(%dma_wait3A_38 : memref<6x2048xf32, #tpu.memory_space<hbm>>) dst(%arg10 : memref<6x2048xf32, #tpu.memory_space<vmem>>)
        tpu.yield
      }) : () -> ()
      %scan3A_27 = arith.constant 0 : i32
      %scan3A_28 = arith.constant 0 : i32
      %scan3A_29 = arith.constant 4 : i32
      %scan3A_30 = arith.addi %scan3A_28, %scan3A_29 : i32
      %scan3A_31 = arith.constant 1 : i32
      scf.for %scan3A_33 = %scan3A_28 to %scan3A_30 step %scan3A_31  : i32 {
        %mul3A_34 = arith.constant 16 : i32
        %mul3A_35 = arith.muli %scan3A_33, %mul3A_34 : i32
        %add3A_36 = vector.broadcast %mul3A_35 : i32 to vector<16xi32>
        %add3A_37 = arith.addi %add3A_36, %iota3A : vector<16xi32>
        %mul3A_38 = arith.constant 32 : i32
        %mul3A_39 = vector.broadcast %mul3A_38 : i32 to vector<16xi32>
        %mul3A_40 = arith.muli %add3A_37, %mul3A_39 : vector<16xi32>
        %add3A_41 = arith.constant 0 : i32
        %add3A_42 = vector.broadcast %add3A_41 : i32 to vector<16xi32>
        %add3A_43 = arith.addi %mul3A_40, %add3A_42 : vector<16xi32>
        %gather3A = tpu.vector_load_idx %arg9[%broadcast_in_dim3A_1, %add3A_43] : memref<1x2048xf32, #tpu.memory_space<vmem>>[vector<16xi32>, vector<16xi32>], vector<16xf32>,
        %gather3A_44 = tpu.vector_load_idx %arg10[%broadcast_in_dim3A_3, %add3A_43] : memref<6x2048xf32, #tpu.memory_space<vmem>>[vector<16xi32>, vector<16xi32>], vector<16xf32>,
        %gather3A_45 = tpu.vector_load_idx %arg10[%broadcast_in_dim3A_5, %add3A_43] : memref<6x2048xf32, #tpu.memory_space<vmem>>[vector<16xi32>, vector<16xi32>], vector<16xf32>,
        %gather3A_46 = tpu.vector_load_idx %arg10[%broadcast_in_dim3A_7, %add3A_43] : memref<6x2048xf32, #tpu.memory_space<vmem>>[vector<16xi32>, vector<16xi32>], vector<16xf32>,
        %gather3A_47 = tpu.vector_load_idx %arg10[%broadcast_in_dim3A_9, %add3A_43] : memref<6x2048xf32, #tpu.memory_space<vmem>>[vector<16xi32>, vector<16xi32>], vector<16xf32>,
        %gather3A_48 = tpu.vector_load_idx %arg10[%broadcast_in_dim3A_11, %add3A_43] : memref<6x2048xf32, #tpu.memory_space<vmem>>[vector<16xi32>, vector<16xi32>], vector<16xf32>,
        %gather3A_49 = tpu.vector_load_idx %arg10[%broadcast_in_dim3A_13, %add3A_43] : memref<6x2048xf32, #tpu.memory_space<vmem>>[vector<16xi32>, vector<16xi32>], vector<16xf32>,
        %mul3A_50 = arith.constant 0 : i32
        %mul3A_51 = arith.constant 12 : i32
        %mul3A_52 = arith.muli %mul3A_50, %mul3A_51 : i32
        %add3A_53 = arith.constant 0 : i32
        %add3A_54 = arith.addi %mul3A_52, %add3A_53 : i32
        %mul3A_55 = arith.constant 16 : i32
        %mul3A_56 = arith.muli %add3A_54, %mul3A_55 : i32
        %add3A_57 = vector.broadcast %mul3A_56 : i32 to vector<16xi32>
        %add3A_58 = arith.addi %add3A_57, %iota3A : vector<16xi32>
        %gather3A_59 = tpu.vector_load_idx %arg8[%add3A_58] : memref<6144xf32, #tpu.memory_space<vmem>>[vector<16xi32>], vector<16xf32>,
        %mul3A_60 = arith.constant 0 : i32
        %mul3A_61 = arith.constant 12 : i32
        %mul3A_62 = arith.muli %mul3A_60, %mul3A_61 : i32
        %add3A_63 = arith.constant 1 : i32
        %add3A_64 = arith.addi %mul3A_62, %add3A_63 : i32
        %mul3A_65 = arith.constant 16 : i32
        %mul3A_66 = arith.muli %add3A_64, %mul3A_65 : i32
        %add3A_67 = vector.broadcast %mul3A_66 : i32 to vector<16xi32>
        %add3A_68 = arith.addi %add3A_67, %iota3A : vector<16xi32>
        %gather3A_69 = tpu.vector_load_idx %arg8[%add3A_68] : memref<6144xf32, #tpu.memory_space<vmem>>[vector<16xi32>], vector<16xf32>,
        %mul3A_70 = arith.constant 0 : i32
        %mul3A_71 = arith.constant 12 : i32
        %mul3A_72 = arith.muli %mul3A_70, %mul3A_71 : i32
        %add3A_73 = arith.constant 2 : i32
        %add3A_74 = arith.addi %mul3A_72, %add3A_73 : i32
        %mul3A_75 = arith.constant 16 : i32
        %mul3A_76 = arith.muli %add3A_74, %mul3A_75 : i32
        %add3A_77 = vector.broadcast %mul3A_76 : i32 to vector<16xi32>
        %add3A_78 = arith.addi %add3A_77, %iota3A : vector<16xi32>
        %gather3A_79 = tpu.vector_load_idx %arg8[%add3A_78] : memref<6144xf32, #tpu.memory_space<vmem>>[vector<16xi32>], vector<16xf32>,
        %mul3A_80 = arith.constant 0 : i32
        %mul3A_81 = arith.constant 12 : i32
        %mul3A_82 = arith.muli %mul3A_80, %mul3A_81 : i32
        %add3A_83 = arith.constant 3 : i32
        %add3A_84 = arith.addi %mul3A_82, %add3A_83 : i32
        %mul3A_85 = arith.constant 16 : i32
        %mul3A_86 = arith.muli %add3A_84, %mul3A_85 : i32
        %add3A_87 = vector.broadcast %mul3A_86 : i32 to vector<16xi32>
        %add3A_88 = arith.addi %add3A_87, %iota3A : vector<16xi32>
        %gather3A_89 = tpu.vector_load_idx %arg8[%add3A_88] : memref<6144xf32, #tpu.memory_space<vmem>>[vector<16xi32>], vector<16xf32>,
        %mul3A_90 = arith.constant 0 : i32
        %mul3A_91 = arith.constant 12 : i32
        %mul3A_92 = arith.muli %mul3A_90, %mul3A_91 : i32
        %add3A_93 = arith.constant 4 : i32
        %add3A_94 = arith.addi %mul3A_92, %add3A_93 : i32
        %mul3A_95 = arith.constant 16 : i32
        %mul3A_96 = arith.muli %add3A_94, %mul3A_95 : i32
        %add3A_97 = vector.broadcast %mul3A_96 : i32 to vector<16xi32>
        %add3A_98 = arith.addi %add3A_97, %iota3A : vector<16xi32>
        %gather3A_99 = tpu.vector_load_idx %arg8[%add3A_98] : memref<6144xf32, #tpu.memory_space<vmem>>[vector<16xi32>], vector<16xf32>,
        %mul3A_100 = arith.constant 0 : i32
        %mul3A_101 = arith.constant 12 : i32
        %mul3A_102 = arith.muli %mul3A_100, %mul3A_101 : i32
        %add3A_103 = arith.constant 5 : i32
        %add3A_104 = arith.addi %mul3A_102, %add3A_103 : i32
        %mul3A_105 = arith.constant 16 : i32
        %mul3A_106 = arith.muli %add3A_104, %mul3A_105 : i32
        %add3A_107 = vector.broadcast %mul3A_106 : i32 to vector<16xi32>
        %add3A_108 = arith.addi %add3A_107, %iota3A : vector<16xi32>
        %gather3A_109 = tpu.vector_load_idx %arg8[%add3A_108] : memref<6144xf32, #tpu.memory_space<vmem>>[vector<16xi32>], vector<16xf32>,
        %mul3A_110 = arith.constant 0 : i32
        %mul3A_111 = arith.constant 12 : i32
        %mul3A_112 = arith.muli %mul3A_110, %mul3A_111 : i32
        %add3A_113 = arith.constant 6 : i32
        %add3A_114 = arith.addi %mul3A_112, %add3A_113 : i32
        %mul3A_115 = arith.constant 16 : i32
        %mul3A_116 = arith.muli %add3A_114, %mul3A_115 : i32
        %add3A_117 = vector.broadcast %mul3A_116 : i32 to vector<16xi32>
        %add3A_118 = arith.addi %add3A_117, %iota3A : vector<16xi32>
        %gather3A_119 = tpu.vector_load_idx %arg8[%add3A_118] : memref<6144xf32, #tpu.memory_space<vmem>>[vector<16xi32>], vector<16xf32>,
        %mul3A_120 = arith.constant 0 : i32
        %mul3A_121 = arith.constant 12 : i32
        %mul3A_122 = arith.muli %mul3A_120, %mul3A_121 : i32
        %add3A_123 = arith.constant 7 : i32
        %add3A_124 = arith.addi %mul3A_122, %add3A_123 : i32
        %mul3A_125 = arith.constant 16 : i32
        %mul3A_126 = arith.muli %add3A_124, %mul3A_125 : i32
        %add3A_127 = vector.broadcast %mul3A_126 : i32 to vector<16xi32>
        %add3A_128 = arith.addi %add3A_127, %iota3A : vector<16xi32>
        %gather3A_129 = tpu.vector_load_idx %arg8[%add3A_128] : memref<6144xf32, #tpu.memory_space<vmem>>[vector<16xi32>], vector<16xf32>,
        %mul3A_130 = arith.constant 0 : i32
        %mul3A_131 = arith.constant 12 : i32
        %mul3A_132 = arith.muli %mul3A_130, %mul3A_131 : i32
        %add3A_133 = arith.constant 8 : i32
        %add3A_134 = arith.addi %mul3A_132, %add3A_133 : i32
        %mul3A_135 = arith.constant 16 : i32
        %mul3A_136 = arith.muli %add3A_134, %mul3A_135 : i32
        %add3A_137 = vector.broadcast %mul3A_136 : i32 to vector<16xi32>
        %add3A_138 = arith.addi %add3A_137, %iota3A : vector<16xi32>
        %gather3A_139 = tpu.vector_load_idx %arg8[%add3A_138] : memref<6144xf32, #tpu.memory_space<vmem>>[vector<16xi32>], vector<16xf32>,
        %mul3A_140 = arith.constant 0 : i32
        %mul3A_141 = arith.constant 12 : i32
        %mul3A_142 = arith.muli %mul3A_140, %mul3A_141 : i32
        %add3A_143 = arith.constant 9 : i32
        %add3A_144 = arith.addi %mul3A_142, %add3A_143 : i32
        %mul3A_145 = arith.constant 16 : i32
        %mul3A_146 = arith.muli %add3A_144, %mul3A_145 : i32
        %add3A_147 = vector.broadcast %mul3A_146 : i32 to vector<16xi32>
        %add3A_148 = arith.addi %add3A_147, %iota3A : vector<16xi32>
        %gather3A_149 = tpu.vector_load_idx %arg8[%add3A_148] : memref<6144xf32, #tpu.memory_space<vmem>>[vector<16xi32>], vector<16xf32>,
        %mul3A_150 = arith.mulf %gather3A, %gather3A_149 : vector<16xf32>
        %mul3A_151 = arith.constant 0.636619746 : f32
        %mul3A_152 = vector.broadcast %mul3A_151 : f32 to vector<16xf32>
        %mul3A_153 = arith.mulf %mul3A_150, %mul3A_152 : vector<16xf32>
        %add3A_154 = arith.constant 0x4B400000 : f32
        %add3A_155 = vector.broadcast %add3A_154 : f32 to vector<16xf32>
        %add3A_156 = arith.addf %mul3A_153, %add3A_155 : vector<16xf32>
        %sub3A = arith.constant 0x4B400000 : f32
        %sub3A_157 = vector.broadcast %sub3A : f32 to vector<16xf32>
        %sub3A_158 = arith.subf %add3A_156, %sub3A_157 : vector<16xf32>
        %convert_element_type3A = arith.fptosi %sub3A_158 : vector<16xf32> to vector<16xi32>
        %mul3A_159 = arith.constant 1.5703125 : f32
        %mul3A_160 = vector.broadcast %mul3A_159 : f32 to vector<16xf32>
        %mul3A_161 = arith.mulf %sub3A_158, %mul3A_160 : vector<16xf32>
        %sub3A_162 = arith.subf %mul3A_150, %mul3A_161 : vector<16xf32>
        %mul3A_163 = arith.constant 4.83751297E-4 : f32
        %mul3A_164 = vector.broadcast %mul3A_163 : f32 to vector<16xf32>
        %mul3A_165 = arith.mulf %sub3A_158, %mul3A_164 : vector<16xf32>
        %sub3A_166 = arith.subf %sub3A_162, %mul3A_165 : vector<16xf32>
        %mul3A_167 = arith.constant 7.549790e-08 : f32
        %mul3A_168 = vector.broadcast %mul3A_167 : f32 to vector<16xf32>
        %mul3A_169 = arith.mulf %sub3A_158, %mul3A_168 : vector<16xf32>
        %sub3A_170 = arith.subf %sub3A_166, %mul3A_169 : vector<16xf32>
        %mul3A_171 = arith.mulf %sub3A_170, %sub3A_170 : vector<16xf32>
        %mul3A_172 = arith.mulf %sub3A_170, %mul3A_171 : vector<16xf32>
        %mul3A_173 = arith.constant -1.95152956E-4 : f32
        %mul3A_174 = vector.broadcast %mul3A_173 : f32 to vector<16xf32>
        %mul3A_175 = arith.mulf %mul3A_171, %mul3A_174 : vector<16xf32>
        %add3A_176 = arith.constant 0.00833216123 : f32
        %add3A_177 = vector.broadcast %add3A_176 : f32 to vector<16xf32>
        %add3A_178 = arith.addf %add3A_177, %mul3A_175 : vector<16xf32>
        %mul3A_179 = arith.mulf %mul3A_171, %add3A_178 : vector<16xf32>
        %add3A_180 = arith.constant -0.166666552 : f32
        %add3A_181 = vector.broadcast %add3A_180 : f32 to vector<16xf32>
        %add3A_182 = arith.addf %add3A_181, %mul3A_179 : vector<16xf32>
        %mul3A_183 = arith.mulf %mul3A_172, %add3A_182 : vector<16xf32>
        %add3A_184 = arith.addf %sub3A_170, %mul3A_183 : vector<16xf32>
        %mul3A_185 = arith.constant 5.000000e-01 : f32
        %mul3A_186 = vector.broadcast %mul3A_185 : f32 to vector<16xf32>
        %mul3A_187 = arith.mulf %mul3A_186, %mul3A_171 : vector<16xf32>
        %sub3A_188 = arith.constant 1.000000e+00 : f32
        %sub3A_189 = vector.broadcast %sub3A_188 : f32 to vector<16xf32>
        %sub3A_190 = arith.subf %sub3A_189, %mul3A_187 : vector<16xf32>
        %mul3A_191 = arith.mulf %mul3A_171, %mul3A_171 : vector<16xf32>
        %mul3A_192 = arith.constant 2.44331568E-5 : f32
        %mul3A_193 = vector.broadcast %mul3A_192 : f32 to vector<16xf32>
        %mul3A_194 = arith.mulf %mul3A_171, %mul3A_193 : vector<16xf32>
        %add3A_195 = arith.constant -0.00138873165 : f32
        %add3A_196 = vector.broadcast %add3A_195 : f32 to vector<16xf32>
        %add3A_197 = arith.addf %add3A_196, %mul3A_194 : vector<16xf32>
        %mul3A_198 = arith.mulf %mul3A_171, %add3A_197 : vector<16xf32>
        %add3A_199 = arith.constant 0.0416666456 : f32
        %add3A_200 = vector.broadcast %add3A_199 : f32 to vector<16xf32>
        %add3A_201 = arith.addf %add3A_200, %mul3A_198 : vector<16xf32>
        %mul3A_202 = arith.mulf %mul3A_191, %add3A_201 : vector<16xf32>
        %add3A_203 = arith.addf %sub3A_190, %mul3A_202 : vector<16xf32>
        %and3A = arith.constant 1 : i32
        %and3A_204 = vector.broadcast %and3A : i32 to vector<16xi32>
        %and3A_205 = arith.andi %convert_element_type3A, %and3A_204 : vector<16xi32>
        %eq3A = arith.constant 1 : i32
        %eq3A_206 = vector.broadcast %eq3A : i32 to vector<16xi32>
        %eq3A_207 = arith.cmpi eq, %and3A_205, %eq3A_206 : vector<16xi32>
        %select_n3A = arith.select %eq3A_207, %add3A_203, %add3A_184 : vector<16xi1>, vector<16xf32>
        %select_n3A_208 = arith.select %eq3A_207, %add3A_184, %add3A_203 : vector<16xi1>, vector<16xf32>
        %and3A_209 = arith.constant 2 : i32
        %and3A_210 = vector.broadcast %and3A_209 : i32 to vector<16xi32>
        %and3A_211 = arith.andi %convert_element_type3A, %and3A_210 : vector<16xi32>
        %eq3A_212 = arith.constant 2 : i32
        %eq3A_213 = vector.broadcast %eq3A_212 : i32 to vector<16xi32>
        %eq3A_214 = arith.cmpi eq, %and3A_211, %eq3A_213 : vector<16xi32>
        %neg3A = arith.constant 0.000000e+00 : f32
        %neg3A_215 = vector.broadcast %neg3A : f32 to vector<16xf32>
        %neg3A_216 = arith.subf %neg3A_215, %select_n3A : vector<16xf32>
        %select_n3A_217 = arith.select %eq3A_214, %neg3A_216, %select_n3A : vector<16xi1>, vector<16xf32>
        %add3A_218 = arith.constant 1 : i32
        %add3A_219 = vector.broadcast %add3A_218 : i32 to vector<16xi32>
        %add3A_220 = arith.addi %convert_element_type3A, %add3A_219 : vector<16xi32>
        %and3A_221 = arith.constant 2 : i32
        %and3A_222 = vector.broadcast %and3A_221 : i32 to vector<16xi32>
        %and3A_223 = arith.andi %add3A_220, %and3A_222 : vector<16xi32>
        %eq3A_224 = arith.constant 2 : i32
        %eq3A_225 = vector.broadcast %eq3A_224 : i32 to vector<16xi32>
        %eq3A_226 = arith.cmpi eq, %and3A_223, %eq3A_225 : vector<16xi32>
        %neg3A_227 = arith.constant 0.000000e+00 : f32
        %neg3A_228 = vector.broadcast %neg3A_227 : f32 to vector<16xf32>
        %neg3A_229 = arith.subf %neg3A_228, %select_n3A_208 : vector<16xf32>
        %select_n3A_230 = arith.select %eq3A_226, %neg3A_229, %select_n3A_208 : vector<16xi1>, vector<16xf32>
        %sub3A_231 = arith.constant 1.000000e+00 : f32
        %sub3A_232 = vector.broadcast %sub3A_231 : f32 to vector<16xf32>
        %sub3A_233 = arith.subf %sub3A_232, %select_n3A_230 : vector<16xf32>
        %mul3A_234 = arith.mulf %sub3A_233, %gather3A_59 : vector<16xf32>
        %add3A_235 = arith.addf %select_n3A_230, %mul3A_234 : vector<16xf32>
        %mul3A_236 = arith.mulf %sub3A_233, %gather3A_89 : vector<16xf32>
        %mul3A_237 = arith.mulf %select_n3A_217, %gather3A_139 : vector<16xf32>
        %sub3A_238 = arith.subf %mul3A_236, %mul3A_237 : vector<16xf32>
        %mul3A_239 = arith.mulf %sub3A_233, %gather3A_99 : vector<16xf32>
        %mul3A_240 = arith.mulf %select_n3A_217, %gather3A_129 : vector<16xf32>
        %add3A_241 = arith.addf %mul3A_239, %mul3A_240 : vector<16xf32>
        %mul3A_242 = arith.mulf %sub3A_233, %gather3A_89 : vector<16xf32>
        %mul3A_243 = arith.mulf %select_n3A_217, %gather3A_139 : vector<16xf32>
        %add3A_244 = arith.addf %mul3A_242, %mul3A_243 : vector<16xf32>
        %mul3A_245 = arith.mulf %sub3A_233, %gather3A_69 : vector<16xf32>
        %add3A_246 = arith.addf %select_n3A_230, %mul3A_245 : vector<16xf32>
        %mul3A_247 = arith.mulf %sub3A_233, %gather3A_109 : vector<16xf32>
        %mul3A_248 = arith.mulf %select_n3A_217, %gather3A_119 : vector<16xf32>
        %sub3A_249 = arith.subf %mul3A_247, %mul3A_248 : vector<16xf32>
        %mul3A_250 = arith.mulf %sub3A_233, %gather3A_99 : vector<16xf32>
        %mul3A_251 = arith.mulf %select_n3A_217, %gather3A_129 : vector<16xf32>
        %sub3A_252 = arith.subf %mul3A_250, %mul3A_251 : vector<16xf32>
        %mul3A_253 = arith.mulf %sub3A_233, %gather3A_109 : vector<16xf32>
        %mul3A_254 = arith.mulf %select_n3A_217, %gather3A_119 : vector<16xf32>
        %add3A_255 = arith.addf %mul3A_253, %mul3A_254 : vector<16xf32>
        %mul3A_256 = arith.mulf %sub3A_233, %gather3A_79 : vector<16xf32>
        %add3A_257 = arith.addf %select_n3A_230, %mul3A_256 : vector<16xf32>
        %mul3A_258 = arith.constant 0.636619746 : f32
        %mul3A_259 = vector.broadcast %mul3A_258 : f32 to vector<16xf32>
        %mul3A_260 = arith.mulf %gather3A_47, %mul3A_259 : vector<16xf32>
        %add3A_261 = arith.constant 0x4B400000 : f32
        %add3A_262 = vector.broadcast %add3A_261 : f32 to vector<16xf32>
        %add3A_263 = arith.addf %mul3A_260, %add3A_262 : vector<16xf32>
        %sub3A_264 = arith.constant 0x4B400000 : f32
        %sub3A_265 = vector.broadcast %sub3A_264 : f32 to vector<16xf32>
        %sub3A_266 = arith.subf %add3A_263, %sub3A_265 : vector<16xf32>
        %convert_element_type3A_267 = arith.fptosi %sub3A_266 : vector<16xf32> to vector<16xi32>
        %mul3A_268 = arith.constant 1.5703125 : f32
        %mul3A_269 = vector.broadcast %mul3A_268 : f32 to vector<16xf32>
        %mul3A_270 = arith.mulf %sub3A_266, %mul3A_269 : vector<16xf32>
        %sub3A_271 = arith.subf %gather3A_47, %mul3A_270 : vector<16xf32>
        %mul3A_272 = arith.constant 4.83751297E-4 : f32
        %mul3A_273 = vector.broadcast %mul3A_272 : f32 to vector<16xf32>
        %mul3A_274 = arith.mulf %sub3A_266, %mul3A_273 : vector<16xf32>
        %sub3A_275 = arith.subf %sub3A_271, %mul3A_274 : vector<16xf32>
        %mul3A_276 = arith.constant 7.549790e-08 : f32
        %mul3A_277 = vector.broadcast %mul3A_276 : f32 to vector<16xf32>
        %mul3A_278 = arith.mulf %sub3A_266, %mul3A_277 : vector<16xf32>
        %sub3A_279 = arith.subf %sub3A_275, %mul3A_278 : vector<16xf32>
        %mul3A_280 = arith.mulf %sub3A_279, %sub3A_279 : vector<16xf32>
        %mul3A_281 = arith.mulf %sub3A_279, %mul3A_280 : vector<16xf32>
        %mul3A_282 = arith.constant -1.95152956E-4 : f32
        %mul3A_283 = vector.broadcast %mul3A_282 : f32 to vector<16xf32>
        %mul3A_284 = arith.mulf %mul3A_280, %mul3A_283 : vector<16xf32>
        %add3A_285 = arith.constant 0.00833216123 : f32
        %add3A_286 = vector.broadcast %add3A_285 : f32 to vector<16xf32>
        %add3A_287 = arith.addf %add3A_286, %mul3A_284 : vector<16xf32>
        %mul3A_288 = arith.mulf %mul3A_280, %add3A_287 : vector<16xf32>
        %add3A_289 = arith.constant -0.166666552 : f32
        %add3A_290 = vector.broadcast %add3A_289 : f32 to vector<16xf32>
        %add3A_291 = arith.addf %add3A_290, %mul3A_288 : vector<16xf32>
        %mul3A_292 = arith.mulf %mul3A_281, %add3A_291 : vector<16xf32>
        %add3A_293 = arith.addf %sub3A_279, %mul3A_292 : vector<16xf32>
        %mul3A_294 = arith.constant 5.000000e-01 : f32
        %mul3A_295 = vector.broadcast %mul3A_294 : f32 to vector<16xf32>
        %mul3A_296 = arith.mulf %mul3A_295, %mul3A_280 : vector<16xf32>
        %sub3A_297 = arith.constant 1.000000e+00 : f32
        %sub3A_298 = vector.broadcast %sub3A_297 : f32 to vector<16xf32>
        %sub3A_299 = arith.subf %sub3A_298, %mul3A_296 : vector<16xf32>
        %mul3A_300 = arith.mulf %mul3A_280, %mul3A_280 : vector<16xf32>
        %mul3A_301 = arith.constant 2.44331568E-5 : f32
        %mul3A_302 = vector.broadcast %mul3A_301 : f32 to vector<16xf32>
        %mul3A_303 = arith.mulf %mul3A_280, %mul3A_302 : vector<16xf32>
        %add3A_304 = arith.constant -0.00138873165 : f32
        %add3A_305 = vector.broadcast %add3A_304 : f32 to vector<16xf32>
        %add3A_306 = arith.addf %add3A_305, %mul3A_303 : vector<16xf32>
        %mul3A_307 = arith.mulf %mul3A_280, %add3A_306 : vector<16xf32>
        %add3A_308 = arith.constant 0.0416666456 : f32
        %add3A_309 = vector.broadcast %add3A_308 : f32 to vector<16xf32>
        %add3A_310 = arith.addf %add3A_309, %mul3A_307 : vector<16xf32>
        %mul3A_311 = arith.mulf %mul3A_300, %add3A_310 : vector<16xf32>
        %add3A_312 = arith.addf %sub3A_299, %mul3A_311 : vector<16xf32>
        %and3A_313 = arith.constant 1 : i32
        %and3A_314 = vector.broadcast %and3A_313 : i32 to vector<16xi32>
        %and3A_315 = arith.andi %convert_element_type3A_267, %and3A_314 : vector<16xi32>
        %eq3A_316 = arith.constant 1 : i32
        %eq3A_317 = vector.broadcast %eq3A_316 : i32 to vector<16xi32>
        %eq3A_318 = arith.cmpi eq, %and3A_315, %eq3A_317 : vector<16xi32>
        %select_n3A_319 = arith.select %eq3A_318, %add3A_312, %add3A_293 : vector<16xi1>, vector<16xf32>
        %select_n3A_320 = arith.select %eq3A_318, %add3A_293, %add3A_312 : vector<16xi1>, vector<16xf32>
        %and3A_321 = arith.constant 2 : i32
        %and3A_322 = vector.broadcast %and3A_321 : i32 to vector<16xi32>
        %and3A_323 = arith.andi %convert_element_type3A_267, %and3A_322 : vector<16xi32>
        %eq3A_324 = arith.constant 2 : i32
        %eq3A_325 = vector.broadcast %eq3A_324 : i32 to vector<16xi32>
        %eq3A_326 = arith.cmpi eq, %and3A_323, %eq3A_325 : vector<16xi32>
        %neg3A_327 = arith.constant 0.000000e+00 : f32
        %neg3A_328 = vector.broadcast %neg3A_327 : f32 to vector<16xf32>
        %neg3A_329 = arith.subf %neg3A_328, %select_n3A_319 : vector<16xf32>
        %select_n3A_330 = arith.select %eq3A_326, %neg3A_329, %select_n3A_319 : vector<16xi1>, vector<16xf32>
        %add3A_331 = arith.constant 1 : i32
        %add3A_332 = vector.broadcast %add3A_331 : i32 to vector<16xi32>
        %add3A_333 = arith.addi %convert_element_type3A_267, %add3A_332 : vector<16xi32>
        %and3A_334 = arith.constant 2 : i32
        %and3A_335 = vector.broadcast %and3A_334 : i32 to vector<16xi32>
        %and3A_336 = arith.andi %add3A_333, %and3A_335 : vector<16xi32>
        %eq3A_337 = arith.constant 2 : i32
        %eq3A_338 = vector.broadcast %eq3A_337 : i32 to vector<16xi32>
        %eq3A_339 = arith.cmpi eq, %and3A_336, %eq3A_338 : vector<16xi32>
        %neg3A_340 = arith.constant 0.000000e+00 : f32
        %neg3A_341 = vector.broadcast %neg3A_340 : f32 to vector<16xf32>
        %neg3A_342 = arith.subf %neg3A_341, %select_n3A_320 : vector<16xf32>
        %select_n3A_343 = arith.select %eq3A_339, %neg3A_342, %select_n3A_320 : vector<16xi1>, vector<16xf32>
        %mul3A_344 = arith.constant 0.636619746 : f32
        %mul3A_345 = vector.broadcast %mul3A_344 : f32 to vector<16xf32>
        %mul3A_346 = arith.mulf %gather3A_48, %mul3A_345 : vector<16xf32>
        %add3A_347 = arith.constant 0x4B400000 : f32
        %add3A_348 = vector.broadcast %add3A_347 : f32 to vector<16xf32>
        %add3A_349 = arith.addf %mul3A_346, %add3A_348 : vector<16xf32>
        %sub3A_350 = arith.constant 0x4B400000 : f32
        %sub3A_351 = vector.broadcast %sub3A_350 : f32 to vector<16xf32>
        %sub3A_352 = arith.subf %add3A_349, %sub3A_351 : vector<16xf32>
        %convert_element_type3A_353 = arith.fptosi %sub3A_352 : vector<16xf32> to vector<16xi32>
        %mul3A_354 = arith.constant 1.5703125 : f32
        %mul3A_355 = vector.broadcast %mul3A_354 : f32 to vector<16xf32>
        %mul3A_356 = arith.mulf %sub3A_352, %mul3A_355 : vector<16xf32>
        %sub3A_357 = arith.subf %gather3A_48, %mul3A_356 : vector<16xf32>
        %mul3A_358 = arith.constant 4.83751297E-4 : f32
        %mul3A_359 = vector.broadcast %mul3A_358 : f32 to vector<16xf32>
        %mul3A_360 = arith.mulf %sub3A_352, %mul3A_359 : vector<16xf32>
        %sub3A_361 = arith.subf %sub3A_357, %mul3A_360 : vector<16xf32>
        %mul3A_362 = arith.constant 7.549790e-08 : f32
        %mul3A_363 = vector.broadcast %mul3A_362 : f32 to vector<16xf32>
        %mul3A_364 = arith.mulf %sub3A_352, %mul3A_363 : vector<16xf32>
        %sub3A_365 = arith.subf %sub3A_361, %mul3A_364 : vector<16xf32>
        %mul3A_366 = arith.mulf %sub3A_365, %sub3A_365 : vector<16xf32>
        %mul3A_367 = arith.mulf %sub3A_365, %mul3A_366 : vector<16xf32>
        %mul3A_368 = arith.constant -1.95152956E-4 : f32
        %mul3A_369 = vector.broadcast %mul3A_368 : f32 to vector<16xf32>
        %mul3A_370 = arith.mulf %mul3A_366, %mul3A_369 : vector<16xf32>
        %add3A_371 = arith.constant 0.00833216123 : f32
        %add3A_372 = vector.broadcast %add3A_371 : f32 to vector<16xf32>
        %add3A_373 = arith.addf %add3A_372, %mul3A_370 : vector<16xf32>
        %mul3A_374 = arith.mulf %mul3A_366, %add3A_373 : vector<16xf32>
        %add3A_375 = arith.constant -0.166666552 : f32
        %add3A_376 = vector.broadcast %add3A_375 : f32 to vector<16xf32>
        %add3A_377 = arith.addf %add3A_376, %mul3A_374 : vector<16xf32>
        %mul3A_378 = arith.mulf %mul3A_367, %add3A_377 : vector<16xf32>
        %add3A_379 = arith.addf %sub3A_365, %mul3A_378 : vector<16xf32>
        %mul3A_380 = arith.constant 5.000000e-01 : f32
        %mul3A_381 = vector.broadcast %mul3A_380 : f32 to vector<16xf32>
        %mul3A_382 = arith.mulf %mul3A_381, %mul3A_366 : vector<16xf32>
        %sub3A_383 = arith.constant 1.000000e+00 : f32
        %sub3A_384 = vector.broadcast %sub3A_383 : f32 to vector<16xf32>
        %sub3A_385 = arith.subf %sub3A_384, %mul3A_382 : vector<16xf32>
        %mul3A_386 = arith.mulf %mul3A_366, %mul3A_366 : vector<16xf32>
        %mul3A_387 = arith.constant 2.44331568E-5 : f32
        %mul3A_388 = vector.broadcast %mul3A_387 : f32 to vector<16xf32>
        %mul3A_389 = arith.mulf %mul3A_366, %mul3A_388 : vector<16xf32>
        %add3A_390 = arith.constant -0.00138873165 : f32
        %add3A_391 = vector.broadcast %add3A_390 : f32 to vector<16xf32>
        %add3A_392 = arith.addf %add3A_391, %mul3A_389 : vector<16xf32>
        %mul3A_393 = arith.mulf %mul3A_366, %add3A_392 : vector<16xf32>
        %add3A_394 = arith.constant 0.0416666456 : f32
        %add3A_395 = vector.broadcast %add3A_394 : f32 to vector<16xf32>
        %add3A_396 = arith.addf %add3A_395, %mul3A_393 : vector<16xf32>
        %mul3A_397 = arith.mulf %mul3A_386, %add3A_396 : vector<16xf32>
        %add3A_398 = arith.addf %sub3A_385, %mul3A_397 : vector<16xf32>
        %and3A_399 = arith.constant 1 : i32
        %and3A_400 = vector.broadcast %and3A_399 : i32 to vector<16xi32>
        %and3A_401 = arith.andi %convert_element_type3A_353, %and3A_400 : vector<16xi32>
        %eq3A_402 = arith.constant 1 : i32
        %eq3A_403 = vector.broadcast %eq3A_402 : i32 to vector<16xi32>
        %eq3A_404 = arith.cmpi eq, %and3A_401, %eq3A_403 : vector<16xi32>
        %select_n3A_405 = arith.select %eq3A_404, %add3A_398, %add3A_379 : vector<16xi1>, vector<16xf32>
        %select_n3A_406 = arith.select %eq3A_404, %add3A_379, %add3A_398 : vector<16xi1>, vector<16xf32>
        %and3A_407 = arith.constant 2 : i32
        %and3A_408 = vector.broadcast %and3A_407 : i32 to vector<16xi32>
        %and3A_409 = arith.andi %convert_element_type3A_353, %and3A_408 : vector<16xi32>
        %eq3A_410 = arith.constant 2 : i32
        %eq3A_411 = vector.broadcast %eq3A_410 : i32 to vector<16xi32>
        %eq3A_412 = arith.cmpi eq, %and3A_409, %eq3A_411 : vector<16xi32>
        %neg3A_413 = arith.constant 0.000000e+00 : f32
        %neg3A_414 = vector.broadcast %neg3A_413 : f32 to vector<16xf32>
        %neg3A_415 = arith.subf %neg3A_414, %select_n3A_405 : vector<16xf32>
        %select_n3A_416 = arith.select %eq3A_412, %neg3A_415, %select_n3A_405 : vector<16xi1>, vector<16xf32>
        %add3A_417 = arith.constant 1 : i32
        %add3A_418 = vector.broadcast %add3A_417 : i32 to vector<16xi32>
        %add3A_419 = arith.addi %convert_element_type3A_353, %add3A_418 : vector<16xi32>
        %and3A_420 = arith.constant 2 : i32
        %and3A_421 = vector.broadcast %and3A_420 : i32 to vector<16xi32>
        %and3A_422 = arith.andi %add3A_419, %and3A_421 : vector<16xi32>
        %eq3A_423 = arith.constant 2 : i32
        %eq3A_424 = vector.broadcast %eq3A_423 : i32 to vector<16xi32>
        %eq3A_425 = arith.cmpi eq, %and3A_422, %eq3A_424 : vector<16xi32>
        %neg3A_426 = arith.constant 0.000000e+00 : f32
        %neg3A_427 = vector.broadcast %neg3A_426 : f32 to vector<16xf32>
        %neg3A_428 = arith.subf %neg3A_427, %select_n3A_406 : vector<16xf32>
        %select_n3A_429 = arith.select %eq3A_425, %neg3A_428, %select_n3A_406 : vector<16xi1>, vector<16xf32>
        %mul3A_430 = arith.constant 0.636619746 : f32
        %mul3A_431 = vector.broadcast %mul3A_430 : f32 to vector<16xf32>
        %mul3A_432 = arith.mulf %gather3A_49, %mul3A_431 : vector<16xf32>
        %add3A_433 = arith.constant 0x4B400000 : f32
        %add3A_434 = vector.broadcast %add3A_433 : f32 to vector<16xf32>
        %add3A_435 = arith.addf %mul3A_432, %add3A_434 : vector<16xf32>
        %sub3A_436 = arith.constant 0x4B400000 : f32
        %sub3A_437 = vector.broadcast %sub3A_436 : f32 to vector<16xf32>
        %sub3A_438 = arith.subf %add3A_435, %sub3A_437 : vector<16xf32>
        %convert_element_type3A_439 = arith.fptosi %sub3A_438 : vector<16xf32> to vector<16xi32>
        %mul3A_440 = arith.constant 1.5703125 : f32
        %mul3A_441 = vector.broadcast %mul3A_440 : f32 to vector<16xf32>
        %mul3A_442 = arith.mulf %sub3A_438, %mul3A_441 : vector<16xf32>
        %sub3A_443 = arith.subf %gather3A_49, %mul3A_442 : vector<16xf32>
        %mul3A_444 = arith.constant 4.83751297E-4 : f32
        %mul3A_445 = vector.broadcast %mul3A_444 : f32 to vector<16xf32>
        %mul3A_446 = arith.mulf %sub3A_438, %mul3A_445 : vector<16xf32>
        %sub3A_447 = arith.subf %sub3A_443, %mul3A_446 : vector<16xf32>
        %mul3A_448 = arith.constant 7.549790e-08 : f32
        %mul3A_449 = vector.broadcast %mul3A_448 : f32 to vector<16xf32>
        %mul3A_450 = arith.mulf %sub3A_438, %mul3A_449 : vector<16xf32>
        %sub3A_451 = arith.subf %sub3A_447, %mul3A_450 : vector<16xf32>
        %mul3A_452 = arith.mulf %sub3A_451, %sub3A_451 : vector<16xf32>
        %mul3A_453 = arith.mulf %sub3A_451, %mul3A_452 : vector<16xf32>
        %mul3A_454 = arith.constant -1.95152956E-4 : f32
        %mul3A_455 = vector.broadcast %mul3A_454 : f32 to vector<16xf32>
        %mul3A_456 = arith.mulf %mul3A_452, %mul3A_455 : vector<16xf32>
        %add3A_457 = arith.constant 0.00833216123 : f32
        %add3A_458 = vector.broadcast %add3A_457 : f32 to vector<16xf32>
        %add3A_459 = arith.addf %add3A_458, %mul3A_456 : vector<16xf32>
        %mul3A_460 = arith.mulf %mul3A_452, %add3A_459 : vector<16xf32>
        %add3A_461 = arith.constant -0.166666552 : f32
        %add3A_462 = vector.broadcast %add3A_461 : f32 to vector<16xf32>
        %add3A_463 = arith.addf %add3A_462, %mul3A_460 : vector<16xf32>
        %mul3A_464 = arith.mulf %mul3A_453, %add3A_463 : vector<16xf32>
        %add3A_465 = arith.addf %sub3A_451, %mul3A_464 : vector<16xf32>
        %mul3A_466 = arith.constant 5.000000e-01 : f32
        %mul3A_467 = vector.broadcast %mul3A_466 : f32 to vector<16xf32>
        %mul3A_468 = arith.mulf %mul3A_467, %mul3A_452 : vector<16xf32>
        %sub3A_469 = arith.constant 1.000000e+00 : f32
        %sub3A_470 = vector.broadcast %sub3A_469 : f32 to vector<16xf32>
        %sub3A_471 = arith.subf %sub3A_470, %mul3A_468 : vector<16xf32>
        %mul3A_472 = arith.mulf %mul3A_452, %mul3A_452 : vector<16xf32>
        %mul3A_473 = arith.constant 2.44331568E-5 : f32
        %mul3A_474 = vector.broadcast %mul3A_473 : f32 to vector<16xf32>
        %mul3A_475 = arith.mulf %mul3A_452, %mul3A_474 : vector<16xf32>
        %add3A_476 = arith.constant -0.00138873165 : f32
        %add3A_477 = vector.broadcast %add3A_476 : f32 to vector<16xf32>
        %add3A_478 = arith.addf %add3A_477, %mul3A_475 : vector<16xf32>
        %mul3A_479 = arith.mulf %mul3A_452, %add3A_478 : vector<16xf32>
        %add3A_480 = arith.constant 0.0416666456 : f32
        %add3A_481 = vector.broadcast %add3A_480 : f32 to vector<16xf32>
        %add3A_482 = arith.addf %add3A_481, %mul3A_479 : vector<16xf32>
        %mul3A_483 = arith.mulf %mul3A_472, %add3A_482 : vector<16xf32>
        %add3A_484 = arith.addf %sub3A_471, %mul3A_483 : vector<16xf32>
        %and3A_485 = arith.constant 1 : i32
        %and3A_486 = vector.broadcast %and3A_485 : i32 to vector<16xi32>
        %and3A_487 = arith.andi %convert_element_type3A_439, %and3A_486 : vector<16xi32>
        %eq3A_488 = arith.constant 1 : i32
        %eq3A_489 = vector.broadcast %eq3A_488 : i32 to vector<16xi32>
        %eq3A_490 = arith.cmpi eq, %and3A_487, %eq3A_489 : vector<16xi32>
        %select_n3A_491 = arith.select %eq3A_490, %add3A_484, %add3A_465 : vector<16xi1>, vector<16xf32>
        %select_n3A_492 = arith.select %eq3A_490, %add3A_465, %add3A_484 : vector<16xi1>, vector<16xf32>
        %and3A_493 = arith.constant 2 : i32
        %and3A_494 = vector.broadcast %and3A_493 : i32 to vector<16xi32>
        %and3A_495 = arith.andi %convert_element_type3A_439, %and3A_494 : vector<16xi32>
        %eq3A_496 = arith.constant 2 : i32
        %eq3A_497 = vector.broadcast %eq3A_496 : i32 to vector<16xi32>
        %eq3A_498 = arith.cmpi eq, %and3A_495, %eq3A_497 : vector<16xi32>
        %neg3A_499 = arith.constant 0.000000e+00 : f32
        %neg3A_500 = vector.broadcast %neg3A_499 : f32 to vector<16xf32>
        %neg3A_501 = arith.subf %neg3A_500, %select_n3A_491 : vector<16xf32>
        %select_n3A_502 = arith.select %eq3A_498, %neg3A_501, %select_n3A_491 : vector<16xi1>, vector<16xf32>
        %add3A_503 = arith.constant 1 : i32
        %add3A_504 = vector.broadcast %add3A_503 : i32 to vector<16xi32>
        %add3A_505 = arith.addi %convert_element_type3A_439, %add3A_504 : vector<16xi32>
        %and3A_506 = arith.constant 2 : i32
        %and3A_507 = vector.broadcast %and3A_506 : i32 to vector<16xi32>
        %and3A_508 = arith.andi %add3A_505, %and3A_507 : vector<16xi32>
        %eq3A_509 = arith.constant 2 : i32
        %eq3A_510 = vector.broadcast %eq3A_509 : i32 to vector<16xi32>
        %eq3A_511 = arith.cmpi eq, %and3A_508, %eq3A_510 : vector<16xi32>
        %neg3A_512 = arith.constant 0.000000e+00 : f32
        %neg3A_513 = vector.broadcast %neg3A_512 : f32 to vector<16xf32>
        %neg3A_514 = arith.subf %neg3A_513, %select_n3A_492 : vector<16xf32>
        %select_n3A_515 = arith.select %eq3A_511, %neg3A_514, %select_n3A_492 : vector<16xi1>, vector<16xf32>
        %bitcast_convert_type3A = tpu.bitcast %select_n3A_343 : vector<16xf32> -> vector<16xi32>
        %add3A_516 = arith.constant 32767 : i32
        %add3A_517 = vector.broadcast %add3A_516 : i32 to vector<16xi32>
        %add3A_518 = arith.addi %bitcast_convert_type3A, %add3A_517 : vector<16xi32>
        %shift_right_arithmetic3A = arith.constant 16 : i32
        %shift_right_arithmetic3A_519 = vector.broadcast %shift_right_arithmetic3A : i32 to vector<16xi32>
        %shift_right_arithmetic3A_520 = arith.shrsi %bitcast_convert_type3A, %shift_right_arithmetic3A_519 : vector<16xi32>
        %and3A_521 = arith.constant 1 : i32
        %and3A_522 = vector.broadcast %and3A_521 : i32 to vector<16xi32>
        %and3A_523 = arith.andi %shift_right_arithmetic3A_520, %and3A_522 : vector<16xi32>
        %add3A_524 = arith.addi %add3A_518, %and3A_523 : vector<16xi32>
        %and3A_525 = arith.constant -65536 : i32
        %and3A_526 = vector.broadcast %and3A_525 : i32 to vector<16xi32>
        %and3A_527 = arith.andi %add3A_524, %and3A_526 : vector<16xi32>
        %bitcast_convert_type3A_528 = tpu.bitcast %and3A_527 : vector<16xi32> -> vector<16xf32>
        %bitcast_convert_type3A_529 = tpu.bitcast %select_n3A_330 : vector<16xf32> -> vector<16xi32>
        %add3A_530 = arith.constant 32767 : i32
        %add3A_531 = vector.broadcast %add3A_530 : i32 to vector<16xi32>
        %add3A_532 = arith.addi %bitcast_convert_type3A_529, %add3A_531 : vector<16xi32>
        %shift_right_arithmetic3A_533 = arith.constant 16 : i32
        %shift_right_arithmetic3A_534 = vector.broadcast %shift_right_arithmetic3A_533 : i32 to vector<16xi32>
        %shift_right_arithmetic3A_535 = arith.shrsi %bitcast_convert_type3A_529, %shift_right_arithmetic3A_534 : vector<16xi32>
        %and3A_536 = arith.constant 1 : i32
        %and3A_537 = vector.broadcast %and3A_536 : i32 to vector<16xi32>
        %and3A_538 = arith.andi %shift_right_arithmetic3A_535, %and3A_537 : vector<16xi32>
        %add3A_539 = arith.addi %add3A_532, %and3A_538 : vector<16xi32>
        %and3A_540 = arith.constant -65536 : i32
        %and3A_541 = vector.broadcast %and3A_540 : i32 to vector<16xi32>
        %and3A_542 = arith.andi %add3A_539, %and3A_541 : vector<16xi32>
        %bitcast_convert_type3A_543 = tpu.bitcast %and3A_542 : vector<16xi32> -> vector<16xf32>
        %bitcast_convert_type3A_544 = tpu.bitcast %select_n3A_429 : vector<16xf32> -> vector<16xi32>
        %add3A_545 = arith.constant 32767 : i32
        %add3A_546 = vector.broadcast %add3A_545 : i32 to vector<16xi32>
        %add3A_547 = arith.addi %bitcast_convert_type3A_544, %add3A_546 : vector<16xi32>
        %shift_right_arithmetic3A_548 = arith.constant 16 : i32
        %shift_right_arithmetic3A_549 = vector.broadcast %shift_right_arithmetic3A_548 : i32 to vector<16xi32>
        %shift_right_arithmetic3A_550 = arith.shrsi %bitcast_convert_type3A_544, %shift_right_arithmetic3A_549 : vector<16xi32>
        %and3A_551 = arith.constant 1 : i32
        %and3A_552 = vector.broadcast %and3A_551 : i32 to vector<16xi32>
        %and3A_553 = arith.andi %shift_right_arithmetic3A_550, %and3A_552 : vector<16xi32>
        %add3A_554 = arith.addi %add3A_547, %and3A_553 : vector<16xi32>
        %and3A_555 = arith.constant -65536 : i32
        %and3A_556 = vector.broadcast %and3A_555 : i32 to vector<16xi32>
        %and3A_557 = arith.andi %add3A_554, %and3A_556 : vector<16xi32>
        %bitcast_convert_type3A_558 = tpu.bitcast %and3A_557 : vector<16xi32> -> vector<16xf32>
        %bitcast_convert_type3A_559 = tpu.bitcast %select_n3A_416 : vector<16xf32> -> vector<16xi32>
        %add3A_560 = arith.constant 32767 : i32
        %add3A_561 = vector.broadcast %add3A_560 : i32 to vector<16xi32>
        %add3A_562 = arith.addi %bitcast_convert_type3A_559, %add3A_561 : vector<16xi32>
        %shift_right_arithmetic3A_563 = arith.constant 16 : i32
        %shift_right_arithmetic3A_564 = vector.broadcast %shift_right_arithmetic3A_563 : i32 to vector<16xi32>
        %shift_right_arithmetic3A_565 = arith.shrsi %bitcast_convert_type3A_559, %shift_right_arithmetic3A_564 : vector<16xi32>
        %and3A_566 = arith.constant 1 : i32
        %and3A_567 = vector.broadcast %and3A_566 : i32 to vector<16xi32>
        %and3A_568 = arith.andi %shift_right_arithmetic3A_565, %and3A_567 : vector<16xi32>
        %add3A_569 = arith.addi %add3A_562, %and3A_568 : vector<16xi32>
        %and3A_570 = arith.constant -65536 : i32
        %and3A_571 = vector.broadcast %and3A_570 : i32 to vector<16xi32>
        %and3A_572 = arith.andi %add3A_569, %and3A_571 : vector<16xi32>
        %bitcast_convert_type3A_573 = tpu.bitcast %and3A_572 : vector<16xi32> -> vector<16xf32>
        %bitcast_convert_type3A_574 = tpu.bitcast %select_n3A_515 : vector<16xf32> -> vector<16xi32>
        %add3A_575 = arith.constant 32767 : i32
        %add3A_576 = vector.broadcast %add3A_575 : i32 to vector<16xi32>
        %add3A_577 = arith.addi %bitcast_convert_type3A_574, %add3A_576 : vector<16xi32>
        %shift_right_arithmetic3A_578 = arith.constant 16 : i32
        %shift_right_arithmetic3A_579 = vector.broadcast %shift_right_arithmetic3A_578 : i32 to vector<16xi32>
        %shift_right_arithmetic3A_580 = arith.shrsi %bitcast_convert_type3A_574, %shift_right_arithmetic3A_579 : vector<16xi32>
        %and3A_581 = arith.constant 1 : i32
        %and3A_582 = vector.broadcast %and3A_581 : i32 to vector<16xi32>
        %and3A_583 = arith.andi %shift_right_arithmetic3A_580, %and3A_582 : vector<16xi32>
        %add3A_584 = arith.addi %add3A_577, %and3A_583 : vector<16xi32>
        %and3A_585 = arith.constant -65536 : i32
        %and3A_586 = vector.broadcast %and3A_585 : i32 to vector<16xi32>
        %and3A_587 = arith.andi %add3A_584, %and3A_586 : vector<16xi32>
        %bitcast_convert_type3A_588 = tpu.bitcast %and3A_587 : vector<16xi32> -> vector<16xf32>
        %bitcast_convert_type3A_589 = tpu.bitcast %select_n3A_502 : vector<16xf32> -> vector<16xi32>
        %add3A_590 = arith.constant 32767 : i32
        %add3A_591 = vector.broadcast %add3A_590 : i32 to vector<16xi32>
        %add3A_592 = arith.addi %bitcast_convert_type3A_589, %add3A_591 : vector<16xi32>
        %shift_right_arithmetic3A_593 = arith.constant 16 : i32
        %shift_right_arithmetic3A_594 = vector.broadcast %shift_right_arithmetic3A_593 : i32 to vector<16xi32>
        %shift_right_arithmetic3A_595 = arith.shrsi %bitcast_convert_type3A_589, %shift_right_arithmetic3A_594 : vector<16xi32>
        %and3A_596 = arith.constant 1 : i32
        %and3A_597 = vector.broadcast %and3A_596 : i32 to vector<16xi32>
        %and3A_598 = arith.andi %shift_right_arithmetic3A_595, %and3A_597 : vector<16xi32>
        %add3A_599 = arith.addi %add3A_592, %and3A_598 : vector<16xi32>
        %and3A_600 = arith.constant -65536 : i32
        %and3A_601 = vector.broadcast %and3A_600 : i32 to vector<16xi32>
        %and3A_602 = arith.andi %add3A_599, %and3A_601 : vector<16xi32>
        %bitcast_convert_type3A_603 = tpu.bitcast %and3A_602 : vector<16xi32> -> vector<16xf32>
        %mul3A_604 = arith.mulf %bitcast_convert_type3A_588, %bitcast_convert_type3A_558 : vector<16xf32>
        %bitcast_convert_type3A_605 = tpu.bitcast %mul3A_604 : vector<16xf32> -> vector<16xi32>
        %add3A_606 = arith.constant 32767 : i32
        %add3A_607 = vector.broadcast %add3A_606 : i32 to vector<16xi32>
        %add3A_608 = arith.addi %bitcast_convert_type3A_605, %add3A_607 : vector<16xi32>
        %shift_right_arithmetic3A_609 = arith.constant 16 : i32
        %shift_right_arithmetic3A_610 = vector.broadcast %shift_right_arithmetic3A_609 : i32 to vector<16xi32>
        %shift_right_arithmetic3A_611 = arith.shrsi %bitcast_convert_type3A_605, %shift_right_arithmetic3A_610 : vector<16xi32>
        %and3A_612 = arith.constant 1 : i32
        %and3A_613 = vector.broadcast %and3A_612 : i32 to vector<16xi32>
        %and3A_614 = arith.andi %shift_right_arithmetic3A_611, %and3A_613 : vector<16xi32>
        %add3A_615 = arith.addi %add3A_608, %and3A_614 : vector<16xi32>
        %and3A_616 = arith.constant -65536 : i32
        %and3A_617 = vector.broadcast %and3A_616 : i32 to vector<16xi32>
        %and3A_618 = arith.andi %add3A_615, %and3A_617 : vector<16xi32>
        %bitcast_convert_type3A_619 = tpu.bitcast %and3A_618 : vector<16xi32> -> vector<16xf32>
        %mul3A_620 = arith.mulf %bitcast_convert_type3A_588, %bitcast_convert_type3A_573 : vector<16xf32>
        %bitcast_convert_type3A_621 = tpu.bitcast %mul3A_620 : vector<16xf32> -> vector<16xi32>
        %add3A_622 = arith.constant 32767 : i32
        %add3A_623 = vector.broadcast %add3A_622 : i32 to vector<16xi32>
        %add3A_624 = arith.addi %bitcast_convert_type3A_621, %add3A_623 : vector<16xi32>
        %shift_right_arithmetic3A_625 = arith.constant 16 : i32
        %shift_right_arithmetic3A_626 = vector.broadcast %shift_right_arithmetic3A_625 : i32 to vector<16xi32>
        %shift_right_arithmetic3A_627 = arith.shrsi %bitcast_convert_type3A_621, %shift_right_arithmetic3A_626 : vector<16xi32>
        %and3A_628 = arith.constant 1 : i32
        %and3A_629 = vector.broadcast %and3A_628 : i32 to vector<16xi32>
        %and3A_630 = arith.andi %shift_right_arithmetic3A_627, %and3A_629 : vector<16xi32>
        %add3A_631 = arith.addi %add3A_624, %and3A_630 : vector<16xi32>
        %and3A_632 = arith.constant -65536 : i32
        %and3A_633 = vector.broadcast %and3A_632 : i32 to vector<16xi32>
        %and3A_634 = arith.andi %add3A_631, %and3A_633 : vector<16xi32>
        %bitcast_convert_type3A_635 = tpu.bitcast %and3A_634 : vector<16xi32> -> vector<16xf32>
        %mul3A_636 = arith.mulf %bitcast_convert_type3A_603, %bitcast_convert_type3A_558 : vector<16xf32>
        %bitcast_convert_type3A_637 = tpu.bitcast %mul3A_636 : vector<16xf32> -> vector<16xi32>
        %add3A_638 = arith.constant 32767 : i32
        %add3A_639 = vector.broadcast %add3A_638 : i32 to vector<16xi32>
        %add3A_640 = arith.addi %bitcast_convert_type3A_637, %add3A_639 : vector<16xi32>
        %shift_right_arithmetic3A_641 = arith.constant 16 : i32
        %shift_right_arithmetic3A_642 = vector.broadcast %shift_right_arithmetic3A_641 : i32 to vector<16xi32>
        %shift_right_arithmetic3A_643 = arith.shrsi %bitcast_convert_type3A_637, %shift_right_arithmetic3A_642 : vector<16xi32>
        %and3A_644 = arith.constant 1 : i32
        %and3A_645 = vector.broadcast %and3A_644 : i32 to vector<16xi32>
        %and3A_646 = arith.andi %shift_right_arithmetic3A_643, %and3A_645 : vector<16xi32>
        %add3A_647 = arith.addi %add3A_640, %and3A_646 : vector<16xi32>
        %and3A_648 = arith.constant -65536 : i32
        %and3A_649 = vector.broadcast %and3A_648 : i32 to vector<16xi32>
        %and3A_650 = arith.andi %add3A_647, %and3A_649 : vector<16xi32>
        %bitcast_convert_type3A_651 = tpu.bitcast %and3A_650 : vector<16xi32> -> vector<16xf32>
        %mul3A_652 = arith.mulf %bitcast_convert_type3A_603, %bitcast_convert_type3A_573 : vector<16xf32>
        %bitcast_convert_type3A_653 = tpu.bitcast %mul3A_652 : vector<16xf32> -> vector<16xi32>
        %add3A_654 = arith.constant 32767 : i32
        %add3A_655 = vector.broadcast %add3A_654 : i32 to vector<16xi32>
        %add3A_656 = arith.addi %bitcast_convert_type3A_653, %add3A_655 : vector<16xi32>
        %shift_right_arithmetic3A_657 = arith.constant 16 : i32
        %shift_right_arithmetic3A_658 = vector.broadcast %shift_right_arithmetic3A_657 : i32 to vector<16xi32>
        %shift_right_arithmetic3A_659 = arith.shrsi %bitcast_convert_type3A_653, %shift_right_arithmetic3A_658 : vector<16xi32>
        %and3A_660 = arith.constant 1 : i32
        %and3A_661 = vector.broadcast %and3A_660 : i32 to vector<16xi32>
        %and3A_662 = arith.andi %shift_right_arithmetic3A_659, %and3A_661 : vector<16xi32>
        %add3A_663 = arith.addi %add3A_656, %and3A_662 : vector<16xi32>
        %and3A_664 = arith.constant -65536 : i32
        %and3A_665 = vector.broadcast %and3A_664 : i32 to vector<16xi32>
        %and3A_666 = arith.andi %add3A_663, %and3A_665 : vector<16xi32>
        %bitcast_convert_type3A_667 = tpu.bitcast %and3A_666 : vector<16xi32> -> vector<16xf32>
        %mul3A_668 = arith.mulf %bitcast_convert_type3A_635, %bitcast_convert_type3A_543 : vector<16xf32>
        %mul3A_669 = arith.mulf %bitcast_convert_type3A_603, %bitcast_convert_type3A_528 : vector<16xf32>
        %sub3A_670 = arith.subf %mul3A_668, %mul3A_669 : vector<16xf32>
        %mul3A_671 = arith.mulf %bitcast_convert_type3A_635, %bitcast_convert_type3A_528 : vector<16xf32>
        %mul3A_672 = arith.mulf %bitcast_convert_type3A_603, %bitcast_convert_type3A_543 : vector<16xf32>
        %add3A_673 = arith.addf %mul3A_671, %mul3A_672 : vector<16xf32>
        %mul3A_674 = arith.mulf %bitcast_convert_type3A_667, %bitcast_convert_type3A_543 : vector<16xf32>
        %mul3A_675 = arith.mulf %bitcast_convert_type3A_588, %bitcast_convert_type3A_528 : vector<16xf32>
        %add3A_676 = arith.addf %mul3A_674, %mul3A_675 : vector<16xf32>
        %mul3A_677 = arith.mulf %bitcast_convert_type3A_667, %bitcast_convert_type3A_528 : vector<16xf32>
        %mul3A_678 = arith.mulf %bitcast_convert_type3A_588, %bitcast_convert_type3A_543 : vector<16xf32>
        %sub3A_679 = arith.subf %mul3A_677, %mul3A_678 : vector<16xf32>
        %neg3A_680 = arith.constant 0.000000e+00 : f32
        %neg3A_681 = vector.broadcast %neg3A_680 : f32 to vector<16xf32>
        %neg3A_682 = arith.subf %neg3A_681, %bitcast_convert_type3A_573 : vector<16xf32>
        %mul3A_683 = arith.mulf %bitcast_convert_type3A_558, %bitcast_convert_type3A_543 : vector<16xf32>
        %mul3A_684 = arith.mulf %bitcast_convert_type3A_558, %bitcast_convert_type3A_528 : vector<16xf32>
        %bitcast_convert_type3A_685 = tpu.bitcast %bitcast_convert_type3A_619 : vector<16xf32> -> vector<16xi32>
        %add3A_686 = arith.constant 32767 : i32
        %add3A_687 = vector.broadcast %add3A_686 : i32 to vector<16xi32>
        %add3A_688 = arith.addi %bitcast_convert_type3A_685, %add3A_687 : vector<16xi32>
        %shift_right_arithmetic3A_689 = arith.constant 16 : i32
        %shift_right_arithmetic3A_690 = vector.broadcast %shift_right_arithmetic3A_689 : i32 to vector<16xi32>
        %shift_right_arithmetic3A_691 = arith.shrsi %bitcast_convert_type3A_685, %shift_right_arithmetic3A_690 : vector<16xi32>
        %and3A_692 = arith.constant 1 : i32
        %and3A_693 = vector.broadcast %and3A_692 : i32 to vector<16xi32>
        %and3A_694 = arith.andi %shift_right_arithmetic3A_691, %and3A_693 : vector<16xi32>
        %add3A_695 = arith.addi %add3A_688, %and3A_694 : vector<16xi32>
        %and3A_696 = arith.constant -65536 : i32
        %and3A_697 = vector.broadcast %and3A_696 : i32 to vector<16xi32>
        %and3A_698 = arith.andi %add3A_695, %and3A_697 : vector<16xi32>
        %bitcast_convert_type3A_699 = tpu.bitcast %and3A_698 : vector<16xi32> -> vector<16xf32>
        %bitcast_convert_type3A_700 = tpu.bitcast %sub3A_670 : vector<16xf32> -> vector<16xi32>
        %add3A_701 = arith.constant 32767 : i32
        %add3A_702 = vector.broadcast %add3A_701 : i32 to vector<16xi32>
        %add3A_703 = arith.addi %bitcast_convert_type3A_700, %add3A_702 : vector<16xi32>
        %shift_right_arithmetic3A_704 = arith.constant 16 : i32
        %shift_right_arithmetic3A_705 = vector.broadcast %shift_right_arithmetic3A_704 : i32 to vector<16xi32>
        %shift_right_arithmetic3A_706 = arith.shrsi %bitcast_convert_type3A_700, %shift_right_arithmetic3A_705 : vector<16xi32>
        %and3A_707 = arith.constant 1 : i32
        %and3A_708 = vector.broadcast %and3A_707 : i32 to vector<16xi32>
        %and3A_709 = arith.andi %shift_right_arithmetic3A_706, %and3A_708 : vector<16xi32>
        %add3A_710 = arith.addi %add3A_703, %and3A_709 : vector<16xi32>
        %and3A_711 = arith.constant -65536 : i32
        %and3A_712 = vector.broadcast %and3A_711 : i32 to vector<16xi32>
        %and3A_713 = arith.andi %add3A_710, %and3A_712 : vector<16xi32>
        %bitcast_convert_type3A_714 = tpu.bitcast %and3A_713 : vector<16xi32> -> vector<16xf32>
        %bitcast_convert_type3A_715 = tpu.bitcast %add3A_673 : vector<16xf32> -> vector<16xi32>
        %add3A_716 = arith.constant 32767 : i32
        %add3A_717 = vector.broadcast %add3A_716 : i32 to vector<16xi32>
        %add3A_718 = arith.addi %bitcast_convert_type3A_715, %add3A_717 : vector<16xi32>
        %shift_right_arithmetic3A_719 = arith.constant 16 : i32
        %shift_right_arithmetic3A_720 = vector.broadcast %shift_right_arithmetic3A_719 : i32 to vector<16xi32>
        %shift_right_arithmetic3A_721 = arith.shrsi %bitcast_convert_type3A_715, %shift_right_arithmetic3A_720 : vector<16xi32>
        %and3A_722 = arith.constant 1 : i32
        %and3A_723 = vector.broadcast %and3A_722 : i32 to vector<16xi32>
        %and3A_724 = arith.andi %shift_right_arithmetic3A_721, %and3A_723 : vector<16xi32>
        %add3A_725 = arith.addi %add3A_718, %and3A_724 : vector<16xi32>
        %and3A_726 = arith.constant -65536 : i32
        %and3A_727 = vector.broadcast %and3A_726 : i32 to vector<16xi32>
        %and3A_728 = arith.andi %add3A_725, %and3A_727 : vector<16xi32>
        %bitcast_convert_type3A_729 = tpu.bitcast %and3A_728 : vector<16xi32> -> vector<16xf32>
        %bitcast_convert_type3A_730 = tpu.bitcast %bitcast_convert_type3A_651 : vector<16xf32> -> vector<16xi32>
        %add3A_731 = arith.constant 32767 : i32
        %add3A_732 = vector.broadcast %add3A_731 : i32 to vector<16xi32>
        %add3A_733 = arith.addi %bitcast_convert_type3A_730, %add3A_732 : vector<16xi32>
        %shift_right_arithmetic3A_734 = arith.constant 16 : i32
        %shift_right_arithmetic3A_735 = vector.broadcast %shift_right_arithmetic3A_734 : i32 to vector<16xi32>
        %shift_right_arithmetic3A_736 = arith.shrsi %bitcast_convert_type3A_730, %shift_right_arithmetic3A_735 : vector<16xi32>
        %and3A_737 = arith.constant 1 : i32
        %and3A_738 = vector.broadcast %and3A_737 : i32 to vector<16xi32>
        %and3A_739 = arith.andi %shift_right_arithmetic3A_736, %and3A_738 : vector<16xi32>
        %add3A_740 = arith.addi %add3A_733, %and3A_739 : vector<16xi32>
        %and3A_741 = arith.constant -65536 : i32
        %and3A_742 = vector.broadcast %and3A_741 : i32 to vector<16xi32>
        %and3A_743 = arith.andi %add3A_740, %and3A_742 : vector<16xi32>
        %bitcast_convert_type3A_744 = tpu.bitcast %and3A_743 : vector<16xi32> -> vector<16xf32>
        %bitcast_convert_type3A_745 = tpu.bitcast %add3A_676 : vector<16xf32> -> vector<16xi32>
        %add3A_746 = arith.constant 32767 : i32
        %add3A_747 = vector.broadcast %add3A_746 : i32 to vector<16xi32>
        %add3A_748 = arith.addi %bitcast_convert_type3A_745, %add3A_747 : vector<16xi32>
        %shift_right_arithmetic3A_749 = arith.constant 16 : i32
        %shift_right_arithmetic3A_750 = vector.broadcast %shift_right_arithmetic3A_749 : i32 to vector<16xi32>
        %shift_right_arithmetic3A_751 = arith.shrsi %bitcast_convert_type3A_745, %shift_right_arithmetic3A_750 : vector<16xi32>
        %and3A_752 = arith.constant 1 : i32
        %and3A_753 = vector.broadcast %and3A_752 : i32 to vector<16xi32>
        %and3A_754 = arith.andi %shift_right_arithmetic3A_751, %and3A_753 : vector<16xi32>
        %add3A_755 = arith.addi %add3A_748, %and3A_754 : vector<16xi32>
        %and3A_756 = arith.constant -65536 : i32
        %and3A_757 = vector.broadcast %and3A_756 : i32 to vector<16xi32>
        %and3A_758 = arith.andi %add3A_755, %and3A_757 : vector<16xi32>
        %bitcast_convert_type3A_759 = tpu.bitcast %and3A_758 : vector<16xi32> -> vector<16xf32>
        %bitcast_convert_type3A_760 = tpu.bitcast %sub3A_679 : vector<16xf32> -> vector<16xi32>
        %add3A_761 = arith.constant 32767 : i32
        %add3A_762 = vector.broadcast %add3A_761 : i32 to vector<16xi32>
        %add3A_763 = arith.addi %bitcast_convert_type3A_760, %add3A_762 : vector<16xi32>
        %shift_right_arithmetic3A_764 = arith.constant 16 : i32
        %shift_right_arithmetic3A_765 = vector.broadcast %shift_right_arithmetic3A_764 : i32 to vector<16xi32>
        %shift_right_arithmetic3A_766 = arith.shrsi %bitcast_convert_type3A_760, %shift_right_arithmetic3A_765 : vector<16xi32>
        %and3A_767 = arith.constant 1 : i32
        %and3A_768 = vector.broadcast %and3A_767 : i32 to vector<16xi32>
        %and3A_769 = arith.andi %shift_right_arithmetic3A_766, %and3A_768 : vector<16xi32>
        %add3A_770 = arith.addi %add3A_763, %and3A_769 : vector<16xi32>
        %and3A_771 = arith.constant -65536 : i32
        %and3A_772 = vector.broadcast %and3A_771 : i32 to vector<16xi32>
        %and3A_773 = arith.andi %add3A_770, %and3A_772 : vector<16xi32>
        %bitcast_convert_type3A_774 = tpu.bitcast %and3A_773 : vector<16xi32> -> vector<16xf32>
        %bitcast_convert_type3A_775 = tpu.bitcast %neg3A_682 : vector<16xf32> -> vector<16xi32>
        %add3A_776 = arith.constant 32767 : i32
        %add3A_777 = vector.broadcast %add3A_776 : i32 to vector<16xi32>
        %add3A_778 = arith.addi %bitcast_convert_type3A_775, %add3A_777 : vector<16xi32>
        %shift_right_arithmetic3A_779 = arith.constant 16 : i32
        %shift_right_arithmetic3A_780 = vector.broadcast %shift_right_arithmetic3A_779 : i32 to vector<16xi32>
        %shift_right_arithmetic3A_781 = arith.shrsi %bitcast_convert_type3A_775, %shift_right_arithmetic3A_780 : vector<16xi32>
        %and3A_782 = arith.constant 1 : i32
        %and3A_783 = vector.broadcast %and3A_782 : i32 to vector<16xi32>
        %and3A_784 = arith.andi %shift_right_arithmetic3A_781, %and3A_783 : vector<16xi32>
        %add3A_785 = arith.addi %add3A_778, %and3A_784 : vector<16xi32>
        %and3A_786 = arith.constant -65536 : i32
        %and3A_787 = vector.broadcast %and3A_786 : i32 to vector<16xi32>
        %and3A_788 = arith.andi %add3A_785, %and3A_787 : vector<16xi32>
        %bitcast_convert_type3A_789 = tpu.bitcast %and3A_788 : vector<16xi32> -> vector<16xf32>
        %bitcast_convert_type3A_790 = tpu.bitcast %mul3A_683 : vector<16xf32> -> vector<16xi32>
        %add3A_791 = arith.constant 32767 : i32
        %add3A_792 = vector.broadcast %add3A_791 : i32 to vector<16xi32>
        %add3A_793 = arith.addi %bitcast_convert_type3A_790, %add3A_792 : vector<16xi32>
        %shift_right_arithmetic3A_794 = arith.constant 16 : i32
        %shift_right_arithmetic3A_795 = vector.broadcast %shift_right_arithmetic3A_794 : i32 to vector<16xi32>
        %shift_right_arithmetic3A_796 = arith.shrsi %bitcast_convert_type3A_790, %shift_right_arithmetic3A_795 : vector<16xi32>
        %and3A_797 = arith.constant 1 : i32
        %and3A_798 = vector.broadcast %and3A_797 : i32 to vector<16xi32>
        %and3A_799 = arith.andi %shift_right_arithmetic3A_796, %and3A_798 : vector<16xi32>
        %add3A_800 = arith.addi %add3A_793, %and3A_799 : vector<16xi32>
        %and3A_801 = arith.constant -65536 : i32
        %and3A_802 = vector.broadcast %and3A_801 : i32 to vector<16xi32>
        %and3A_803 = arith.andi %add3A_800, %and3A_802 : vector<16xi32>
        %bitcast_convert_type3A_804 = tpu.bitcast %and3A_803 : vector<16xi32> -> vector<16xf32>
        %bitcast_convert_type3A_805 = tpu.bitcast %mul3A_684 : vector<16xf32> -> vector<16xi32>
        %add3A_806 = arith.constant 32767 : i32
        %add3A_807 = vector.broadcast %add3A_806 : i32 to vector<16xi32>
        %add3A_808 = arith.addi %bitcast_convert_type3A_805, %add3A_807 : vector<16xi32>
        %shift_right_arithmetic3A_809 = arith.constant 16 : i32
        %shift_right_arithmetic3A_810 = vector.broadcast %shift_right_arithmetic3A_809 : i32 to vector<16xi32>
        %shift_right_arithmetic3A_811 = arith.shrsi %bitcast_convert_type3A_805, %shift_right_arithmetic3A_810 : vector<16xi32>
        %and3A_812 = arith.constant 1 : i32
        %and3A_813 = vector.broadcast %and3A_812 : i32 to vector<16xi32>
        %and3A_814 = arith.andi %shift_right_arithmetic3A_811, %and3A_813 : vector<16xi32>
        %add3A_815 = arith.addi %add3A_808, %and3A_814 : vector<16xi32>
        %and3A_816 = arith.constant -65536 : i32
        %and3A_817 = vector.broadcast %and3A_816 : i32 to vector<16xi32>
        %and3A_818 = arith.andi %add3A_815, %and3A_817 : vector<16xi32>
        %bitcast_convert_type3A_819 = tpu.bitcast %and3A_818 : vector<16xi32> -> vector<16xf32>
        %bitcast_convert_type3A_820 = tpu.bitcast %add3A_235 : vector<16xf32> -> vector<16xi32>
        %add3A_821 = arith.constant 32767 : i32
        %add3A_822 = vector.broadcast %add3A_821 : i32 to vector<16xi32>
        %add3A_823 = arith.addi %bitcast_convert_type3A_820, %add3A_822 : vector<16xi32>
        %shift_right_arithmetic3A_824 = arith.constant 16 : i32
        %shift_right_arithmetic3A_825 = vector.broadcast %shift_right_arithmetic3A_824 : i32 to vector<16xi32>
        %shift_right_arithmetic3A_826 = arith.shrsi %bitcast_convert_type3A_820, %shift_right_arithmetic3A_825 : vector<16xi32>
        %and3A_827 = arith.constant 1 : i32
        %and3A_828 = vector.broadcast %and3A_827 : i32 to vector<16xi32>
        %and3A_829 = arith.andi %shift_right_arithmetic3A_826, %and3A_828 : vector<16xi32>
        %add3A_830 = arith.addi %add3A_823, %and3A_829 : vector<16xi32>
        %and3A_831 = arith.constant -65536 : i32
        %and3A_832 = vector.broadcast %and3A_831 : i32 to vector<16xi32>
        %and3A_833 = arith.andi %add3A_830, %and3A_832 : vector<16xi32>
        %bitcast_convert_type3A_834 = tpu.bitcast %and3A_833 : vector<16xi32> -> vector<16xf32>
        %bitcast_convert_type3A_835 = tpu.bitcast %sub3A_238 : vector<16xf32> -> vector<16xi32>
        %add3A_836 = arith.constant 32767 : i32
        %add3A_837 = vector.broadcast %add3A_836 : i32 to vector<16xi32>
        %add3A_838 = arith.addi %bitcast_convert_type3A_835, %add3A_837 : vector<16xi32>
        %shift_right_arithmetic3A_839 = arith.constant 16 : i32
        %shift_right_arithmetic3A_840 = vector.broadcast %shift_right_arithmetic3A_839 : i32 to vector<16xi32>
        %shift_right_arithmetic3A_841 = arith.shrsi %bitcast_convert_type3A_835, %shift_right_arithmetic3A_840 : vector<16xi32>
        %and3A_842 = arith.constant 1 : i32
        %and3A_843 = vector.broadcast %and3A_842 : i32 to vector<16xi32>
        %and3A_844 = arith.andi %shift_right_arithmetic3A_841, %and3A_843 : vector<16xi32>
        %add3A_845 = arith.addi %add3A_838, %and3A_844 : vector<16xi32>
        %and3A_846 = arith.constant -65536 : i32
        %and3A_847 = vector.broadcast %and3A_846 : i32 to vector<16xi32>
        %and3A_848 = arith.andi %add3A_845, %and3A_847 : vector<16xi32>
        %bitcast_convert_type3A_849 = tpu.bitcast %and3A_848 : vector<16xi32> -> vector<16xf32>
        %bitcast_convert_type3A_850 = tpu.bitcast %add3A_241 : vector<16xf32> -> vector<16xi32>
        %add3A_851 = arith.constant 32767 : i32
        %add3A_852 = vector.broadcast %add3A_851 : i32 to vector<16xi32>
        %add3A_853 = arith.addi %bitcast_convert_type3A_850, %add3A_852 : vector<16xi32>
        %shift_right_arithmetic3A_854 = arith.constant 16 : i32
        %shift_right_arithmetic3A_855 = vector.broadcast %shift_right_arithmetic3A_854 : i32 to vector<16xi32>
        %shift_right_arithmetic3A_856 = arith.shrsi %bitcast_convert_type3A_850, %shift_right_arithmetic3A_855 : vector<16xi32>
        %and3A_857 = arith.constant 1 : i32
        %and3A_858 = vector.broadcast %and3A_857 : i32 to vector<16xi32>
        %and3A_859 = arith.andi %shift_right_arithmetic3A_856, %and3A_858 : vector<16xi32>
        %add3A_860 = arith.addi %add3A_853, %and3A_859 : vector<16xi32>
        %and3A_861 = arith.constant -65536 : i32
        %and3A_862 = vector.broadcast %and3A_861 : i32 to vector<16xi32>
        %and3A_863 = arith.andi %add3A_860, %and3A_862 : vector<16xi32>
        %bitcast_convert_type3A_864 = tpu.bitcast %and3A_863 : vector<16xi32> -> vector<16xf32>
        %bitcast_convert_type3A_865 = tpu.bitcast %add3A_244 : vector<16xf32> -> vector<16xi32>
        %add3A_866 = arith.constant 32767 : i32
        %add3A_867 = vector.broadcast %add3A_866 : i32 to vector<16xi32>
        %add3A_868 = arith.addi %bitcast_convert_type3A_865, %add3A_867 : vector<16xi32>
        %shift_right_arithmetic3A_869 = arith.constant 16 : i32
        %shift_right_arithmetic3A_870 = vector.broadcast %shift_right_arithmetic3A_869 : i32 to vector<16xi32>
        %shift_right_arithmetic3A_871 = arith.shrsi %bitcast_convert_type3A_865, %shift_right_arithmetic3A_870 : vector<16xi32>
        %and3A_872 = arith.constant 1 : i32
        %and3A_873 = vector.broadcast %and3A_872 : i32 to vector<16xi32>
        %and3A_874 = arith.andi %shift_right_arithmetic3A_871, %and3A_873 : vector<16xi32>
        %add3A_875 = arith.addi %add3A_868, %and3A_874 : vector<16xi32>
        %and3A_876 = arith.constant -65536 : i32
        %and3A_877 = vector.broadcast %and3A_876 : i32 to vector<16xi32>
        %and3A_878 = arith.andi %add3A_875, %and3A_877 : vector<16xi32>
        %bitcast_convert_type3A_879 = tpu.bitcast %and3A_878 : vector<16xi32> -> vector<16xf32>
        %bitcast_convert_type3A_880 = tpu.bitcast %add3A_246 : vector<16xf32> -> vector<16xi32>
        %add3A_881 = arith.constant 32767 : i32
        %add3A_882 = vector.broadcast %add3A_881 : i32 to vector<16xi32>
        %add3A_883 = arith.addi %bitcast_convert_type3A_880, %add3A_882 : vector<16xi32>
        %shift_right_arithmetic3A_884 = arith.constant 16 : i32
        %shift_right_arithmetic3A_885 = vector.broadcast %shift_right_arithmetic3A_884 : i32 to vector<16xi32>
        %shift_right_arithmetic3A_886 = arith.shrsi %bitcast_convert_type3A_880, %shift_right_arithmetic3A_885 : vector<16xi32>
        %and3A_887 = arith.constant 1 : i32
        %and3A_888 = vector.broadcast %and3A_887 : i32 to vector<16xi32>
        %and3A_889 = arith.andi %shift_right_arithmetic3A_886, %and3A_888 : vector<16xi32>
        %add3A_890 = arith.addi %add3A_883, %and3A_889 : vector<16xi32>
        %and3A_891 = arith.constant -65536 : i32
        %and3A_892 = vector.broadcast %and3A_891 : i32 to vector<16xi32>
        %and3A_893 = arith.andi %add3A_890, %and3A_892 : vector<16xi32>
        %bitcast_convert_type3A_894 = tpu.bitcast %and3A_893 : vector<16xi32> -> vector<16xf32>
        %bitcast_convert_type3A_895 = tpu.bitcast %sub3A_249 : vector<16xf32> -> vector<16xi32>
        %add3A_896 = arith.constant 32767 : i32
        %add3A_897 = vector.broadcast %add3A_896 : i32 to vector<16xi32>
        %add3A_898 = arith.addi %bitcast_convert_type3A_895, %add3A_897 : vector<16xi32>
        %shift_right_arithmetic3A_899 = arith.constant 16 : i32
        %shift_right_arithmetic3A_900 = vector.broadcast %shift_right_arithmetic3A_899 : i32 to vector<16xi32>
        %shift_right_arithmetic3A_901 = arith.shrsi %bitcast_convert_type3A_895, %shift_right_arithmetic3A_900 : vector<16xi32>
        %and3A_902 = arith.constant 1 : i32
        %and3A_903 = vector.broadcast %and3A_902 : i32 to vector<16xi32>
        %and3A_904 = arith.andi %shift_right_arithmetic3A_901, %and3A_903 : vector<16xi32>
        %add3A_905 = arith.addi %add3A_898, %and3A_904 : vector<16xi32>
        %and3A_906 = arith.constant -65536 : i32
        %and3A_907 = vector.broadcast %and3A_906 : i32 to vector<16xi32>
        %and3A_908 = arith.andi %add3A_905, %and3A_907 : vector<16xi32>
        %bitcast_convert_type3A_909 = tpu.bitcast %and3A_908 : vector<16xi32> -> vector<16xf32>
        %bitcast_convert_type3A_910 = tpu.bitcast %sub3A_252 : vector<16xf32> -> vector<16xi32>
        %add3A_911 = arith.constant 32767 : i32
        %add3A_912 = vector.broadcast %add3A_911 : i32 to vector<16xi32>
        %add3A_913 = arith.addi %bitcast_convert_type3A_910, %add3A_912 : vector<16xi32>
        %shift_right_arithmetic3A_914 = arith.constant 16 : i32
        %shift_right_arithmetic3A_915 = vector.broadcast %shift_right_arithmetic3A_914 : i32 to vector<16xi32>
        %shift_right_arithmetic3A_916 = arith.shrsi %bitcast_convert_type3A_910, %shift_right_arithmetic3A_915 : vector<16xi32>
        %and3A_917 = arith.constant 1 : i32
        %and3A_918 = vector.broadcast %and3A_917 : i32 to vector<16xi32>
        %and3A_919 = arith.andi %shift_right_arithmetic3A_916, %and3A_918 : vector<16xi32>
        %add3A_920 = arith.addi %add3A_913, %and3A_919 : vector<16xi32>
        %and3A_921 = arith.constant -65536 : i32
        %and3A_922 = vector.broadcast %and3A_921 : i32 to vector<16xi32>
        %and3A_923 = arith.andi %add3A_920, %and3A_922 : vector<16xi32>
        %bitcast_convert_type3A_924 = tpu.bitcast %and3A_923 : vector<16xi32> -> vector<16xf32>
        %bitcast_convert_type3A_925 = tpu.bitcast %add3A_255 : vector<16xf32> -> vector<16xi32>
        %add3A_926 = arith.constant 32767 : i32
        %add3A_927 = vector.broadcast %add3A_926 : i32 to vector<16xi32>
        %add3A_928 = arith.addi %bitcast_convert_type3A_925, %add3A_927 : vector<16xi32>
        %shift_right_arithmetic3A_929 = arith.constant 16 : i32
        %shift_right_arithmetic3A_930 = vector.broadcast %shift_right_arithmetic3A_929 : i32 to vector<16xi32>
        %shift_right_arithmetic3A_931 = arith.shrsi %bitcast_convert_type3A_925, %shift_right_arithmetic3A_930 : vector<16xi32>
        %and3A_932 = arith.constant 1 : i32
        %and3A_933 = vector.broadcast %and3A_932 : i32 to vector<16xi32>
        %and3A_934 = arith.andi %shift_right_arithmetic3A_931, %and3A_933 : vector<16xi32>
        %add3A_935 = arith.addi %add3A_928, %and3A_934 : vector<16xi32>
        %and3A_936 = arith.constant -65536 : i32
        %and3A_937 = vector.broadcast %and3A_936 : i32 to vector<16xi32>
        %and3A_938 = arith.andi %add3A_935, %and3A_937 : vector<16xi32>
        %bitcast_convert_type3A_939 = tpu.bitcast %and3A_938 : vector<16xi32> -> vector<16xf32>
        %bitcast_convert_type3A_940 = tpu.bitcast %add3A_257 : vector<16xf32> -> vector<16xi32>
        %add3A_941 = arith.constant 32767 : i32
        %add3A_942 = vector.broadcast %add3A_941 : i32 to vector<16xi32>
        %add3A_943 = arith.addi %bitcast_convert_type3A_940, %add3A_942 : vector<16xi32>
        %shift_right_arithmetic3A_944 = arith.constant 16 : i32
        %shift_right_arithmetic3A_945 = vector.broadcast %shift_right_arithmetic3A_944 : i32 to vector<16xi32>
        %shift_right_arithmetic3A_946 = arith.shrsi %bitcast_convert_type3A_940, %shift_right_arithmetic3A_945 : vector<16xi32>
        %and3A_947 = arith.constant 1 : i32
        %and3A_948 = vector.broadcast %and3A_947 : i32 to vector<16xi32>
        %and3A_949 = arith.andi %shift_right_arithmetic3A_946, %and3A_948 : vector<16xi32>
        %add3A_950 = arith.addi %add3A_943, %and3A_949 : vector<16xi32>
        %and3A_951 = arith.constant -65536 : i32
        %and3A_952 = vector.broadcast %and3A_951 : i32 to vector<16xi32>
        %and3A_953 = arith.andi %add3A_950, %and3A_952 : vector<16xi32>
        %bitcast_convert_type3A_954 = tpu.bitcast %and3A_953 : vector<16xi32> -> vector<16xf32>
        %mul3A_955 = arith.mulf %bitcast_convert_type3A_699, %bitcast_convert_type3A_834 : vector<16xf32>
        %mul3A_956 = arith.mulf %bitcast_convert_type3A_714, %bitcast_convert_type3A_879 : vector<16xf32>
        %add3A_957 = arith.addf %mul3A_955, %mul3A_956 : vector<16xf32>
        %mul3A_958 = arith.mulf %bitcast_convert_type3A_729, %bitcast_convert_type3A_924 : vector<16xf32>
        %add3A_959 = arith.addf %add3A_957, %mul3A_958 : vector<16xf32>
        %mul3A_960 = arith.mulf %bitcast_convert_type3A_699, %bitcast_convert_type3A_849 : vector<16xf32>
        %mul3A_961 = arith.mulf %bitcast_convert_type3A_714, %bitcast_convert_type3A_894 : vector<16xf32>
        %add3A_962 = arith.addf %mul3A_960, %mul3A_961 : vector<16xf32>
        %mul3A_963 = arith.mulf %bitcast_convert_type3A_729, %bitcast_convert_type3A_939 : vector<16xf32>
        %add3A_964 = arith.addf %add3A_962, %mul3A_963 : vector<16xf32>
        %mul3A_965 = arith.mulf %bitcast_convert_type3A_699, %bitcast_convert_type3A_864 : vector<16xf32>
        %mul3A_966 = arith.mulf %bitcast_convert_type3A_714, %bitcast_convert_type3A_909 : vector<16xf32>
        %add3A_967 = arith.addf %mul3A_965, %mul3A_966 : vector<16xf32>
        %mul3A_968 = arith.mulf %bitcast_convert_type3A_729, %bitcast_convert_type3A_954 : vector<16xf32>
        %add3A_969 = arith.addf %add3A_967, %mul3A_968 : vector<16xf32>
        %mul3A_970 = arith.mulf %bitcast_convert_type3A_744, %bitcast_convert_type3A_834 : vector<16xf32>
        %mul3A_971 = arith.mulf %bitcast_convert_type3A_759, %bitcast_convert_type3A_879 : vector<16xf32>
        %add3A_972 = arith.addf %mul3A_970, %mul3A_971 : vector<16xf32>
        %mul3A_973 = arith.mulf %bitcast_convert_type3A_774, %bitcast_convert_type3A_924 : vector<16xf32>
        %add3A_974 = arith.addf %add3A_972, %mul3A_973 : vector<16xf32>
        %mul3A_975 = arith.mulf %bitcast_convert_type3A_744, %bitcast_convert_type3A_849 : vector<16xf32>
        %mul3A_976 = arith.mulf %bitcast_convert_type3A_759, %bitcast_convert_type3A_894 : vector<16xf32>
        %add3A_977 = arith.addf %mul3A_975, %mul3A_976 : vector<16xf32>
        %mul3A_978 = arith.mulf %bitcast_convert_type3A_774, %bitcast_convert_type3A_939 : vector<16xf32>
        %add3A_979 = arith.addf %add3A_977, %mul3A_978 : vector<16xf32>
        %mul3A_980 = arith.mulf %bitcast_convert_type3A_744, %bitcast_convert_type3A_864 : vector<16xf32>
        %mul3A_981 = arith.mulf %bitcast_convert_type3A_759, %bitcast_convert_type3A_909 : vector<16xf32>
        %add3A_982 = arith.addf %mul3A_980, %mul3A_981 : vector<16xf32>
        %mul3A_983 = arith.mulf %bitcast_convert_type3A_774, %bitcast_convert_type3A_954 : vector<16xf32>
        %add3A_984 = arith.addf %add3A_982, %mul3A_983 : vector<16xf32>
        %mul3A_985 = arith.mulf %bitcast_convert_type3A_789, %bitcast_convert_type3A_834 : vector<16xf32>
        %mul3A_986 = arith.mulf %bitcast_convert_type3A_804, %bitcast_convert_type3A_879 : vector<16xf32>
        %add3A_987 = arith.addf %mul3A_985, %mul3A_986 : vector<16xf32>
        %mul3A_988 = arith.mulf %bitcast_convert_type3A_819, %bitcast_convert_type3A_924 : vector<16xf32>
        %add3A_989 = arith.addf %add3A_987, %mul3A_988 : vector<16xf32>
        %mul3A_990 = arith.mulf %bitcast_convert_type3A_789, %bitcast_convert_type3A_849 : vector<16xf32>
        %mul3A_991 = arith.mulf %bitcast_convert_type3A_804, %bitcast_convert_type3A_894 : vector<16xf32>
        %add3A_992 = arith.addf %mul3A_990, %mul3A_991 : vector<16xf32>
        %mul3A_993 = arith.mulf %bitcast_convert_type3A_819, %bitcast_convert_type3A_939 : vector<16xf32>
        %add3A_994 = arith.addf %add3A_992, %mul3A_993 : vector<16xf32>
        %mul3A_995 = arith.mulf %bitcast_convert_type3A_789, %bitcast_convert_type3A_864 : vector<16xf32>
        %mul3A_996 = arith.mulf %bitcast_convert_type3A_804, %bitcast_convert_type3A_909 : vector<16xf32>
        %add3A_997 = arith.addf %mul3A_995, %mul3A_996 : vector<16xf32>
        %mul3A_998 = arith.mulf %bitcast_convert_type3A_819, %bitcast_convert_type3A_954 : vector<16xf32>
        %add3A_999 = arith.addf %add3A_997, %mul3A_998 : vector<16xf32>
        %broadcast_in_dim3A_1000 = arith.constant 0.000000e+00 : f32
        %broadcast_in_dim3A_1001 = vector.broadcast %broadcast_in_dim3A_1000 : f32 to vector<16xf32>
        tpu.vector_store_idx %arg12[%broadcast_in_dim3A_3, %broadcast_in_dim3A_3, %add3A_43], %add3A_959 : memref<3x3x2048xf32, #tpu.memory_space<vmem>>[vector<16xi32>, vector<16xi32>, vector<16xi32>], vector<16xf32>,
        tpu.vector_store_idx %arg12[%broadcast_in_dim3A_3, %broadcast_in_dim3A_5, %add3A_43], %add3A_964 : memref<3x3x2048xf32, #tpu.memory_space<vmem>>[vector<16xi32>, vector<16xi32>, vector<16xi32>], vector<16xf32>,
        tpu.vector_store_idx %arg12[%broadcast_in_dim3A_3, %broadcast_in_dim3A_7, %add3A_43], %add3A_969 : memref<3x3x2048xf32, #tpu.memory_space<vmem>>[vector<16xi32>, vector<16xi32>, vector<16xi32>], vector<16xf32>,
        tpu.vector_store_idx %arg12[%broadcast_in_dim3A_5, %broadcast_in_dim3A_3, %add3A_43], %add3A_974 : memref<3x3x2048xf32, #tpu.memory_space<vmem>>[vector<16xi32>, vector<16xi32>, vector<16xi32>], vector<16xf32>,
        tpu.vector_store_idx %arg12[%broadcast_in_dim3A_5, %broadcast_in_dim3A_5, %add3A_43], %add3A_979 : memref<3x3x2048xf32, #tpu.memory_space<vmem>>[vector<16xi32>, vector<16xi32>, vector<16xi32>], vector<16xf32>,
        tpu.vector_store_idx %arg12[%broadcast_in_dim3A_5, %broadcast_in_dim3A_7, %add3A_43], %add3A_984 : memref<3x3x2048xf32, #tpu.memory_space<vmem>>[vector<16xi32>, vector<16xi32>, vector<16xi32>], vector<16xf32>,
        tpu.vector_store_idx %arg12[%broadcast_in_dim3A_7, %broadcast_in_dim3A_3, %add3A_43], %add3A_989 : memref<3x3x2048xf32, #tpu.memory_space<vmem>>[vector<16xi32>, vector<16xi32>, vector<16xi32>], vector<16xf32>,
        tpu.vector_store_idx %arg12[%broadcast_in_dim3A_7, %broadcast_in_dim3A_5, %add3A_43], %add3A_994 : memref<3x3x2048xf32, #tpu.memory_space<vmem>>[vector<16xi32>, vector<16xi32>, vector<16xi32>], vector<16xf32>,
        tpu.vector_store_idx %arg12[%broadcast_in_dim3A_7, %broadcast_in_dim3A_7, %add3A_43], %add3A_999 : memref<3x3x2048xf32, #tpu.memory_space<vmem>>[vector<16xi32>, vector<16xi32>, vector<16xi32>], vector<16xf32>,
        tpu.vector_store_idx %arg11[%broadcast_in_dim3A_3, %add3A_43], %broadcast_in_dim3A_1001 : memref<3x2048xf32, #tpu.memory_space<vmem>>[vector<16xi32>, vector<16xi32>], vector<16xf32>,
        tpu.vector_store_idx %arg13[%broadcast_in_dim3A_3, %add3A_43], %gather3A_44 : memref<3x2048xf32, #tpu.memory_space<vmem>>[vector<16xi32>, vector<16xi32>], vector<16xf32>,
        tpu.vector_store_idx %arg11[%broadcast_in_dim3A_5, %add3A_43], %broadcast_in_dim3A_1001 : memref<3x2048xf32, #tpu.memory_space<vmem>>[vector<16xi32>, vector<16xi32>], vector<16xf32>,
        tpu.vector_store_idx %arg13[%broadcast_in_dim3A_5, %add3A_43], %gather3A_45 : memref<3x2048xf32, #tpu.memory_space<vmem>>[vector<16xi32>, vector<16xi32>], vector<16xf32>,
        tpu.vector_store_idx %arg11[%broadcast_in_dim3A_7, %add3A_43], %broadcast_in_dim3A_1001 : memref<3x2048xf32, #tpu.memory_space<vmem>>[vector<16xi32>, vector<16xi32>], vector<16xf32>,
        tpu.vector_store_idx %arg13[%broadcast_in_dim3A_7, %add3A_43], %gather3A_46 : memref<3x2048xf32, #tpu.memory_space<vmem>>[vector<16xi32>, vector<16xi32>], vector<16xf32>,
        %scan3A_1002 = arith.constant 1 : i32
        %scan3A_1003 = arith.constant 31 : i32
        %scan3A_1004 = arith.addi %scan3A_1002, %scan3A_1003 : i32
        %scan3A_1005 = arith.constant 1 : i32
        %scan3A_1006:15 = scf.for %scan3A_1008 = %scan3A_1002 to %scan3A_1004 step %scan3A_1005 iter_args(%scan3A_1009 = %add3A_959, %scan3A_1010 = %add3A_964, %scan3A_1011 = %add3A_969, %scan3A_1012 = %add3A_974, %scan3A_1013 = %add3A_979, %scan3A_1014 = %add3A_984, %scan3A_1015 = %add3A_989, %scan3A_1016 = %add3A_994, %scan3A_1017 = %add3A_999, %scan3A_1018 = %broadcast_in_dim3A_1001, %scan3A_1019 = %broadcast_in_dim3A_1001, %scan3A_1020 = %broadcast_in_dim3A_1001, %scan3A_1021 = %gather3A_44, %scan3A_1022 = %gather3A_45, %scan3A_1023 = %gather3A_46) -> (vector<16xf32>, vector<16xf32>, vector<16xf32>, vector<16xf32>, vector<16xf32>, vector<16xf32>, vector<16xf32>, vector<16xf32>, vector<16xf32>, vector<16xf32>, vector<16xf32>, vector<16xf32>, vector<16xf32>, vector<16xf32>, vector<16xf32>)  : i32 {
          %add3A_1024 = vector.broadcast %scan3A_1008 : i32 to vector<16xi32>
          %add3A_1025 = arith.addi %mul3A_40, %add3A_1024 : vector<16xi32>
          %gather3A_1026 = tpu.vector_load_idx %arg9[%broadcast_in_dim3A_1, %add3A_1025] : memref<1x2048xf32, #tpu.memory_space<vmem>>[vector<16xi32>, vector<16xi32>], vector<16xf32>,
          %gather3A_1027 = tpu.vector_load_idx %arg10[%broadcast_in_dim3A_3, %add3A_1025] : memref<6x2048xf32, #tpu.memory_space<vmem>>[vector<16xi32>, vector<16xi32>], vector<16xf32>,
          %gather3A_1028 = tpu.vector_load_idx %arg10[%broadcast_in_dim3A_5, %add3A_1025] : memref<6x2048xf32, #tpu.memory_space<vmem>>[vector<16xi32>, vector<16xi32>], vector<16xf32>,
          %gather3A_1029 = tpu.vector_load_idx %arg10[%broadcast_in_dim3A_7, %add3A_1025] : memref<6x2048xf32, #tpu.memory_space<vmem>>[vector<16xi32>, vector<16xi32>], vector<16xf32>,
          %gather3A_1030 = tpu.vector_load_idx %arg10[%broadcast_in_dim3A_9, %add3A_1025] : memref<6x2048xf32, #tpu.memory_space<vmem>>[vector<16xi32>, vector<16xi32>], vector<16xf32>,
          %gather3A_1031 = tpu.vector_load_idx %arg10[%broadcast_in_dim3A_11, %add3A_1025] : memref<6x2048xf32, #tpu.memory_space<vmem>>[vector<16xi32>, vector<16xi32>], vector<16xf32>,
          %gather3A_1032 = tpu.vector_load_idx %arg10[%broadcast_in_dim3A_13, %add3A_1025] : memref<6x2048xf32, #tpu.memory_space<vmem>>[vector<16xi32>, vector<16xi32>], vector<16xf32>,
          %mul3A_1033 = arith.constant 12 : i32
          %mul3A_1034 = arith.muli %scan3A_1008, %mul3A_1033 : i32
          %add3A_1035 = arith.constant 0 : i32
          %add3A_1036 = arith.addi %mul3A_1034, %add3A_1035 : i32
          %mul3A_1037 = arith.constant 16 : i32
          %mul3A_1038 = arith.muli %add3A_1036, %mul3A_1037 : i32
          %add3A_1039 = vector.broadcast %mul3A_1038 : i32 to vector<16xi32>
          %add3A_1040 = arith.addi %add3A_1039, %iota3A : vector<16xi32>
          %gather3A_1041 = tpu.vector_load_idx %arg8[%add3A_1040] : memref<6144xf32, #tpu.memory_space<vmem>>[vector<16xi32>], vector<16xf32>,
          %mul3A_1042 = arith.constant 12 : i32
          %mul3A_1043 = arith.muli %scan3A_1008, %mul3A_1042 : i32
          %add3A_1044 = arith.constant 1 : i32
          %add3A_1045 = arith.addi %mul3A_1043, %add3A_1044 : i32
          %mul3A_1046 = arith.constant 16 : i32
          %mul3A_1047 = arith.muli %add3A_1045, %mul3A_1046 : i32
          %add3A_1048 = vector.broadcast %mul3A_1047 : i32 to vector<16xi32>
          %add3A_1049 = arith.addi %add3A_1048, %iota3A : vector<16xi32>
          %gather3A_1050 = tpu.vector_load_idx %arg8[%add3A_1049] : memref<6144xf32, #tpu.memory_space<vmem>>[vector<16xi32>], vector<16xf32>,
          %mul3A_1051 = arith.constant 12 : i32
          %mul3A_1052 = arith.muli %scan3A_1008, %mul3A_1051 : i32
          %add3A_1053 = arith.constant 2 : i32
          %add3A_1054 = arith.addi %mul3A_1052, %add3A_1053 : i32
          %mul3A_1055 = arith.constant 16 : i32
          %mul3A_1056 = arith.muli %add3A_1054, %mul3A_1055 : i32
          %add3A_1057 = vector.broadcast %mul3A_1056 : i32 to vector<16xi32>
          %add3A_1058 = arith.addi %add3A_1057, %iota3A : vector<16xi32>
          %gather3A_1059 = tpu.vector_load_idx %arg8[%add3A_1058] : memref<6144xf32, #tpu.memory_space<vmem>>[vector<16xi32>], vector<16xf32>,
          %mul3A_1060 = arith.constant 12 : i32
          %mul3A_1061 = arith.muli %scan3A_1008, %mul3A_1060 : i32
          %add3A_1062 = arith.constant 3 : i32
          %add3A_1063 = arith.addi %mul3A_1061, %add3A_1062 : i32
          %mul3A_1064 = arith.constant 16 : i32
          %mul3A_1065 = arith.muli %add3A_1063, %mul3A_1064 : i32
          %add3A_1066 = vector.broadcast %mul3A_1065 : i32 to vector<16xi32>
          %add3A_1067 = arith.addi %add3A_1066, %iota3A : vector<16xi32>
          %gather3A_1068 = tpu.vector_load_idx %arg8[%add3A_1067] : memref<6144xf32, #tpu.memory_space<vmem>>[vector<16xi32>], vector<16xf32>,
          %mul3A_1069 = arith.constant 12 : i32
          %mul3A_1070 = arith.muli %scan3A_1008, %mul3A_1069 : i32
          %add3A_1071 = arith.constant 4 : i32
          %add3A_1072 = arith.addi %mul3A_1070, %add3A_1071 : i32
          %mul3A_1073 = arith.constant 16 : i32
          %mul3A_1074 = arith.muli %add3A_1072, %mul3A_1073 : i32
          %add3A_1075 = vector.broadcast %mul3A_1074 : i32 to vector<16xi32>
          %add3A_1076 = arith.addi %add3A_1075, %iota3A : vector<16xi32>
          %gather3A_1077 = tpu.vector_load_idx %arg8[%add3A_1076] : memref<6144xf32, #tpu.memory_space<vmem>>[vector<16xi32>], vector<16xf32>,
          %mul3A_1078 = arith.constant 12 : i32
          %mul3A_1079 = arith.muli %scan3A_1008, %mul3A_1078 : i32
          %add3A_1080 = arith.constant 5 : i32
          %add3A_1081 = arith.addi %mul3A_1079, %add3A_1080 : i32
          %mul3A_1082 = arith.constant 16 : i32
          %mul3A_1083 = arith.muli %add3A_1081, %mul3A_1082 : i32
          %add3A_1084 = vector.broadcast %mul3A_1083 : i32 to vector<16xi32>
          %add3A_1085 = arith.addi %add3A_1084, %iota3A : vector<16xi32>
          %gather3A_1086 = tpu.vector_load_idx %arg8[%add3A_1085] : memref<6144xf32, #tpu.memory_space<vmem>>[vector<16xi32>], vector<16xf32>,
          %mul3A_1087 = arith.constant 12 : i32
          %mul3A_1088 = arith.muli %scan3A_1008, %mul3A_1087 : i32
          %add3A_1089 = arith.constant 6 : i32
          %add3A_1090 = arith.addi %mul3A_1088, %add3A_1089 : i32
          %mul3A_1091 = arith.constant 16 : i32
          %mul3A_1092 = arith.muli %add3A_1090, %mul3A_1091 : i32
          %add3A_1093 = vector.broadcast %mul3A_1092 : i32 to vector<16xi32>
          %add3A_1094 = arith.addi %add3A_1093, %iota3A : vector<16xi32>
          %gather3A_1095 = tpu.vector_load_idx %arg8[%add3A_1094] : memref<6144xf32, #tpu.memory_space<vmem>>[vector<16xi32>], vector<16xf32>,
          %mul3A_1096 = arith.constant 12 : i32
          %mul3A_1097 = arith.muli %scan3A_1008, %mul3A_1096 : i32
          %add3A_1098 = arith.constant 7 : i32
          %add3A_1099 = arith.addi %mul3A_1097, %add3A_1098 : i32
          %mul3A_1100 = arith.constant 16 : i32
          %mul3A_1101 = arith.muli %add3A_1099, %mul3A_1100 : i32
          %add3A_1102 = vector.broadcast %mul3A_1101 : i32 to vector<16xi32>
          %add3A_1103 = arith.addi %add3A_1102, %iota3A : vector<16xi32>
          %gather3A_1104 = tpu.vector_load_idx %arg8[%add3A_1103] : memref<6144xf32, #tpu.memory_space<vmem>>[vector<16xi32>], vector<16xf32>,
          %mul3A_1105 = arith.constant 12 : i32
          %mul3A_1106 = arith.muli %scan3A_1008, %mul3A_1105 : i32
          %add3A_1107 = arith.constant 8 : i32
          %add3A_1108 = arith.addi %mul3A_1106, %add3A_1107 : i32
          %mul3A_1109 = arith.constant 16 : i32
          %mul3A_1110 = arith.muli %add3A_1108, %mul3A_1109 : i32
          %add3A_1111 = vector.broadcast %mul3A_1110 : i32 to vector<16xi32>
          %add3A_1112 = arith.addi %add3A_1111, %iota3A : vector<16xi32>
          %gather3A_1113 = tpu.vector_load_idx %arg8[%add3A_1112] : memref<6144xf32, #tpu.memory_space<vmem>>[vector<16xi32>], vector<16xf32>,
          %mul3A_1114 = arith.constant 12 : i32
          %mul3A_1115 = arith.muli %scan3A_1008, %mul3A_1114 : i32
          %add3A_1116 = arith.constant 9 : i32
          %add3A_1117 = arith.addi %mul3A_1115, %add3A_1116 : i32
          %mul3A_1118 = arith.constant 16 : i32
          %mul3A_1119 = arith.muli %add3A_1117, %mul3A_1118 : i32
          %add3A_1120 = vector.broadcast %mul3A_1119 : i32 to vector<16xi32>
          %add3A_1121 = arith.addi %add3A_1120, %iota3A : vector<16xi32>
          %gather3A_1122 = tpu.vector_load_idx %arg8[%add3A_1121] : memref<6144xf32, #tpu.memory_space<vmem>>[vector<16xi32>], vector<16xf32>,
          %mul3A_1123 = arith.mulf %gather3A_1026, %gather3A_1122 : vector<16xf32>
          %mul3A_1124 = arith.constant 0.636619746 : f32
          %mul3A_1125 = vector.broadcast %mul3A_1124 : f32 to vector<16xf32>
          %mul3A_1126 = arith.mulf %mul3A_1123, %mul3A_1125 : vector<16xf32>
          %add3A_1127 = arith.constant 0x4B400000 : f32
          %add3A_1128 = vector.broadcast %add3A_1127 : f32 to vector<16xf32>
          %add3A_1129 = arith.addf %mul3A_1126, %add3A_1128 : vector<16xf32>
          %sub3A_1130 = arith.constant 0x4B400000 : f32
          %sub3A_1131 = vector.broadcast %sub3A_1130 : f32 to vector<16xf32>
          %sub3A_1132 = arith.subf %add3A_1129, %sub3A_1131 : vector<16xf32>
          %convert_element_type3A_1133 = arith.fptosi %sub3A_1132 : vector<16xf32> to vector<16xi32>
          %mul3A_1134 = arith.constant 1.5703125 : f32
          %mul3A_1135 = vector.broadcast %mul3A_1134 : f32 to vector<16xf32>
          %mul3A_1136 = arith.mulf %sub3A_1132, %mul3A_1135 : vector<16xf32>
          %sub3A_1137 = arith.subf %mul3A_1123, %mul3A_1136 : vector<16xf32>
          %mul3A_1138 = arith.constant 4.83751297E-4 : f32
          %mul3A_1139 = vector.broadcast %mul3A_1138 : f32 to vector<16xf32>
          %mul3A_1140 = arith.mulf %sub3A_1132, %mul3A_1139 : vector<16xf32>
          %sub3A_1141 = arith.subf %sub3A_1137, %mul3A_1140 : vector<16xf32>
          %mul3A_1142 = arith.constant 7.549790e-08 : f32
          %mul3A_1143 = vector.broadcast %mul3A_1142 : f32 to vector<16xf32>
          %mul3A_1144 = arith.mulf %sub3A_1132, %mul3A_1143 : vector<16xf32>
          %sub3A_1145 = arith.subf %sub3A_1141, %mul3A_1144 : vector<16xf32>
          %mul3A_1146 = arith.mulf %sub3A_1145, %sub3A_1145 : vector<16xf32>
          %mul3A_1147 = arith.mulf %sub3A_1145, %mul3A_1146 : vector<16xf32>
          %mul3A_1148 = arith.constant -1.95152956E-4 : f32
          %mul3A_1149 = vector.broadcast %mul3A_1148 : f32 to vector<16xf32>
          %mul3A_1150 = arith.mulf %mul3A_1146, %mul3A_1149 : vector<16xf32>
          %add3A_1151 = arith.constant 0.00833216123 : f32
          %add3A_1152 = vector.broadcast %add3A_1151 : f32 to vector<16xf32>
          %add3A_1153 = arith.addf %add3A_1152, %mul3A_1150 : vector<16xf32>
          %mul3A_1154 = arith.mulf %mul3A_1146, %add3A_1153 : vector<16xf32>
          %add3A_1155 = arith.constant -0.166666552 : f32
          %add3A_1156 = vector.broadcast %add3A_1155 : f32 to vector<16xf32>
          %add3A_1157 = arith.addf %add3A_1156, %mul3A_1154 : vector<16xf32>
          %mul3A_1158 = arith.mulf %mul3A_1147, %add3A_1157 : vector<16xf32>
          %add3A_1159 = arith.addf %sub3A_1145, %mul3A_1158 : vector<16xf32>
          %mul3A_1160 = arith.constant 5.000000e-01 : f32
          %mul3A_1161 = vector.broadcast %mul3A_1160 : f32 to vector<16xf32>
          %mul3A_1162 = arith.mulf %mul3A_1161, %mul3A_1146 : vector<16xf32>
          %sub3A_1163 = arith.constant 1.000000e+00 : f32
          %sub3A_1164 = vector.broadcast %sub3A_1163 : f32 to vector<16xf32>
          %sub3A_1165 = arith.subf %sub3A_1164, %mul3A_1162 : vector<16xf32>
          %mul3A_1166 = arith.mulf %mul3A_1146, %mul3A_1146 : vector<16xf32>
          %mul3A_1167 = arith.constant 2.44331568E-5 : f32
          %mul3A_1168 = vector.broadcast %mul3A_1167 : f32 to vector<16xf32>
          %mul3A_1169 = arith.mulf %mul3A_1146, %mul3A_1168 : vector<16xf32>
          %add3A_1170 = arith.constant -0.00138873165 : f32
          %add3A_1171 = vector.broadcast %add3A_1170 : f32 to vector<16xf32>
          %add3A_1172 = arith.addf %add3A_1171, %mul3A_1169 : vector<16xf32>
          %mul3A_1173 = arith.mulf %mul3A_1146, %add3A_1172 : vector<16xf32>
          %add3A_1174 = arith.constant 0.0416666456 : f32
          %add3A_1175 = vector.broadcast %add3A_1174 : f32 to vector<16xf32>
          %add3A_1176 = arith.addf %add3A_1175, %mul3A_1173 : vector<16xf32>
          %mul3A_1177 = arith.mulf %mul3A_1166, %add3A_1176 : vector<16xf32>
          %add3A_1178 = arith.addf %sub3A_1165, %mul3A_1177 : vector<16xf32>
          %and3A_1179 = arith.constant 1 : i32
          %and3A_1180 = vector.broadcast %and3A_1179 : i32 to vector<16xi32>
          %and3A_1181 = arith.andi %convert_element_type3A_1133, %and3A_1180 : vector<16xi32>
          %eq3A_1182 = arith.constant 1 : i32
          %eq3A_1183 = vector.broadcast %eq3A_1182 : i32 to vector<16xi32>
          %eq3A_1184 = arith.cmpi eq, %and3A_1181, %eq3A_1183 : vector<16xi32>
          %select_n3A_1185 = arith.select %eq3A_1184, %add3A_1178, %add3A_1159 : vector<16xi1>, vector<16xf32>
          %select_n3A_1186 = arith.select %eq3A_1184, %add3A_1159, %add3A_1178 : vector<16xi1>, vector<16xf32>
          %and3A_1187 = arith.constant 2 : i32
          %and3A_1188 = vector.broadcast %and3A_1187 : i32 to vector<16xi32>
          %and3A_1189 = arith.andi %convert_element_type3A_1133, %and3A_1188 : vector<16xi32>
          %eq3A_1190 = arith.constant 2 : i32
          %eq3A_1191 = vector.broadcast %eq3A_1190 : i32 to vector<16xi32>
          %eq3A_1192 = arith.cmpi eq, %and3A_1189, %eq3A_1191 : vector<16xi32>
          %neg3A_1193 = arith.constant 0.000000e+00 : f32
          %neg3A_1194 = vector.broadcast %neg3A_1193 : f32 to vector<16xf32>
          %neg3A_1195 = arith.subf %neg3A_1194, %select_n3A_1185 : vector<16xf32>
          %select_n3A_1196 = arith.select %eq3A_1192, %neg3A_1195, %select_n3A_1185 : vector<16xi1>, vector<16xf32>
          %add3A_1197 = arith.constant 1 : i32
          %add3A_1198 = vector.broadcast %add3A_1197 : i32 to vector<16xi32>
          %add3A_1199 = arith.addi %convert_element_type3A_1133, %add3A_1198 : vector<16xi32>
          %and3A_1200 = arith.constant 2 : i32
          %and3A_1201 = vector.broadcast %and3A_1200 : i32 to vector<16xi32>
          %and3A_1202 = arith.andi %add3A_1199, %and3A_1201 : vector<16xi32>
          %eq3A_1203 = arith.constant 2 : i32
          %eq3A_1204 = vector.broadcast %eq3A_1203 : i32 to vector<16xi32>
          %eq3A_1205 = arith.cmpi eq, %and3A_1202, %eq3A_1204 : vector<16xi32>
          %neg3A_1206 = arith.constant 0.000000e+00 : f32
          %neg3A_1207 = vector.broadcast %neg3A_1206 : f32 to vector<16xf32>
          %neg3A_1208 = arith.subf %neg3A_1207, %select_n3A_1186 : vector<16xf32>
          %select_n3A_1209 = arith.select %eq3A_1205, %neg3A_1208, %select_n3A_1186 : vector<16xi1>, vector<16xf32>
          %sub3A_1210 = arith.constant 1.000000e+00 : f32
          %sub3A_1211 = vector.broadcast %sub3A_1210 : f32 to vector<16xf32>
          %sub3A_1212 = arith.subf %sub3A_1211, %select_n3A_1209 : vector<16xf32>
          %mul3A_1213 = arith.mulf %sub3A_1212, %gather3A_1041 : vector<16xf32>
          %add3A_1214 = arith.addf %select_n3A_1209, %mul3A_1213 : vector<16xf32>
          %mul3A_1215 = arith.mulf %sub3A_1212, %gather3A_1068 : vector<16xf32>
          %mul3A_1216 = arith.mulf %select_n3A_1196, %gather3A_1113 : vector<16xf32>
          %sub3A_1217 = arith.subf %mul3A_1215, %mul3A_1216 : vector<16xf32>
          %mul3A_1218 = arith.mulf %sub3A_1212, %gather3A_1077 : vector<16xf32>
          %mul3A_1219 = arith.mulf %select_n3A_1196, %gather3A_1104 : vector<16xf32>
          %add3A_1220 = arith.addf %mul3A_1218, %mul3A_1219 : vector<16xf32>
          %mul3A_1221 = arith.mulf %sub3A_1212, %gather3A_1068 : vector<16xf32>
          %mul3A_1222 = arith.mulf %select_n3A_1196, %gather3A_1113 : vector<16xf32>
          %add3A_1223 = arith.addf %mul3A_1221, %mul3A_1222 : vector<16xf32>
          %mul3A_1224 = arith.mulf %sub3A_1212, %gather3A_1050 : vector<16xf32>
          %add3A_1225 = arith.addf %select_n3A_1209, %mul3A_1224 : vector<16xf32>
          %mul3A_1226 = arith.mulf %sub3A_1212, %gather3A_1086 : vector<16xf32>
          %mul3A_1227 = arith.mulf %select_n3A_1196, %gather3A_1095 : vector<16xf32>
          %sub3A_1228 = arith.subf %mul3A_1226, %mul3A_1227 : vector<16xf32>
          %mul3A_1229 = arith.mulf %sub3A_1212, %gather3A_1077 : vector<16xf32>
          %mul3A_1230 = arith.mulf %select_n3A_1196, %gather3A_1104 : vector<16xf32>
          %sub3A_1231 = arith.subf %mul3A_1229, %mul3A_1230 : vector<16xf32>
          %mul3A_1232 = arith.mulf %sub3A_1212, %gather3A_1086 : vector<16xf32>
          %mul3A_1233 = arith.mulf %select_n3A_1196, %gather3A_1095 : vector<16xf32>
          %add3A_1234 = arith.addf %mul3A_1232, %mul3A_1233 : vector<16xf32>
          %mul3A_1235 = arith.mulf %sub3A_1212, %gather3A_1059 : vector<16xf32>
          %add3A_1236 = arith.addf %select_n3A_1209, %mul3A_1235 : vector<16xf32>
          %mul3A_1237 = arith.constant 0.636619746 : f32
          %mul3A_1238 = vector.broadcast %mul3A_1237 : f32 to vector<16xf32>
          %mul3A_1239 = arith.mulf %gather3A_1030, %mul3A_1238 : vector<16xf32>
          %add3A_1240 = arith.constant 0x4B400000 : f32
          %add3A_1241 = vector.broadcast %add3A_1240 : f32 to vector<16xf32>
          %add3A_1242 = arith.addf %mul3A_1239, %add3A_1241 : vector<16xf32>
          %sub3A_1243 = arith.constant 0x4B400000 : f32
          %sub3A_1244 = vector.broadcast %sub3A_1243 : f32 to vector<16xf32>
          %sub3A_1245 = arith.subf %add3A_1242, %sub3A_1244 : vector<16xf32>
          %convert_element_type3A_1246 = arith.fptosi %sub3A_1245 : vector<16xf32> to vector<16xi32>
          %mul3A_1247 = arith.constant 1.5703125 : f32
          %mul3A_1248 = vector.broadcast %mul3A_1247 : f32 to vector<16xf32>
          %mul3A_1249 = arith.mulf %sub3A_1245, %mul3A_1248 : vector<16xf32>
          %sub3A_1250 = arith.subf %gather3A_1030, %mul3A_1249 : vector<16xf32>
          %mul3A_1251 = arith.constant 4.83751297E-4 : f32
          %mul3A_1252 = vector.broadcast %mul3A_1251 : f32 to vector<16xf32>
          %mul3A_1253 = arith.mulf %sub3A_1245, %mul3A_1252 : vector<16xf32>
          %sub3A_1254 = arith.subf %sub3A_1250, %mul3A_1253 : vector<16xf32>
          %mul3A_1255 = arith.constant 7.549790e-08 : f32
          %mul3A_1256 = vector.broadcast %mul3A_1255 : f32 to vector<16xf32>
          %mul3A_1257 = arith.mulf %sub3A_1245, %mul3A_1256 : vector<16xf32>
          %sub3A_1258 = arith.subf %sub3A_1254, %mul3A_1257 : vector<16xf32>
          %mul3A_1259 = arith.mulf %sub3A_1258, %sub3A_1258 : vector<16xf32>
          %mul3A_1260 = arith.mulf %sub3A_1258, %mul3A_1259 : vector<16xf32>
          %mul3A_1261 = arith.constant -1.95152956E-4 : f32
          %mul3A_1262 = vector.broadcast %mul3A_1261 : f32 to vector<16xf32>
          %mul3A_1263 = arith.mulf %mul3A_1259, %mul3A_1262 : vector<16xf32>
          %add3A_1264 = arith.constant 0.00833216123 : f32
          %add3A_1265 = vector.broadcast %add3A_1264 : f32 to vector<16xf32>
          %add3A_1266 = arith.addf %add3A_1265, %mul3A_1263 : vector<16xf32>
          %mul3A_1267 = arith.mulf %mul3A_1259, %add3A_1266 : vector<16xf32>
          %add3A_1268 = arith.constant -0.166666552 : f32
          %add3A_1269 = vector.broadcast %add3A_1268 : f32 to vector<16xf32>
          %add3A_1270 = arith.addf %add3A_1269, %mul3A_1267 : vector<16xf32>
          %mul3A_1271 = arith.mulf %mul3A_1260, %add3A_1270 : vector<16xf32>
          %add3A_1272 = arith.addf %sub3A_1258, %mul3A_1271 : vector<16xf32>
          %mul3A_1273 = arith.constant 5.000000e-01 : f32
          %mul3A_1274 = vector.broadcast %mul3A_1273 : f32 to vector<16xf32>
          %mul3A_1275 = arith.mulf %mul3A_1274, %mul3A_1259 : vector<16xf32>
          %sub3A_1276 = arith.constant 1.000000e+00 : f32
          %sub3A_1277 = vector.broadcast %sub3A_1276 : f32 to vector<16xf32>
          %sub3A_1278 = arith.subf %sub3A_1277, %mul3A_1275 : vector<16xf32>
          %mul3A_1279 = arith.mulf %mul3A_1259, %mul3A_1259 : vector<16xf32>
          %mul3A_1280 = arith.constant 2.44331568E-5 : f32
          %mul3A_1281 = vector.broadcast %mul3A_1280 : f32 to vector<16xf32>
          %mul3A_1282 = arith.mulf %mul3A_1259, %mul3A_1281 : vector<16xf32>
          %add3A_1283 = arith.constant -0.00138873165 : f32
          %add3A_1284 = vector.broadcast %add3A_1283 : f32 to vector<16xf32>
          %add3A_1285 = arith.addf %add3A_1284, %mul3A_1282 : vector<16xf32>
          %mul3A_1286 = arith.mulf %mul3A_1259, %add3A_1285 : vector<16xf32>
          %add3A_1287 = arith.constant 0.0416666456 : f32
          %add3A_1288 = vector.broadcast %add3A_1287 : f32 to vector<16xf32>
          %add3A_1289 = arith.addf %add3A_1288, %mul3A_1286 : vector<16xf32>
          %mul3A_1290 = arith.mulf %mul3A_1279, %add3A_1289 : vector<16xf32>
          %add3A_1291 = arith.addf %sub3A_1278, %mul3A_1290 : vector<16xf32>
          %and3A_1292 = arith.constant 1 : i32
          %and3A_1293 = vector.broadcast %and3A_1292 : i32 to vector<16xi32>
          %and3A_1294 = arith.andi %convert_element_type3A_1246, %and3A_1293 : vector<16xi32>
          %eq3A_1295 = arith.constant 1 : i32
          %eq3A_1296 = vector.broadcast %eq3A_1295 : i32 to vector<16xi32>
          %eq3A_1297 = arith.cmpi eq, %and3A_1294, %eq3A_1296 : vector<16xi32>
          %select_n3A_1298 = arith.select %eq3A_1297, %add3A_1291, %add3A_1272 : vector<16xi1>, vector<16xf32>
          %select_n3A_1299 = arith.select %eq3A_1297, %add3A_1272, %add3A_1291 : vector<16xi1>, vector<16xf32>
          %and3A_1300 = arith.constant 2 : i32
          %and3A_1301 = vector.broadcast %and3A_1300 : i32 to vector<16xi32>
          %and3A_1302 = arith.andi %convert_element_type3A_1246, %and3A_1301 : vector<16xi32>
          %eq3A_1303 = arith.constant 2 : i32
          %eq3A_1304 = vector.broadcast %eq3A_1303 : i32 to vector<16xi32>
          %eq3A_1305 = arith.cmpi eq, %and3A_1302, %eq3A_1304 : vector<16xi32>
          %neg3A_1306 = arith.constant 0.000000e+00 : f32
          %neg3A_1307 = vector.broadcast %neg3A_1306 : f32 to vector<16xf32>
          %neg3A_1308 = arith.subf %neg3A_1307, %select_n3A_1298 : vector<16xf32>
          %select_n3A_1309 = arith.select %eq3A_1305, %neg3A_1308, %select_n3A_1298 : vector<16xi1>, vector<16xf32>
          %add3A_1310 = arith.constant 1 : i32
          %add3A_1311 = vector.broadcast %add3A_1310 : i32 to vector<16xi32>
          %add3A_1312 = arith.addi %convert_element_type3A_1246, %add3A_1311 : vector<16xi32>
          %and3A_1313 = arith.constant 2 : i32
          %and3A_1314 = vector.broadcast %and3A_1313 : i32 to vector<16xi32>
          %and3A_1315 = arith.andi %add3A_1312, %and3A_1314 : vector<16xi32>
          %eq3A_1316 = arith.constant 2 : i32
          %eq3A_1317 = vector.broadcast %eq3A_1316 : i32 to vector<16xi32>
          %eq3A_1318 = arith.cmpi eq, %and3A_1315, %eq3A_1317 : vector<16xi32>
          %neg3A_1319 = arith.constant 0.000000e+00 : f32
          %neg3A_1320 = vector.broadcast %neg3A_1319 : f32 to vector<16xf32>
          %neg3A_1321 = arith.subf %neg3A_1320, %select_n3A_1299 : vector<16xf32>
          %select_n3A_1322 = arith.select %eq3A_1318, %neg3A_1321, %select_n3A_1299 : vector<16xi1>, vector<16xf32>
          %mul3A_1323 = arith.constant 0.636619746 : f32
          %mul3A_1324 = vector.broadcast %mul3A_1323 : f32 to vector<16xf32>
          %mul3A_1325 = arith.mulf %gather3A_1031, %mul3A_1324 : vector<16xf32>
          %add3A_1326 = arith.constant 0x4B400000 : f32
          %add3A_1327 = vector.broadcast %add3A_1326 : f32 to vector<16xf32>
          %add3A_1328 = arith.addf %mul3A_1325, %add3A_1327 : vector<16xf32>
          %sub3A_1329 = arith.constant 0x4B400000 : f32
          %sub3A_1330 = vector.broadcast %sub3A_1329 : f32 to vector<16xf32>
          %sub3A_1331 = arith.subf %add3A_1328, %sub3A_1330 : vector<16xf32>
          %convert_element_type3A_1332 = arith.fptosi %sub3A_1331 : vector<16xf32> to vector<16xi32>
          %mul3A_1333 = arith.constant 1.5703125 : f32
          %mul3A_1334 = vector.broadcast %mul3A_1333 : f32 to vector<16xf32>
          %mul3A_1335 = arith.mulf %sub3A_1331, %mul3A_1334 : vector<16xf32>
          %sub3A_1336 = arith.subf %gather3A_1031, %mul3A_1335 : vector<16xf32>
          %mul3A_1337 = arith.constant 4.83751297E-4 : f32
          %mul3A_1338 = vector.broadcast %mul3A_1337 : f32 to vector<16xf32>
          %mul3A_1339 = arith.mulf %sub3A_1331, %mul3A_1338 : vector<16xf32>
          %sub3A_1340 = arith.subf %sub3A_1336, %mul3A_1339 : vector<16xf32>
          %mul3A_1341 = arith.constant 7.549790e-08 : f32
          %mul3A_1342 = vector.broadcast %mul3A_1341 : f32 to vector<16xf32>
          %mul3A_1343 = arith.mulf %sub3A_1331, %mul3A_1342 : vector<16xf32>
          %sub3A_1344 = arith.subf %sub3A_1340, %mul3A_1343 : vector<16xf32>
          %mul3A_1345 = arith.mulf %sub3A_1344, %sub3A_1344 : vector<16xf32>
          %mul3A_1346 = arith.mulf %sub3A_1344, %mul3A_1345 : vector<16xf32>
          %mul3A_1347 = arith.constant -1.95152956E-4 : f32
          %mul3A_1348 = vector.broadcast %mul3A_1347 : f32 to vector<16xf32>
          %mul3A_1349 = arith.mulf %mul3A_1345, %mul3A_1348 : vector<16xf32>
          %add3A_1350 = arith.constant 0.00833216123 : f32
          %add3A_1351 = vector.broadcast %add3A_1350 : f32 to vector<16xf32>
          %add3A_1352 = arith.addf %add3A_1351, %mul3A_1349 : vector<16xf32>
          %mul3A_1353 = arith.mulf %mul3A_1345, %add3A_1352 : vector<16xf32>
          %add3A_1354 = arith.constant -0.166666552 : f32
          %add3A_1355 = vector.broadcast %add3A_1354 : f32 to vector<16xf32>
          %add3A_1356 = arith.addf %add3A_1355, %mul3A_1353 : vector<16xf32>
          %mul3A_1357 = arith.mulf %mul3A_1346, %add3A_1356 : vector<16xf32>
          %add3A_1358 = arith.addf %sub3A_1344, %mul3A_1357 : vector<16xf32>
          %mul3A_1359 = arith.constant 5.000000e-01 : f32
          %mul3A_1360 = vector.broadcast %mul3A_1359 : f32 to vector<16xf32>
          %mul3A_1361 = arith.mulf %mul3A_1360, %mul3A_1345 : vector<16xf32>
          %sub3A_1362 = arith.constant 1.000000e+00 : f32
          %sub3A_1363 = vector.broadcast %sub3A_1362 : f32 to vector<16xf32>
          %sub3A_1364 = arith.subf %sub3A_1363, %mul3A_1361 : vector<16xf32>
          %mul3A_1365 = arith.mulf %mul3A_1345, %mul3A_1345 : vector<16xf32>
          %mul3A_1366 = arith.constant 2.44331568E-5 : f32
          %mul3A_1367 = vector.broadcast %mul3A_1366 : f32 to vector<16xf32>
          %mul3A_1368 = arith.mulf %mul3A_1345, %mul3A_1367 : vector<16xf32>
          %add3A_1369 = arith.constant -0.00138873165 : f32
          %add3A_1370 = vector.broadcast %add3A_1369 : f32 to vector<16xf32>
          %add3A_1371 = arith.addf %add3A_1370, %mul3A_1368 : vector<16xf32>
          %mul3A_1372 = arith.mulf %mul3A_1345, %add3A_1371 : vector<16xf32>
          %add3A_1373 = arith.constant 0.0416666456 : f32
          %add3A_1374 = vector.broadcast %add3A_1373 : f32 to vector<16xf32>
          %add3A_1375 = arith.addf %add3A_1374, %mul3A_1372 : vector<16xf32>
          %mul3A_1376 = arith.mulf %mul3A_1365, %add3A_1375 : vector<16xf32>
          %add3A_1377 = arith.addf %sub3A_1364, %mul3A_1376 : vector<16xf32>
          %and3A_1378 = arith.constant 1 : i32
          %and3A_1379 = vector.broadcast %and3A_1378 : i32 to vector<16xi32>
          %and3A_1380 = arith.andi %convert_element_type3A_1332, %and3A_1379 : vector<16xi32>
          %eq3A_1381 = arith.constant 1 : i32
          %eq3A_1382 = vector.broadcast %eq3A_1381 : i32 to vector<16xi32>
          %eq3A_1383 = arith.cmpi eq, %and3A_1380, %eq3A_1382 : vector<16xi32>
          %select_n3A_1384 = arith.select %eq3A_1383, %add3A_1377, %add3A_1358 : vector<16xi1>, vector<16xf32>
          %select_n3A_1385 = arith.select %eq3A_1383, %add3A_1358, %add3A_1377 : vector<16xi1>, vector<16xf32>
          %and3A_1386 = arith.constant 2 : i32
          %and3A_1387 = vector.broadcast %and3A_1386 : i32 to vector<16xi32>
          %and3A_1388 = arith.andi %convert_element_type3A_1332, %and3A_1387 : vector<16xi32>
          %eq3A_1389 = arith.constant 2 : i32
          %eq3A_1390 = vector.broadcast %eq3A_1389 : i32 to vector<16xi32>
          %eq3A_1391 = arith.cmpi eq, %and3A_1388, %eq3A_1390 : vector<16xi32>
          %neg3A_1392 = arith.constant 0.000000e+00 : f32
          %neg3A_1393 = vector.broadcast %neg3A_1392 : f32 to vector<16xf32>
          %neg3A_1394 = arith.subf %neg3A_1393, %select_n3A_1384 : vector<16xf32>
          %select_n3A_1395 = arith.select %eq3A_1391, %neg3A_1394, %select_n3A_1384 : vector<16xi1>, vector<16xf32>
          %add3A_1396 = arith.constant 1 : i32
          %add3A_1397 = vector.broadcast %add3A_1396 : i32 to vector<16xi32>
          %add3A_1398 = arith.addi %convert_element_type3A_1332, %add3A_1397 : vector<16xi32>
          %and3A_1399 = arith.constant 2 : i32
          %and3A_1400 = vector.broadcast %and3A_1399 : i32 to vector<16xi32>
          %and3A_1401 = arith.andi %add3A_1398, %and3A_1400 : vector<16xi32>
          %eq3A_1402 = arith.constant 2 : i32
          %eq3A_1403 = vector.broadcast %eq3A_1402 : i32 to vector<16xi32>
          %eq3A_1404 = arith.cmpi eq, %and3A_1401, %eq3A_1403 : vector<16xi32>
          %neg3A_1405 = arith.constant 0.000000e+00 : f32
          %neg3A_1406 = vector.broadcast %neg3A_1405 : f32 to vector<16xf32>
          %neg3A_1407 = arith.subf %neg3A_1406, %select_n3A_1385 : vector<16xf32>
          %select_n3A_1408 = arith.select %eq3A_1404, %neg3A_1407, %select_n3A_1385 : vector<16xi1>, vector<16xf32>
          %mul3A_1409 = arith.constant 0.636619746 : f32
          %mul3A_1410 = vector.broadcast %mul3A_1409 : f32 to vector<16xf32>
          %mul3A_1411 = arith.mulf %gather3A_1032, %mul3A_1410 : vector<16xf32>
          %add3A_1412 = arith.constant 0x4B400000 : f32
          %add3A_1413 = vector.broadcast %add3A_1412 : f32 to vector<16xf32>
          %add3A_1414 = arith.addf %mul3A_1411, %add3A_1413 : vector<16xf32>
          %sub3A_1415 = arith.constant 0x4B400000 : f32
          %sub3A_1416 = vector.broadcast %sub3A_1415 : f32 to vector<16xf32>
          %sub3A_1417 = arith.subf %add3A_1414, %sub3A_1416 : vector<16xf32>
          %convert_element_type3A_1418 = arith.fptosi %sub3A_1417 : vector<16xf32> to vector<16xi32>
          %mul3A_1419 = arith.constant 1.5703125 : f32
          %mul3A_1420 = vector.broadcast %mul3A_1419 : f32 to vector<16xf32>
          %mul3A_1421 = arith.mulf %sub3A_1417, %mul3A_1420 : vector<16xf32>
          %sub3A_1422 = arith.subf %gather3A_1032, %mul3A_1421 : vector<16xf32>
          %mul3A_1423 = arith.constant 4.83751297E-4 : f32
          %mul3A_1424 = vector.broadcast %mul3A_1423 : f32 to vector<16xf32>
          %mul3A_1425 = arith.mulf %sub3A_1417, %mul3A_1424 : vector<16xf32>
          %sub3A_1426 = arith.subf %sub3A_1422, %mul3A_1425 : vector<16xf32>
          %mul3A_1427 = arith.constant 7.549790e-08 : f32
          %mul3A_1428 = vector.broadcast %mul3A_1427 : f32 to vector<16xf32>
          %mul3A_1429 = arith.mulf %sub3A_1417, %mul3A_1428 : vector<16xf32>
          %sub3A_1430 = arith.subf %sub3A_1426, %mul3A_1429 : vector<16xf32>
          %mul3A_1431 = arith.mulf %sub3A_1430, %sub3A_1430 : vector<16xf32>
          %mul3A_1432 = arith.mulf %sub3A_1430, %mul3A_1431 : vector<16xf32>
          %mul3A_1433 = arith.constant -1.95152956E-4 : f32
          %mul3A_1434 = vector.broadcast %mul3A_1433 : f32 to vector<16xf32>
          %mul3A_1435 = arith.mulf %mul3A_1431, %mul3A_1434 : vector<16xf32>
          %add3A_1436 = arith.constant 0.00833216123 : f32
          %add3A_1437 = vector.broadcast %add3A_1436 : f32 to vector<16xf32>
          %add3A_1438 = arith.addf %add3A_1437, %mul3A_1435 : vector<16xf32>
          %mul3A_1439 = arith.mulf %mul3A_1431, %add3A_1438 : vector<16xf32>
          %add3A_1440 = arith.constant -0.166666552 : f32
          %add3A_1441 = vector.broadcast %add3A_1440 : f32 to vector<16xf32>
          %add3A_1442 = arith.addf %add3A_1441, %mul3A_1439 : vector<16xf32>
          %mul3A_1443 = arith.mulf %mul3A_1432, %add3A_1442 : vector<16xf32>
          %add3A_1444 = arith.addf %sub3A_1430, %mul3A_1443 : vector<16xf32>
          %mul3A_1445 = arith.constant 5.000000e-01 : f32
          %mul3A_1446 = vector.broadcast %mul3A_1445 : f32 to vector<16xf32>
          %mul3A_1447 = arith.mulf %mul3A_1446, %mul3A_1431 : vector<16xf32>
          %sub3A_1448 = arith.constant 1.000000e+00 : f32
          %sub3A_1449 = vector.broadcast %sub3A_1448 : f32 to vector<16xf32>
          %sub3A_1450 = arith.subf %sub3A_1449, %mul3A_1447 : vector<16xf32>
          %mul3A_1451 = arith.mulf %mul3A_1431, %mul3A_1431 : vector<16xf32>
          %mul3A_1452 = arith.constant 2.44331568E-5 : f32
          %mul3A_1453 = vector.broadcast %mul3A_1452 : f32 to vector<16xf32>
          %mul3A_1454 = arith.mulf %mul3A_1431, %mul3A_1453 : vector<16xf32>
          %add3A_1455 = arith.constant -0.00138873165 : f32
          %add3A_1456 = vector.broadcast %add3A_1455 : f32 to vector<16xf32>
          %add3A_1457 = arith.addf %add3A_1456, %mul3A_1454 : vector<16xf32>
          %mul3A_1458 = arith.mulf %mul3A_1431, %add3A_1457 : vector<16xf32>
          %add3A_1459 = arith.constant 0.0416666456 : f32
          %add3A_1460 = vector.broadcast %add3A_1459 : f32 to vector<16xf32>
          %add3A_1461 = arith.addf %add3A_1460, %mul3A_1458 : vector<16xf32>
          %mul3A_1462 = arith.mulf %mul3A_1451, %add3A_1461 : vector<16xf32>
          %add3A_1463 = arith.addf %sub3A_1450, %mul3A_1462 : vector<16xf32>
          %and3A_1464 = arith.constant 1 : i32
          %and3A_1465 = vector.broadcast %and3A_1464 : i32 to vector<16xi32>
          %and3A_1466 = arith.andi %convert_element_type3A_1418, %and3A_1465 : vector<16xi32>
          %eq3A_1467 = arith.constant 1 : i32
          %eq3A_1468 = vector.broadcast %eq3A_1467 : i32 to vector<16xi32>
          %eq3A_1469 = arith.cmpi eq, %and3A_1466, %eq3A_1468 : vector<16xi32>
          %select_n3A_1470 = arith.select %eq3A_1469, %add3A_1463, %add3A_1444 : vector<16xi1>, vector<16xf32>
          %select_n3A_1471 = arith.select %eq3A_1469, %add3A_1444, %add3A_1463 : vector<16xi1>, vector<16xf32>
          %and3A_1472 = arith.constant 2 : i32
          %and3A_1473 = vector.broadcast %and3A_1472 : i32 to vector<16xi32>
          %and3A_1474 = arith.andi %convert_element_type3A_1418, %and3A_1473 : vector<16xi32>
          %eq3A_1475 = arith.constant 2 : i32
          %eq3A_1476 = vector.broadcast %eq3A_1475 : i32 to vector<16xi32>
          %eq3A_1477 = arith.cmpi eq, %and3A_1474, %eq3A_1476 : vector<16xi32>
          %neg3A_1478 = arith.constant 0.000000e+00 : f32
          %neg3A_1479 = vector.broadcast %neg3A_1478 : f32 to vector<16xf32>
          %neg3A_1480 = arith.subf %neg3A_1479, %select_n3A_1470 : vector<16xf32>
          %select_n3A_1481 = arith.select %eq3A_1477, %neg3A_1480, %select_n3A_1470 : vector<16xi1>, vector<16xf32>
          %add3A_1482 = arith.constant 1 : i32
          %add3A_1483 = vector.broadcast %add3A_1482 : i32 to vector<16xi32>
          %add3A_1484 = arith.addi %convert_element_type3A_1418, %add3A_1483 : vector<16xi32>
          %and3A_1485 = arith.constant 2 : i32
          %and3A_1486 = vector.broadcast %and3A_1485 : i32 to vector<16xi32>
          %and3A_1487 = arith.andi %add3A_1484, %and3A_1486 : vector<16xi32>
          %eq3A_1488 = arith.constant 2 : i32
          %eq3A_1489 = vector.broadcast %eq3A_1488 : i32 to vector<16xi32>
          %eq3A_1490 = arith.cmpi eq, %and3A_1487, %eq3A_1489 : vector<16xi32>
          %neg3A_1491 = arith.constant 0.000000e+00 : f32
          %neg3A_1492 = vector.broadcast %neg3A_1491 : f32 to vector<16xf32>
          %neg3A_1493 = arith.subf %neg3A_1492, %select_n3A_1471 : vector<16xf32>
          %select_n3A_1494 = arith.select %eq3A_1490, %neg3A_1493, %select_n3A_1471 : vector<16xi1>, vector<16xf32>
          %bitcast_convert_type3A_1495 = tpu.bitcast %select_n3A_1322 : vector<16xf32> -> vector<16xi32>
          %add3A_1496 = arith.constant 32767 : i32
          %add3A_1497 = vector.broadcast %add3A_1496 : i32 to vector<16xi32>
          %add3A_1498 = arith.addi %bitcast_convert_type3A_1495, %add3A_1497 : vector<16xi32>
          %shift_right_arithmetic3A_1499 = arith.constant 16 : i32
          %shift_right_arithmetic3A_1500 = vector.broadcast %shift_right_arithmetic3A_1499 : i32 to vector<16xi32>
          %shift_right_arithmetic3A_1501 = arith.shrsi %bitcast_convert_type3A_1495, %shift_right_arithmetic3A_1500 : vector<16xi32>
          %and3A_1502 = arith.constant 1 : i32
          %and3A_1503 = vector.broadcast %and3A_1502 : i32 to vector<16xi32>
          %and3A_1504 = arith.andi %shift_right_arithmetic3A_1501, %and3A_1503 : vector<16xi32>
          %add3A_1505 = arith.addi %add3A_1498, %and3A_1504 : vector<16xi32>
          %and3A_1506 = arith.constant -65536 : i32
          %and3A_1507 = vector.broadcast %and3A_1506 : i32 to vector<16xi32>
          %and3A_1508 = arith.andi %add3A_1505, %and3A_1507 : vector<16xi32>
          %bitcast_convert_type3A_1509 = tpu.bitcast %and3A_1508 : vector<16xi32> -> vector<16xf32>
          %bitcast_convert_type3A_1510 = tpu.bitcast %select_n3A_1309 : vector<16xf32> -> vector<16xi32>
          %add3A_1511 = arith.constant 32767 : i32
          %add3A_1512 = vector.broadcast %add3A_1511 : i32 to vector<16xi32>
          %add3A_1513 = arith.addi %bitcast_convert_type3A_1510, %add3A_1512 : vector<16xi32>
          %shift_right_arithmetic3A_1514 = arith.constant 16 : i32
          %shift_right_arithmetic3A_1515 = vector.broadcast %shift_right_arithmetic3A_1514 : i32 to vector<16xi32>
          %shift_right_arithmetic3A_1516 = arith.shrsi %bitcast_convert_type3A_1510, %shift_right_arithmetic3A_1515 : vector<16xi32>
          %and3A_1517 = arith.constant 1 : i32
          %and3A_1518 = vector.broadcast %and3A_1517 : i32 to vector<16xi32>
          %and3A_1519 = arith.andi %shift_right_arithmetic3A_1516, %and3A_1518 : vector<16xi32>
          %add3A_1520 = arith.addi %add3A_1513, %and3A_1519 : vector<16xi32>
          %and3A_1521 = arith.constant -65536 : i32
          %and3A_1522 = vector.broadcast %and3A_1521 : i32 to vector<16xi32>
          %and3A_1523 = arith.andi %add3A_1520, %and3A_1522 : vector<16xi32>
          %bitcast_convert_type3A_1524 = tpu.bitcast %and3A_1523 : vector<16xi32> -> vector<16xf32>
          %bitcast_convert_type3A_1525 = tpu.bitcast %select_n3A_1408 : vector<16xf32> -> vector<16xi32>
          %add3A_1526 = arith.constant 32767 : i32
          %add3A_1527 = vector.broadcast %add3A_1526 : i32 to vector<16xi32>
          %add3A_1528 = arith.addi %bitcast_convert_type3A_1525, %add3A_1527 : vector<16xi32>
          %shift_right_arithmetic3A_1529 = arith.constant 16 : i32
          %shift_right_arithmetic3A_1530 = vector.broadcast %shift_right_arithmetic3A_1529 : i32 to vector<16xi32>
          %shift_right_arithmetic3A_1531 = arith.shrsi %bitcast_convert_type3A_1525, %shift_right_arithmetic3A_1530 : vector<16xi32>
          %and3A_1532 = arith.constant 1 : i32
          %and3A_1533 = vector.broadcast %and3A_1532 : i32 to vector<16xi32>
          %and3A_1534 = arith.andi %shift_right_arithmetic3A_1531, %and3A_1533 : vector<16xi32>
          %add3A_1535 = arith.addi %add3A_1528, %and3A_1534 : vector<16xi32>
          %and3A_1536 = arith.constant -65536 : i32
          %and3A_1537 = vector.broadcast %and3A_1536 : i32 to vector<16xi32>
          %and3A_1538 = arith.andi %add3A_1535, %and3A_1537 : vector<16xi32>
          %bitcast_convert_type3A_1539 = tpu.bitcast %and3A_1538 : vector<16xi32> -> vector<16xf32>
          %bitcast_convert_type3A_1540 = tpu.bitcast %select_n3A_1395 : vector<16xf32> -> vector<16xi32>
          %add3A_1541 = arith.constant 32767 : i32
          %add3A_1542 = vector.broadcast %add3A_1541 : i32 to vector<16xi32>
          %add3A_1543 = arith.addi %bitcast_convert_type3A_1540, %add3A_1542 : vector<16xi32>
          %shift_right_arithmetic3A_1544 = arith.constant 16 : i32
          %shift_right_arithmetic3A_1545 = vector.broadcast %shift_right_arithmetic3A_1544 : i32 to vector<16xi32>
          %shift_right_arithmetic3A_1546 = arith.shrsi %bitcast_convert_type3A_1540, %shift_right_arithmetic3A_1545 : vector<16xi32>
          %and3A_1547 = arith.constant 1 : i32
          %and3A_1548 = vector.broadcast %and3A_1547 : i32 to vector<16xi32>
          %and3A_1549 = arith.andi %shift_right_arithmetic3A_1546, %and3A_1548 : vector<16xi32>
          %add3A_1550 = arith.addi %add3A_1543, %and3A_1549 : vector<16xi32>
          %and3A_1551 = arith.constant -65536 : i32
          %and3A_1552 = vector.broadcast %and3A_1551 : i32 to vector<16xi32>
          %and3A_1553 = arith.andi %add3A_1550, %and3A_1552 : vector<16xi32>
          %bitcast_convert_type3A_1554 = tpu.bitcast %and3A_1553 : vector<16xi32> -> vector<16xf32>
          %bitcast_convert_type3A_1555 = tpu.bitcast %select_n3A_1494 : vector<16xf32> -> vector<16xi32>
          %add3A_1556 = arith.constant 32767 : i32
          %add3A_1557 = vector.broadcast %add3A_1556 : i32 to vector<16xi32>
          %add3A_1558 = arith.addi %bitcast_convert_type3A_1555, %add3A_1557 : vector<16xi32>
          %shift_right_arithmetic3A_1559 = arith.constant 16 : i32
          %shift_right_arithmetic3A_1560 = vector.broadcast %shift_right_arithmetic3A_1559 : i32 to vector<16xi32>
          %shift_right_arithmetic3A_1561 = arith.shrsi %bitcast_convert_type3A_1555, %shift_right_arithmetic3A_1560 : vector<16xi32>
          %and3A_1562 = arith.constant 1 : i32
          %and3A_1563 = vector.broadcast %and3A_1562 : i32 to vector<16xi32>
          %and3A_1564 = arith.andi %shift_right_arithmetic3A_1561, %and3A_1563 : vector<16xi32>
          %add3A_1565 = arith.addi %add3A_1558, %and3A_1564 : vector<16xi32>
          %and3A_1566 = arith.constant -65536 : i32
          %and3A_1567 = vector.broadcast %and3A_1566 : i32 to vector<16xi32>
          %and3A_1568 = arith.andi %add3A_1565, %and3A_1567 : vector<16xi32>
          %bitcast_convert_type3A_1569 = tpu.bitcast %and3A_1568 : vector<16xi32> -> vector<16xf32>
          %bitcast_convert_type3A_1570 = tpu.bitcast %select_n3A_1481 : vector<16xf32> -> vector<16xi32>
          %add3A_1571 = arith.constant 32767 : i32
          %add3A_1572 = vector.broadcast %add3A_1571 : i32 to vector<16xi32>
          %add3A_1573 = arith.addi %bitcast_convert_type3A_1570, %add3A_1572 : vector<16xi32>
          %shift_right_arithmetic3A_1574 = arith.constant 16 : i32
          %shift_right_arithmetic3A_1575 = vector.broadcast %shift_right_arithmetic3A_1574 : i32 to vector<16xi32>
          %shift_right_arithmetic3A_1576 = arith.shrsi %bitcast_convert_type3A_1570, %shift_right_arithmetic3A_1575 : vector<16xi32>
          %and3A_1577 = arith.constant 1 : i32
          %and3A_1578 = vector.broadcast %and3A_1577 : i32 to vector<16xi32>
          %and3A_1579 = arith.andi %shift_right_arithmetic3A_1576, %and3A_1578 : vector<16xi32>
          %add3A_1580 = arith.addi %add3A_1573, %and3A_1579 : vector<16xi32>
          %and3A_1581 = arith.constant -65536 : i32
          %and3A_1582 = vector.broadcast %and3A_1581 : i32 to vector<16xi32>
          %and3A_1583 = arith.andi %add3A_1580, %and3A_1582 : vector<16xi32>
          %bitcast_convert_type3A_1584 = tpu.bitcast %and3A_1583 : vector<16xi32> -> vector<16xf32>
          %mul3A_1585 = arith.mulf %bitcast_convert_type3A_1569, %bitcast_convert_type3A_1539 : vector<16xf32>
          %bitcast_convert_type3A_1586 = tpu.bitcast %mul3A_1585 : vector<16xf32> -> vector<16xi32>
          %add3A_1587 = arith.constant 32767 : i32
          %add3A_1588 = vector.broadcast %add3A_1587 : i32 to vector<16xi32>
          %add3A_1589 = arith.addi %bitcast_convert_type3A_1586, %add3A_1588 : vector<16xi32>
          %shift_right_arithmetic3A_1590 = arith.constant 16 : i32
          %shift_right_arithmetic3A_1591 = vector.broadcast %shift_right_arithmetic3A_1590 : i32 to vector<16xi32>
          %shift_right_arithmetic3A_1592 = arith.shrsi %bitcast_convert_type3A_1586, %shift_right_arithmetic3A_1591 : vector<16xi32>
          %and3A_1593 = arith.constant 1 : i32
          %and3A_1594 = vector.broadcast %and3A_1593 : i32 to vector<16xi32>
          %and3A_1595 = arith.andi %shift_right_arithmetic3A_1592, %and3A_1594 : vector<16xi32>
          %add3A_1596 = arith.addi %add3A_1589, %and3A_1595 : vector<16xi32>
          %and3A_1597 = arith.constant -65536 : i32
          %and3A_1598 = vector.broadcast %and3A_1597 : i32 to vector<16xi32>
          %and3A_1599 = arith.andi %add3A_1596, %and3A_1598 : vector<16xi32>
          %bitcast_convert_type3A_1600 = tpu.bitcast %and3A_1599 : vector<16xi32> -> vector<16xf32>
          %mul3A_1601 = arith.mulf %bitcast_convert_type3A_1569, %bitcast_convert_type3A_1554 : vector<16xf32>
          %bitcast_convert_type3A_1602 = tpu.bitcast %mul3A_1601 : vector<16xf32> -> vector<16xi32>
          %add3A_1603 = arith.constant 32767 : i32
          %add3A_1604 = vector.broadcast %add3A_1603 : i32 to vector<16xi32>
          %add3A_1605 = arith.addi %bitcast_convert_type3A_1602, %add3A_1604 : vector<16xi32>
          %shift_right_arithmetic3A_1606 = arith.constant 16 : i32
          %shift_right_arithmetic3A_1607 = vector.broadcast %shift_right_arithmetic3A_1606 : i32 to vector<16xi32>
          %shift_right_arithmetic3A_1608 = arith.shrsi %bitcast_convert_type3A_1602, %shift_right_arithmetic3A_1607 : vector<16xi32>
          %and3A_1609 = arith.constant 1 : i32
          %and3A_1610 = vector.broadcast %and3A_1609 : i32 to vector<16xi32>
          %and3A_1611 = arith.andi %shift_right_arithmetic3A_1608, %and3A_1610 : vector<16xi32>
          %add3A_1612 = arith.addi %add3A_1605, %and3A_1611 : vector<16xi32>
          %and3A_1613 = arith.constant -65536 : i32
          %and3A_1614 = vector.broadcast %and3A_1613 : i32 to vector<16xi32>
          %and3A_1615 = arith.andi %add3A_1612, %and3A_1614 : vector<16xi32>
          %bitcast_convert_type3A_1616 = tpu.bitcast %and3A_1615 : vector<16xi32> -> vector<16xf32>
          %mul3A_1617 = arith.mulf %bitcast_convert_type3A_1584, %bitcast_convert_type3A_1539 : vector<16xf32>
          %bitcast_convert_type3A_1618 = tpu.bitcast %mul3A_1617 : vector<16xf32> -> vector<16xi32>
          %add3A_1619 = arith.constant 32767 : i32
          %add3A_1620 = vector.broadcast %add3A_1619 : i32 to vector<16xi32>
          %add3A_1621 = arith.addi %bitcast_convert_type3A_1618, %add3A_1620 : vector<16xi32>
          %shift_right_arithmetic3A_1622 = arith.constant 16 : i32
          %shift_right_arithmetic3A_1623 = vector.broadcast %shift_right_arithmetic3A_1622 : i32 to vector<16xi32>
          %shift_right_arithmetic3A_1624 = arith.shrsi %bitcast_convert_type3A_1618, %shift_right_arithmetic3A_1623 : vector<16xi32>
          %and3A_1625 = arith.constant 1 : i32
          %and3A_1626 = vector.broadcast %and3A_1625 : i32 to vector<16xi32>
          %and3A_1627 = arith.andi %shift_right_arithmetic3A_1624, %and3A_1626 : vector<16xi32>
          %add3A_1628 = arith.addi %add3A_1621, %and3A_1627 : vector<16xi32>
          %and3A_1629 = arith.constant -65536 : i32
          %and3A_1630 = vector.broadcast %and3A_1629 : i32 to vector<16xi32>
          %and3A_1631 = arith.andi %add3A_1628, %and3A_1630 : vector<16xi32>
          %bitcast_convert_type3A_1632 = tpu.bitcast %and3A_1631 : vector<16xi32> -> vector<16xf32>
          %mul3A_1633 = arith.mulf %bitcast_convert_type3A_1584, %bitcast_convert_type3A_1554 : vector<16xf32>
          %bitcast_convert_type3A_1634 = tpu.bitcast %mul3A_1633 : vector<16xf32> -> vector<16xi32>
          %add3A_1635 = arith.constant 32767 : i32
          %add3A_1636 = vector.broadcast %add3A_1635 : i32 to vector<16xi32>
          %add3A_1637 = arith.addi %bitcast_convert_type3A_1634, %add3A_1636 : vector<16xi32>
          %shift_right_arithmetic3A_1638 = arith.constant 16 : i32
          %shift_right_arithmetic3A_1639 = vector.broadcast %shift_right_arithmetic3A_1638 : i32 to vector<16xi32>
          %shift_right_arithmetic3A_1640 = arith.shrsi %bitcast_convert_type3A_1634, %shift_right_arithmetic3A_1639 : vector<16xi32>
          %and3A_1641 = arith.constant 1 : i32
          %and3A_1642 = vector.broadcast %and3A_1641 : i32 to vector<16xi32>
          %and3A_1643 = arith.andi %shift_right_arithmetic3A_1640, %and3A_1642 : vector<16xi32>
          %add3A_1644 = arith.addi %add3A_1637, %and3A_1643 : vector<16xi32>
          %and3A_1645 = arith.constant -65536 : i32
          %and3A_1646 = vector.broadcast %and3A_1645 : i32 to vector<16xi32>
          %and3A_1647 = arith.andi %add3A_1644, %and3A_1646 : vector<16xi32>
          %bitcast_convert_type3A_1648 = tpu.bitcast %and3A_1647 : vector<16xi32> -> vector<16xf32>
          %mul3A_1649 = arith.mulf %bitcast_convert_type3A_1616, %bitcast_convert_type3A_1524 : vector<16xf32>
          %mul3A_1650 = arith.mulf %bitcast_convert_type3A_1584, %bitcast_convert_type3A_1509 : vector<16xf32>
          %sub3A_1651 = arith.subf %mul3A_1649, %mul3A_1650 : vector<16xf32>
          %mul3A_1652 = arith.mulf %bitcast_convert_type3A_1616, %bitcast_convert_type3A_1509 : vector<16xf32>
          %mul3A_1653 = arith.mulf %bitcast_convert_type3A_1584, %bitcast_convert_type3A_1524 : vector<16xf32>
          %add3A_1654 = arith.addf %mul3A_1652, %mul3A_1653 : vector<16xf32>
          %mul3A_1655 = arith.mulf %bitcast_convert_type3A_1648, %bitcast_convert_type3A_1524 : vector<16xf32>
          %mul3A_1656 = arith.mulf %bitcast_convert_type3A_1569, %bitcast_convert_type3A_1509 : vector<16xf32>
          %add3A_1657 = arith.addf %mul3A_1655, %mul3A_1656 : vector<16xf32>
          %mul3A_1658 = arith.mulf %bitcast_convert_type3A_1648, %bitcast_convert_type3A_1509 : vector<16xf32>
          %mul3A_1659 = arith.mulf %bitcast_convert_type3A_1569, %bitcast_convert_type3A_1524 : vector<16xf32>
          %sub3A_1660 = arith.subf %mul3A_1658, %mul3A_1659 : vector<16xf32>
          %neg3A_1661 = arith.constant 0.000000e+00 : f32
          %neg3A_1662 = vector.broadcast %neg3A_1661 : f32 to vector<16xf32>
          %neg3A_1663 = arith.subf %neg3A_1662, %bitcast_convert_type3A_1554 : vector<16xf32>
          %mul3A_1664 = arith.mulf %bitcast_convert_type3A_1539, %bitcast_convert_type3A_1524 : vector<16xf32>
          %mul3A_1665 = arith.mulf %bitcast_convert_type3A_1539, %bitcast_convert_type3A_1509 : vector<16xf32>
          %bitcast_convert_type3A_1666 = tpu.bitcast %bitcast_convert_type3A_1600 : vector<16xf32> -> vector<16xi32>
          %add3A_1667 = arith.constant 32767 : i32
          %add3A_1668 = vector.broadcast %add3A_1667 : i32 to vector<16xi32>
          %add3A_1669 = arith.addi %bitcast_convert_type3A_1666, %add3A_1668 : vector<16xi32>
          %shift_right_arithmetic3A_1670 = arith.constant 16 : i32
          %shift_right_arithmetic3A_1671 = vector.broadcast %shift_right_arithmetic3A_1670 : i32 to vector<16xi32>
          %shift_right_arithmetic3A_1672 = arith.shrsi %bitcast_convert_type3A_1666, %shift_right_arithmetic3A_1671 : vector<16xi32>
          %and3A_1673 = arith.constant 1 : i32
          %and3A_1674 = vector.broadcast %and3A_1673 : i32 to vector<16xi32>
          %and3A_1675 = arith.andi %shift_right_arithmetic3A_1672, %and3A_1674 : vector<16xi32>
          %add3A_1676 = arith.addi %add3A_1669, %and3A_1675 : vector<16xi32>
          %and3A_1677 = arith.constant -65536 : i32
          %and3A_1678 = vector.broadcast %and3A_1677 : i32 to vector<16xi32>
          %and3A_1679 = arith.andi %add3A_1676, %and3A_1678 : vector<16xi32>
          %bitcast_convert_type3A_1680 = tpu.bitcast %and3A_1679 : vector<16xi32> -> vector<16xf32>
          %bitcast_convert_type3A_1681 = tpu.bitcast %sub3A_1651 : vector<16xf32> -> vector<16xi32>
          %add3A_1682 = arith.constant 32767 : i32
          %add3A_1683 = vector.broadcast %add3A_1682 : i32 to vector<16xi32>
          %add3A_1684 = arith.addi %bitcast_convert_type3A_1681, %add3A_1683 : vector<16xi32>
          %shift_right_arithmetic3A_1685 = arith.constant 16 : i32
          %shift_right_arithmetic3A_1686 = vector.broadcast %shift_right_arithmetic3A_1685 : i32 to vector<16xi32>
          %shift_right_arithmetic3A_1687 = arith.shrsi %bitcast_convert_type3A_1681, %shift_right_arithmetic3A_1686 : vector<16xi32>
          %and3A_1688 = arith.constant 1 : i32
          %and3A_1689 = vector.broadcast %and3A_1688 : i32 to vector<16xi32>
          %and3A_1690 = arith.andi %shift_right_arithmetic3A_1687, %and3A_1689 : vector<16xi32>
          %add3A_1691 = arith.addi %add3A_1684, %and3A_1690 : vector<16xi32>
          %and3A_1692 = arith.constant -65536 : i32
          %and3A_1693 = vector.broadcast %and3A_1692 : i32 to vector<16xi32>
          %and3A_1694 = arith.andi %add3A_1691, %and3A_1693 : vector<16xi32>
          %bitcast_convert_type3A_1695 = tpu.bitcast %and3A_1694 : vector<16xi32> -> vector<16xf32>
          %bitcast_convert_type3A_1696 = tpu.bitcast %add3A_1654 : vector<16xf32> -> vector<16xi32>
          %add3A_1697 = arith.constant 32767 : i32
          %add3A_1698 = vector.broadcast %add3A_1697 : i32 to vector<16xi32>
          %add3A_1699 = arith.addi %bitcast_convert_type3A_1696, %add3A_1698 : vector<16xi32>
          %shift_right_arithmetic3A_1700 = arith.constant 16 : i32
          %shift_right_arithmetic3A_1701 = vector.broadcast %shift_right_arithmetic3A_1700 : i32 to vector<16xi32>
          %shift_right_arithmetic3A_1702 = arith.shrsi %bitcast_convert_type3A_1696, %shift_right_arithmetic3A_1701 : vector<16xi32>
          %and3A_1703 = arith.constant 1 : i32
          %and3A_1704 = vector.broadcast %and3A_1703 : i32 to vector<16xi32>
          %and3A_1705 = arith.andi %shift_right_arithmetic3A_1702, %and3A_1704 : vector<16xi32>
          %add3A_1706 = arith.addi %add3A_1699, %and3A_1705 : vector<16xi32>
          %and3A_1707 = arith.constant -65536 : i32
          %and3A_1708 = vector.broadcast %and3A_1707 : i32 to vector<16xi32>
          %and3A_1709 = arith.andi %add3A_1706, %and3A_1708 : vector<16xi32>
          %bitcast_convert_type3A_1710 = tpu.bitcast %and3A_1709 : vector<16xi32> -> vector<16xf32>
          %bitcast_convert_type3A_1711 = tpu.bitcast %bitcast_convert_type3A_1632 : vector<16xf32> -> vector<16xi32>
          %add3A_1712 = arith.constant 32767 : i32
          %add3A_1713 = vector.broadcast %add3A_1712 : i32 to vector<16xi32>
          %add3A_1714 = arith.addi %bitcast_convert_type3A_1711, %add3A_1713 : vector<16xi32>
          %shift_right_arithmetic3A_1715 = arith.constant 16 : i32
          %shift_right_arithmetic3A_1716 = vector.broadcast %shift_right_arithmetic3A_1715 : i32 to vector<16xi32>
          %shift_right_arithmetic3A_1717 = arith.shrsi %bitcast_convert_type3A_1711, %shift_right_arithmetic3A_1716 : vector<16xi32>
          %and3A_1718 = arith.constant 1 : i32
          %and3A_1719 = vector.broadcast %and3A_1718 : i32 to vector<16xi32>
          %and3A_1720 = arith.andi %shift_right_arithmetic3A_1717, %and3A_1719 : vector<16xi32>
          %add3A_1721 = arith.addi %add3A_1714, %and3A_1720 : vector<16xi32>
          %and3A_1722 = arith.constant -65536 : i32
          %and3A_1723 = vector.broadcast %and3A_1722 : i32 to vector<16xi32>
          %and3A_1724 = arith.andi %add3A_1721, %and3A_1723 : vector<16xi32>
          %bitcast_convert_type3A_1725 = tpu.bitcast %and3A_1724 : vector<16xi32> -> vector<16xf32>
          %bitcast_convert_type3A_1726 = tpu.bitcast %add3A_1657 : vector<16xf32> -> vector<16xi32>
          %add3A_1727 = arith.constant 32767 : i32
          %add3A_1728 = vector.broadcast %add3A_1727 : i32 to vector<16xi32>
          %add3A_1729 = arith.addi %bitcast_convert_type3A_1726, %add3A_1728 : vector<16xi32>
          %shift_right_arithmetic3A_1730 = arith.constant 16 : i32
          %shift_right_arithmetic3A_1731 = vector.broadcast %shift_right_arithmetic3A_1730 : i32 to vector<16xi32>
          %shift_right_arithmetic3A_1732 = arith.shrsi %bitcast_convert_type3A_1726, %shift_right_arithmetic3A_1731 : vector<16xi32>
          %and3A_1733 = arith.constant 1 : i32
          %and3A_1734 = vector.broadcast %and3A_1733 : i32 to vector<16xi32>
          %and3A_1735 = arith.andi %shift_right_arithmetic3A_1732, %and3A_1734 : vector<16xi32>
          %add3A_1736 = arith.addi %add3A_1729, %and3A_1735 : vector<16xi32>
          %and3A_1737 = arith.constant -65536 : i32
          %and3A_1738 = vector.broadcast %and3A_1737 : i32 to vector<16xi32>
          %and3A_1739 = arith.andi %add3A_1736, %and3A_1738 : vector<16xi32>
          %bitcast_convert_type3A_1740 = tpu.bitcast %and3A_1739 : vector<16xi32> -> vector<16xf32>
          %bitcast_convert_type3A_1741 = tpu.bitcast %sub3A_1660 : vector<16xf32> -> vector<16xi32>
          %add3A_1742 = arith.constant 32767 : i32
          %add3A_1743 = vector.broadcast %add3A_1742 : i32 to vector<16xi32>
          %add3A_1744 = arith.addi %bitcast_convert_type3A_1741, %add3A_1743 : vector<16xi32>
          %shift_right_arithmetic3A_1745 = arith.constant 16 : i32
          %shift_right_arithmetic3A_1746 = vector.broadcast %shift_right_arithmetic3A_1745 : i32 to vector<16xi32>
          %shift_right_arithmetic3A_1747 = arith.shrsi %bitcast_convert_type3A_1741, %shift_right_arithmetic3A_1746 : vector<16xi32>
          %and3A_1748 = arith.constant 1 : i32
          %and3A_1749 = vector.broadcast %and3A_1748 : i32 to vector<16xi32>
          %and3A_1750 = arith.andi %shift_right_arithmetic3A_1747, %and3A_1749 : vector<16xi32>
          %add3A_1751 = arith.addi %add3A_1744, %and3A_1750 : vector<16xi32>
          %and3A_1752 = arith.constant -65536 : i32
          %and3A_1753 = vector.broadcast %and3A_1752 : i32 to vector<16xi32>
          %and3A_1754 = arith.andi %add3A_1751, %and3A_1753 : vector<16xi32>
          %bitcast_convert_type3A_1755 = tpu.bitcast %and3A_1754 : vector<16xi32> -> vector<16xf32>
          %bitcast_convert_type3A_1756 = tpu.bitcast %neg3A_1663 : vector<16xf32> -> vector<16xi32>
          %add3A_1757 = arith.constant 32767 : i32
          %add3A_1758 = vector.broadcast %add3A_1757 : i32 to vector<16xi32>
          %add3A_1759 = arith.addi %bitcast_convert_type3A_1756, %add3A_1758 : vector<16xi32>
          %shift_right_arithmetic3A_1760 = arith.constant 16 : i32
          %shift_right_arithmetic3A_1761 = vector.broadcast %shift_right_arithmetic3A_1760 : i32 to vector<16xi32>
          %shift_right_arithmetic3A_1762 = arith.shrsi %bitcast_convert_type3A_1756, %shift_right_arithmetic3A_1761 : vector<16xi32>
          %and3A_1763 = arith.constant 1 : i32
          %and3A_1764 = vector.broadcast %and3A_1763 : i32 to vector<16xi32>
          %and3A_1765 = arith.andi %shift_right_arithmetic3A_1762, %and3A_1764 : vector<16xi32>
          %add3A_1766 = arith.addi %add3A_1759, %and3A_1765 : vector<16xi32>
          %and3A_1767 = arith.constant -65536 : i32
          %and3A_1768 = vector.broadcast %and3A_1767 : i32 to vector<16xi32>
          %and3A_1769 = arith.andi %add3A_1766, %and3A_1768 : vector<16xi32>
          %bitcast_convert_type3A_1770 = tpu.bitcast %and3A_1769 : vector<16xi32> -> vector<16xf32>
          %bitcast_convert_type3A_1771 = tpu.bitcast %mul3A_1664 : vector<16xf32> -> vector<16xi32>
          %add3A_1772 = arith.constant 32767 : i32
          %add3A_1773 = vector.broadcast %add3A_1772 : i32 to vector<16xi32>
          %add3A_1774 = arith.addi %bitcast_convert_type3A_1771, %add3A_1773 : vector<16xi32>
          %shift_right_arithmetic3A_1775 = arith.constant 16 : i32
          %shift_right_arithmetic3A_1776 = vector.broadcast %shift_right_arithmetic3A_1775 : i32 to vector<16xi32>
          %shift_right_arithmetic3A_1777 = arith.shrsi %bitcast_convert_type3A_1771, %shift_right_arithmetic3A_1776 : vector<16xi32>
          %and3A_1778 = arith.constant 1 : i32
          %and3A_1779 = vector.broadcast %and3A_1778 : i32 to vector<16xi32>
          %and3A_1780 = arith.andi %shift_right_arithmetic3A_1777, %and3A_1779 : vector<16xi32>
          %add3A_1781 = arith.addi %add3A_1774, %and3A_1780 : vector<16xi32>
          %and3A_1782 = arith.constant -65536 : i32
          %and3A_1783 = vector.broadcast %and3A_1782 : i32 to vector<16xi32>
          %and3A_1784 = arith.andi %add3A_1781, %and3A_1783 : vector<16xi32>
          %bitcast_convert_type3A_1785 = tpu.bitcast %and3A_1784 : vector<16xi32> -> vector<16xf32>
          %bitcast_convert_type3A_1786 = tpu.bitcast %mul3A_1665 : vector<16xf32> -> vector<16xi32>
          %add3A_1787 = arith.constant 32767 : i32
          %add3A_1788 = vector.broadcast %add3A_1787 : i32 to vector<16xi32>
          %add3A_1789 = arith.addi %bitcast_convert_type3A_1786, %add3A_1788 : vector<16xi32>
          %shift_right_arithmetic3A_1790 = arith.constant 16 : i32
          %shift_right_arithmetic3A_1791 = vector.broadcast %shift_right_arithmetic3A_1790 : i32 to vector<16xi32>
          %shift_right_arithmetic3A_1792 = arith.shrsi %bitcast_convert_type3A_1786, %shift_right_arithmetic3A_1791 : vector<16xi32>
          %and3A_1793 = arith.constant 1 : i32
          %and3A_1794 = vector.broadcast %and3A_1793 : i32 to vector<16xi32>
          %and3A_1795 = arith.andi %shift_right_arithmetic3A_1792, %and3A_1794 : vector<16xi32>
          %add3A_1796 = arith.addi %add3A_1789, %and3A_1795 : vector<16xi32>
          %and3A_1797 = arith.constant -65536 : i32
          %and3A_1798 = vector.broadcast %and3A_1797 : i32 to vector<16xi32>
          %and3A_1799 = arith.andi %add3A_1796, %and3A_1798 : vector<16xi32>
          %bitcast_convert_type3A_1800 = tpu.bitcast %and3A_1799 : vector<16xi32> -> vector<16xf32>
          %bitcast_convert_type3A_1801 = tpu.bitcast %add3A_1214 : vector<16xf32> -> vector<16xi32>
          %add3A_1802 = arith.constant 32767 : i32
          %add3A_1803 = vector.broadcast %add3A_1802 : i32 to vector<16xi32>
          %add3A_1804 = arith.addi %bitcast_convert_type3A_1801, %add3A_1803 : vector<16xi32>
          %shift_right_arithmetic3A_1805 = arith.constant 16 : i32
          %shift_right_arithmetic3A_1806 = vector.broadcast %shift_right_arithmetic3A_1805 : i32 to vector<16xi32>
          %shift_right_arithmetic3A_1807 = arith.shrsi %bitcast_convert_type3A_1801, %shift_right_arithmetic3A_1806 : vector<16xi32>
          %and3A_1808 = arith.constant 1 : i32
          %and3A_1809 = vector.broadcast %and3A_1808 : i32 to vector<16xi32>
          %and3A_1810 = arith.andi %shift_right_arithmetic3A_1807, %and3A_1809 : vector<16xi32>
          %add3A_1811 = arith.addi %add3A_1804, %and3A_1810 : vector<16xi32>
          %and3A_1812 = arith.constant -65536 : i32
          %and3A_1813 = vector.broadcast %and3A_1812 : i32 to vector<16xi32>
          %and3A_1814 = arith.andi %add3A_1811, %and3A_1813 : vector<16xi32>
          %bitcast_convert_type3A_1815 = tpu.bitcast %and3A_1814 : vector<16xi32> -> vector<16xf32>
          %bitcast_convert_type3A_1816 = tpu.bitcast %sub3A_1217 : vector<16xf32> -> vector<16xi32>
          %add3A_1817 = arith.constant 32767 : i32
          %add3A_1818 = vector.broadcast %add3A_1817 : i32 to vector<16xi32>
          %add3A_1819 = arith.addi %bitcast_convert_type3A_1816, %add3A_1818 : vector<16xi32>
          %shift_right_arithmetic3A_1820 = arith.constant 16 : i32
          %shift_right_arithmetic3A_1821 = vector.broadcast %shift_right_arithmetic3A_1820 : i32 to vector<16xi32>
          %shift_right_arithmetic3A_1822 = arith.shrsi %bitcast_convert_type3A_1816, %shift_right_arithmetic3A_1821 : vector<16xi32>
          %and3A_1823 = arith.constant 1 : i32
          %and3A_1824 = vector.broadcast %and3A_1823 : i32 to vector<16xi32>
          %and3A_1825 = arith.andi %shift_right_arithmetic3A_1822, %and3A_1824 : vector<16xi32>
          %add3A_1826 = arith.addi %add3A_1819, %and3A_1825 : vector<16xi32>
          %and3A_1827 = arith.constant -65536 : i32
          %and3A_1828 = vector.broadcast %and3A_1827 : i32 to vector<16xi32>
          %and3A_1829 = arith.andi %add3A_1826, %and3A_1828 : vector<16xi32>
          %bitcast_convert_type3A_1830 = tpu.bitcast %and3A_1829 : vector<16xi32> -> vector<16xf32>
          %bitcast_convert_type3A_1831 = tpu.bitcast %add3A_1220 : vector<16xf32> -> vector<16xi32>
          %add3A_1832 = arith.constant 32767 : i32
          %add3A_1833 = vector.broadcast %add3A_1832 : i32 to vector<16xi32>
          %add3A_1834 = arith.addi %bitcast_convert_type3A_1831, %add3A_1833 : vector<16xi32>
          %shift_right_arithmetic3A_1835 = arith.constant 16 : i32
          %shift_right_arithmetic3A_1836 = vector.broadcast %shift_right_arithmetic3A_1835 : i32 to vector<16xi32>
          %shift_right_arithmetic3A_1837 = arith.shrsi %bitcast_convert_type3A_1831, %shift_right_arithmetic3A_1836 : vector<16xi32>
          %and3A_1838 = arith.constant 1 : i32
          %and3A_1839 = vector.broadcast %and3A_1838 : i32 to vector<16xi32>
          %and3A_1840 = arith.andi %shift_right_arithmetic3A_1837, %and3A_1839 : vector<16xi32>
          %add3A_1841 = arith.addi %add3A_1834, %and3A_1840 : vector<16xi32>
          %and3A_1842 = arith.constant -65536 : i32
          %and3A_1843 = vector.broadcast %and3A_1842 : i32 to vector<16xi32>
          %and3A_1844 = arith.andi %add3A_1841, %and3A_1843 : vector<16xi32>
          %bitcast_convert_type3A_1845 = tpu.bitcast %and3A_1844 : vector<16xi32> -> vector<16xf32>
          %bitcast_convert_type3A_1846 = tpu.bitcast %add3A_1223 : vector<16xf32> -> vector<16xi32>
          %add3A_1847 = arith.constant 32767 : i32
          %add3A_1848 = vector.broadcast %add3A_1847 : i32 to vector<16xi32>
          %add3A_1849 = arith.addi %bitcast_convert_type3A_1846, %add3A_1848 : vector<16xi32>
          %shift_right_arithmetic3A_1850 = arith.constant 16 : i32
          %shift_right_arithmetic3A_1851 = vector.broadcast %shift_right_arithmetic3A_1850 : i32 to vector<16xi32>
          %shift_right_arithmetic3A_1852 = arith.shrsi %bitcast_convert_type3A_1846, %shift_right_arithmetic3A_1851 : vector<16xi32>
          %and3A_1853 = arith.constant 1 : i32
          %and3A_1854 = vector.broadcast %and3A_1853 : i32 to vector<16xi32>
          %and3A_1855 = arith.andi %shift_right_arithmetic3A_1852, %and3A_1854 : vector<16xi32>
          %add3A_1856 = arith.addi %add3A_1849, %and3A_1855 : vector<16xi32>
          %and3A_1857 = arith.constant -65536 : i32
          %and3A_1858 = vector.broadcast %and3A_1857 : i32 to vector<16xi32>
          %and3A_1859 = arith.andi %add3A_1856, %and3A_1858 : vector<16xi32>
          %bitcast_convert_type3A_1860 = tpu.bitcast %and3A_1859 : vector<16xi32> -> vector<16xf32>
          %bitcast_convert_type3A_1861 = tpu.bitcast %add3A_1225 : vector<16xf32> -> vector<16xi32>
          %add3A_1862 = arith.constant 32767 : i32
          %add3A_1863 = vector.broadcast %add3A_1862 : i32 to vector<16xi32>
          %add3A_1864 = arith.addi %bitcast_convert_type3A_1861, %add3A_1863 : vector<16xi32>
          %shift_right_arithmetic3A_1865 = arith.constant 16 : i32
          %shift_right_arithmetic3A_1866 = vector.broadcast %shift_right_arithmetic3A_1865 : i32 to vector<16xi32>
          %shift_right_arithmetic3A_1867 = arith.shrsi %bitcast_convert_type3A_1861, %shift_right_arithmetic3A_1866 : vector<16xi32>
          %and3A_1868 = arith.constant 1 : i32
          %and3A_1869 = vector.broadcast %and3A_1868 : i32 to vector<16xi32>
          %and3A_1870 = arith.andi %shift_right_arithmetic3A_1867, %and3A_1869 : vector<16xi32>
          %add3A_1871 = arith.addi %add3A_1864, %and3A_1870 : vector<16xi32>
          %and3A_1872 = arith.constant -65536 : i32
          %and3A_1873 = vector.broadcast %and3A_1872 : i32 to vector<16xi32>
          %and3A_1874 = arith.andi %add3A_1871, %and3A_1873 : vector<16xi32>
          %bitcast_convert_type3A_1875 = tpu.bitcast %and3A_1874 : vector<16xi32> -> vector<16xf32>
          %bitcast_convert_type3A_1876 = tpu.bitcast %sub3A_1228 : vector<16xf32> -> vector<16xi32>
          %add3A_1877 = arith.constant 32767 : i32
          %add3A_1878 = vector.broadcast %add3A_1877 : i32 to vector<16xi32>
          %add3A_1879 = arith.addi %bitcast_convert_type3A_1876, %add3A_1878 : vector<16xi32>
          %shift_right_arithmetic3A_1880 = arith.constant 16 : i32
          %shift_right_arithmetic3A_1881 = vector.broadcast %shift_right_arithmetic3A_1880 : i32 to vector<16xi32>
          %shift_right_arithmetic3A_1882 = arith.shrsi %bitcast_convert_type3A_1876, %shift_right_arithmetic3A_1881 : vector<16xi32>
          %and3A_1883 = arith.constant 1 : i32
          %and3A_1884 = vector.broadcast %and3A_1883 : i32 to vector<16xi32>
          %and3A_1885 = arith.andi %shift_right_arithmetic3A_1882, %and3A_1884 : vector<16xi32>
          %add3A_1886 = arith.addi %add3A_1879, %and3A_1885 : vector<16xi32>
          %and3A_1887 = arith.constant -65536 : i32
          %and3A_1888 = vector.broadcast %and3A_1887 : i32 to vector<16xi32>
          %and3A_1889 = arith.andi %add3A_1886, %and3A_1888 : vector<16xi32>
          %bitcast_convert_type3A_1890 = tpu.bitcast %and3A_1889 : vector<16xi32> -> vector<16xf32>
          %bitcast_convert_type3A_1891 = tpu.bitcast %sub3A_1231 : vector<16xf32> -> vector<16xi32>
          %add3A_1892 = arith.constant 32767 : i32
          %add3A_1893 = vector.broadcast %add3A_1892 : i32 to vector<16xi32>
          %add3A_1894 = arith.addi %bitcast_convert_type3A_1891, %add3A_1893 : vector<16xi32>
          %shift_right_arithmetic3A_1895 = arith.constant 16 : i32
          %shift_right_arithmetic3A_1896 = vector.broadcast %shift_right_arithmetic3A_1895 : i32 to vector<16xi32>
          %shift_right_arithmetic3A_1897 = arith.shrsi %bitcast_convert_type3A_1891, %shift_right_arithmetic3A_1896 : vector<16xi32>
          %and3A_1898 = arith.constant 1 : i32
          %and3A_1899 = vector.broadcast %and3A_1898 : i32 to vector<16xi32>
          %and3A_1900 = arith.andi %shift_right_arithmetic3A_1897, %and3A_1899 : vector<16xi32>
          %add3A_1901 = arith.addi %add3A_1894, %and3A_1900 : vector<16xi32>
          %and3A_1902 = arith.constant -65536 : i32
          %and3A_1903 = vector.broadcast %and3A_1902 : i32 to vector<16xi32>
          %and3A_1904 = arith.andi %add3A_1901, %and3A_1903 : vector<16xi32>
          %bitcast_convert_type3A_1905 = tpu.bitcast %and3A_1904 : vector<16xi32> -> vector<16xf32>
          %bitcast_convert_type3A_1906 = tpu.bitcast %add3A_1234 : vector<16xf32> -> vector<16xi32>
          %add3A_1907 = arith.constant 32767 : i32
          %add3A_1908 = vector.broadcast %add3A_1907 : i32 to vector<16xi32>
          %add3A_1909 = arith.addi %bitcast_convert_type3A_1906, %add3A_1908 : vector<16xi32>
          %shift_right_arithmetic3A_1910 = arith.constant 16 : i32
          %shift_right_arithmetic3A_1911 = vector.broadcast %shift_right_arithmetic3A_1910 : i32 to vector<16xi32>
          %shift_right_arithmetic3A_1912 = arith.shrsi %bitcast_convert_type3A_1906, %shift_right_arithmetic3A_1911 : vector<16xi32>
          %and3A_1913 = arith.constant 1 : i32
          %and3A_1914 = vector.broadcast %and3A_1913 : i32 to vector<16xi32>
          %and3A_1915 = arith.andi %shift_right_arithmetic3A_1912, %and3A_1914 : vector<16xi32>
          %add3A_1916 = arith.addi %add3A_1909, %and3A_1915 : vector<16xi32>
          %and3A_1917 = arith.constant -65536 : i32
          %and3A_1918 = vector.broadcast %and3A_1917 : i32 to vector<16xi32>
          %and3A_1919 = arith.andi %add3A_1916, %and3A_1918 : vector<16xi32>
          %bitcast_convert_type3A_1920 = tpu.bitcast %and3A_1919 : vector<16xi32> -> vector<16xf32>
          %bitcast_convert_type3A_1921 = tpu.bitcast %add3A_1236 : vector<16xf32> -> vector<16xi32>
          %add3A_1922 = arith.constant 32767 : i32
          %add3A_1923 = vector.broadcast %add3A_1922 : i32 to vector<16xi32>
          %add3A_1924 = arith.addi %bitcast_convert_type3A_1921, %add3A_1923 : vector<16xi32>
          %shift_right_arithmetic3A_1925 = arith.constant 16 : i32
          %shift_right_arithmetic3A_1926 = vector.broadcast %shift_right_arithmetic3A_1925 : i32 to vector<16xi32>
          %shift_right_arithmetic3A_1927 = arith.shrsi %bitcast_convert_type3A_1921, %shift_right_arithmetic3A_1926 : vector<16xi32>
          %and3A_1928 = arith.constant 1 : i32
          %and3A_1929 = vector.broadcast %and3A_1928 : i32 to vector<16xi32>
          %and3A_1930 = arith.andi %shift_right_arithmetic3A_1927, %and3A_1929 : vector<16xi32>
          %add3A_1931 = arith.addi %add3A_1924, %and3A_1930 : vector<16xi32>
          %and3A_1932 = arith.constant -65536 : i32
          %and3A_1933 = vector.broadcast %and3A_1932 : i32 to vector<16xi32>
          %and3A_1934 = arith.andi %add3A_1931, %and3A_1933 : vector<16xi32>
          %bitcast_convert_type3A_1935 = tpu.bitcast %and3A_1934 : vector<16xi32> -> vector<16xf32>
          %mul3A_1936 = arith.mulf %bitcast_convert_type3A_1680, %bitcast_convert_type3A_1815 : vector<16xf32>
          %mul3A_1937 = arith.mulf %bitcast_convert_type3A_1695, %bitcast_convert_type3A_1860 : vector<16xf32>
          %add3A_1938 = arith.addf %mul3A_1936, %mul3A_1937 : vector<16xf32>
          %mul3A_1939 = arith.mulf %bitcast_convert_type3A_1710, %bitcast_convert_type3A_1905 : vector<16xf32>
          %add3A_1940 = arith.addf %add3A_1938, %mul3A_1939 : vector<16xf32>
          %mul3A_1941 = arith.mulf %bitcast_convert_type3A_1680, %bitcast_convert_type3A_1830 : vector<16xf32>
          %mul3A_1942 = arith.mulf %bitcast_convert_type3A_1695, %bitcast_convert_type3A_1875 : vector<16xf32>
          %add3A_1943 = arith.addf %mul3A_1941, %mul3A_1942 : vector<16xf32>
          %mul3A_1944 = arith.mulf %bitcast_convert_type3A_1710, %bitcast_convert_type3A_1920 : vector<16xf32>
          %add3A_1945 = arith.addf %add3A_1943, %mul3A_1944 : vector<16xf32>
          %mul3A_1946 = arith.mulf %bitcast_convert_type3A_1680, %bitcast_convert_type3A_1845 : vector<16xf32>
          %mul3A_1947 = arith.mulf %bitcast_convert_type3A_1695, %bitcast_convert_type3A_1890 : vector<16xf32>
          %add3A_1948 = arith.addf %mul3A_1946, %mul3A_1947 : vector<16xf32>
          %mul3A_1949 = arith.mulf %bitcast_convert_type3A_1710, %bitcast_convert_type3A_1935 : vector<16xf32>
          %add3A_1950 = arith.addf %add3A_1948, %mul3A_1949 : vector<16xf32>
          %mul3A_1951 = arith.mulf %bitcast_convert_type3A_1725, %bitcast_convert_type3A_1815 : vector<16xf32>
          %mul3A_1952 = arith.mulf %bitcast_convert_type3A_1740, %bitcast_convert_type3A_1860 : vector<16xf32>
          %add3A_1953 = arith.addf %mul3A_1951, %mul3A_1952 : vector<16xf32>
          %mul3A_1954 = arith.mulf %bitcast_convert_type3A_1755, %bitcast_convert_type3A_1905 : vector<16xf32>
          %add3A_1955 = arith.addf %add3A_1953, %mul3A_1954 : vector<16xf32>
          %mul3A_1956 = arith.mulf %bitcast_convert_type3A_1725, %bitcast_convert_type3A_1830 : vector<16xf32>
          %mul3A_1957 = arith.mulf %bitcast_convert_type3A_1740, %bitcast_convert_type3A_1875 : vector<16xf32>
          %add3A_1958 = arith.addf %mul3A_1956, %mul3A_1957 : vector<16xf32>
          %mul3A_1959 = arith.mulf %bitcast_convert_type3A_1755, %bitcast_convert_type3A_1920 : vector<16xf32>
          %add3A_1960 = arith.addf %add3A_1958, %mul3A_1959 : vector<16xf32>
          %mul3A_1961 = arith.mulf %bitcast_convert_type3A_1725, %bitcast_convert_type3A_1845 : vector<16xf32>
          %mul3A_1962 = arith.mulf %bitcast_convert_type3A_1740, %bitcast_convert_type3A_1890 : vector<16xf32>
          %add3A_1963 = arith.addf %mul3A_1961, %mul3A_1962 : vector<16xf32>
          %mul3A_1964 = arith.mulf %bitcast_convert_type3A_1755, %bitcast_convert_type3A_1935 : vector<16xf32>
          %add3A_1965 = arith.addf %add3A_1963, %mul3A_1964 : vector<16xf32>
          %mul3A_1966 = arith.mulf %bitcast_convert_type3A_1770, %bitcast_convert_type3A_1815 : vector<16xf32>
          %mul3A_1967 = arith.mulf %bitcast_convert_type3A_1785, %bitcast_convert_type3A_1860 : vector<16xf32>
          %add3A_1968 = arith.addf %mul3A_1966, %mul3A_1967 : vector<16xf32>
          %mul3A_1969 = arith.mulf %bitcast_convert_type3A_1800, %bitcast_convert_type3A_1905 : vector<16xf32>
          %add3A_1970 = arith.addf %add3A_1968, %mul3A_1969 : vector<16xf32>
          %mul3A_1971 = arith.mulf %bitcast_convert_type3A_1770, %bitcast_convert_type3A_1830 : vector<16xf32>
          %mul3A_1972 = arith.mulf %bitcast_convert_type3A_1785, %bitcast_convert_type3A_1875 : vector<16xf32>
          %add3A_1973 = arith.addf %mul3A_1971, %mul3A_1972 : vector<16xf32>
          %mul3A_1974 = arith.mulf %bitcast_convert_type3A_1800, %bitcast_convert_type3A_1920 : vector<16xf32>
          %add3A_1975 = arith.addf %add3A_1973, %mul3A_1974 : vector<16xf32>
          %mul3A_1976 = arith.mulf %bitcast_convert_type3A_1770, %bitcast_convert_type3A_1845 : vector<16xf32>
          %mul3A_1977 = arith.mulf %bitcast_convert_type3A_1785, %bitcast_convert_type3A_1890 : vector<16xf32>
          %add3A_1978 = arith.addf %mul3A_1976, %mul3A_1977 : vector<16xf32>
          %mul3A_1979 = arith.mulf %bitcast_convert_type3A_1800, %bitcast_convert_type3A_1935 : vector<16xf32>
          %add3A_1980 = arith.addf %add3A_1978, %mul3A_1979 : vector<16xf32>
          %bitcast_convert_type3A_1981 = tpu.bitcast %scan3A_1009 : vector<16xf32> -> vector<16xi32>
          %add3A_1982 = arith.constant 32767 : i32
          %add3A_1983 = vector.broadcast %add3A_1982 : i32 to vector<16xi32>
          %add3A_1984 = arith.addi %bitcast_convert_type3A_1981, %add3A_1983 : vector<16xi32>
          %shift_right_arithmetic3A_1985 = arith.constant 16 : i32
          %shift_right_arithmetic3A_1986 = vector.broadcast %shift_right_arithmetic3A_1985 : i32 to vector<16xi32>
          %shift_right_arithmetic3A_1987 = arith.shrsi %bitcast_convert_type3A_1981, %shift_right_arithmetic3A_1986 : vector<16xi32>
          %and3A_1988 = arith.constant 1 : i32
          %and3A_1989 = vector.broadcast %and3A_1988 : i32 to vector<16xi32>
          %and3A_1990 = arith.andi %shift_right_arithmetic3A_1987, %and3A_1989 : vector<16xi32>
          %add3A_1991 = arith.addi %add3A_1984, %and3A_1990 : vector<16xi32>
          %and3A_1992 = arith.constant -65536 : i32
          %and3A_1993 = vector.broadcast %and3A_1992 : i32 to vector<16xi32>
          %and3A_1994 = arith.andi %add3A_1991, %and3A_1993 : vector<16xi32>
          %bitcast_convert_type3A_1995 = tpu.bitcast %and3A_1994 : vector<16xi32> -> vector<16xf32>
          %bitcast_convert_type3A_1996 = tpu.bitcast %scan3A_1010 : vector<16xf32> -> vector<16xi32>
          %add3A_1997 = arith.constant 32767 : i32
          %add3A_1998 = vector.broadcast %add3A_1997 : i32 to vector<16xi32>
          %add3A_1999 = arith.addi %bitcast_convert_type3A_1996, %add3A_1998 : vector<16xi32>
          %shift_right_arithmetic3A_2000 = arith.constant 16 : i32
          %shift_right_arithmetic3A_2001 = vector.broadcast %shift_right_arithmetic3A_2000 : i32 to vector<16xi32>
          %shift_right_arithmetic3A_2002 = arith.shrsi %bitcast_convert_type3A_1996, %shift_right_arithmetic3A_2001 : vector<16xi32>
          %and3A_2003 = arith.constant 1 : i32
          %and3A_2004 = vector.broadcast %and3A_2003 : i32 to vector<16xi32>
          %and3A_2005 = arith.andi %shift_right_arithmetic3A_2002, %and3A_2004 : vector<16xi32>
          %add3A_2006 = arith.addi %add3A_1999, %and3A_2005 : vector<16xi32>
          %and3A_2007 = arith.constant -65536 : i32
          %and3A_2008 = vector.broadcast %and3A_2007 : i32 to vector<16xi32>
          %and3A_2009 = arith.andi %add3A_2006, %and3A_2008 : vector<16xi32>
          %bitcast_convert_type3A_2010 = tpu.bitcast %and3A_2009 : vector<16xi32> -> vector<16xf32>
          %bitcast_convert_type3A_2011 = tpu.bitcast %scan3A_1011 : vector<16xf32> -> vector<16xi32>
          %add3A_2012 = arith.constant 32767 : i32
          %add3A_2013 = vector.broadcast %add3A_2012 : i32 to vector<16xi32>
          %add3A_2014 = arith.addi %bitcast_convert_type3A_2011, %add3A_2013 : vector<16xi32>
          %shift_right_arithmetic3A_2015 = arith.constant 16 : i32
          %shift_right_arithmetic3A_2016 = vector.broadcast %shift_right_arithmetic3A_2015 : i32 to vector<16xi32>
          %shift_right_arithmetic3A_2017 = arith.shrsi %bitcast_convert_type3A_2011, %shift_right_arithmetic3A_2016 : vector<16xi32>
          %and3A_2018 = arith.constant 1 : i32
          %and3A_2019 = vector.broadcast %and3A_2018 : i32 to vector<16xi32>
          %and3A_2020 = arith.andi %shift_right_arithmetic3A_2017, %and3A_2019 : vector<16xi32>
          %add3A_2021 = arith.addi %add3A_2014, %and3A_2020 : vector<16xi32>
          %and3A_2022 = arith.constant -65536 : i32
          %and3A_2023 = vector.broadcast %and3A_2022 : i32 to vector<16xi32>
          %and3A_2024 = arith.andi %add3A_2021, %and3A_2023 : vector<16xi32>
          %bitcast_convert_type3A_2025 = tpu.bitcast %and3A_2024 : vector<16xi32> -> vector<16xf32>
          %bitcast_convert_type3A_2026 = tpu.bitcast %scan3A_1012 : vector<16xf32> -> vector<16xi32>
          %add3A_2027 = arith.constant 32767 : i32
          %add3A_2028 = vector.broadcast %add3A_2027 : i32 to vector<16xi32>
          %add3A_2029 = arith.addi %bitcast_convert_type3A_2026, %add3A_2028 : vector<16xi32>
          %shift_right_arithmetic3A_2030 = arith.constant 16 : i32
          %shift_right_arithmetic3A_2031 = vector.broadcast %shift_right_arithmetic3A_2030 : i32 to vector<16xi32>
          %shift_right_arithmetic3A_2032 = arith.shrsi %bitcast_convert_type3A_2026, %shift_right_arithmetic3A_2031 : vector<16xi32>
          %and3A_2033 = arith.constant 1 : i32
          %and3A_2034 = vector.broadcast %and3A_2033 : i32 to vector<16xi32>
          %and3A_2035 = arith.andi %shift_right_arithmetic3A_2032, %and3A_2034 : vector<16xi32>
          %add3A_2036 = arith.addi %add3A_2029, %and3A_2035 : vector<16xi32>
          %and3A_2037 = arith.constant -65536 : i32
          %and3A_2038 = vector.broadcast %and3A_2037 : i32 to vector<16xi32>
          %and3A_2039 = arith.andi %add3A_2036, %and3A_2038 : vector<16xi32>
          %bitcast_convert_type3A_2040 = tpu.bitcast %and3A_2039 : vector<16xi32> -> vector<16xf32>
          %bitcast_convert_type3A_2041 = tpu.bitcast %scan3A_1013 : vector<16xf32> -> vector<16xi32>
          %add3A_2042 = arith.constant 32767 : i32
          %add3A_2043 = vector.broadcast %add3A_2042 : i32 to vector<16xi32>
          %add3A_2044 = arith.addi %bitcast_convert_type3A_2041, %add3A_2043 : vector<16xi32>
          %shift_right_arithmetic3A_2045 = arith.constant 16 : i32
          %shift_right_arithmetic3A_2046 = vector.broadcast %shift_right_arithmetic3A_2045 : i32 to vector<16xi32>
          %shift_right_arithmetic3A_2047 = arith.shrsi %bitcast_convert_type3A_2041, %shift_right_arithmetic3A_2046 : vector<16xi32>
          %and3A_2048 = arith.constant 1 : i32
          %and3A_2049 = vector.broadcast %and3A_2048 : i32 to vector<16xi32>
          %and3A_2050 = arith.andi %shift_right_arithmetic3A_2047, %and3A_2049 : vector<16xi32>
          %add3A_2051 = arith.addi %add3A_2044, %and3A_2050 : vector<16xi32>
          %and3A_2052 = arith.constant -65536 : i32
          %and3A_2053 = vector.broadcast %and3A_2052 : i32 to vector<16xi32>
          %and3A_2054 = arith.andi %add3A_2051, %and3A_2053 : vector<16xi32>
          %bitcast_convert_type3A_2055 = tpu.bitcast %and3A_2054 : vector<16xi32> -> vector<16xf32>
          %bitcast_convert_type3A_2056 = tpu.bitcast %scan3A_1014 : vector<16xf32> -> vector<16xi32>
          %add3A_2057 = arith.constant 32767 : i32
          %add3A_2058 = vector.broadcast %add3A_2057 : i32 to vector<16xi32>
          %add3A_2059 = arith.addi %bitcast_convert_type3A_2056, %add3A_2058 : vector<16xi32>
          %shift_right_arithmetic3A_2060 = arith.constant 16 : i32
          %shift_right_arithmetic3A_2061 = vector.broadcast %shift_right_arithmetic3A_2060 : i32 to vector<16xi32>
          %shift_right_arithmetic3A_2062 = arith.shrsi %bitcast_convert_type3A_2056, %shift_right_arithmetic3A_2061 : vector<16xi32>
          %and3A_2063 = arith.constant 1 : i32
          %and3A_2064 = vector.broadcast %and3A_2063 : i32 to vector<16xi32>
          %and3A_2065 = arith.andi %shift_right_arithmetic3A_2062, %and3A_2064 : vector<16xi32>
          %add3A_2066 = arith.addi %add3A_2059, %and3A_2065 : vector<16xi32>
          %and3A_2067 = arith.constant -65536 : i32
          %and3A_2068 = vector.broadcast %and3A_2067 : i32 to vector<16xi32>
          %and3A_2069 = arith.andi %add3A_2066, %and3A_2068 : vector<16xi32>
          %bitcast_convert_type3A_2070 = tpu.bitcast %and3A_2069 : vector<16xi32> -> vector<16xf32>
          %bitcast_convert_type3A_2071 = tpu.bitcast %scan3A_1015 : vector<16xf32> -> vector<16xi32>
          %add3A_2072 = arith.constant 32767 : i32
          %add3A_2073 = vector.broadcast %add3A_2072 : i32 to vector<16xi32>
          %add3A_2074 = arith.addi %bitcast_convert_type3A_2071, %add3A_2073 : vector<16xi32>
          %shift_right_arithmetic3A_2075 = arith.constant 16 : i32
          %shift_right_arithmetic3A_2076 = vector.broadcast %shift_right_arithmetic3A_2075 : i32 to vector<16xi32>
          %shift_right_arithmetic3A_2077 = arith.shrsi %bitcast_convert_type3A_2071, %shift_right_arithmetic3A_2076 : vector<16xi32>
          %and3A_2078 = arith.constant 1 : i32
          %and3A_2079 = vector.broadcast %and3A_2078 : i32 to vector<16xi32>
          %and3A_2080 = arith.andi %shift_right_arithmetic3A_2077, %and3A_2079 : vector<16xi32>
          %add3A_2081 = arith.addi %add3A_2074, %and3A_2080 : vector<16xi32>
          %and3A_2082 = arith.constant -65536 : i32
          %and3A_2083 = vector.broadcast %and3A_2082 : i32 to vector<16xi32>
          %and3A_2084 = arith.andi %add3A_2081, %and3A_2083 : vector<16xi32>
          %bitcast_convert_type3A_2085 = tpu.bitcast %and3A_2084 : vector<16xi32> -> vector<16xf32>
          %bitcast_convert_type3A_2086 = tpu.bitcast %scan3A_1016 : vector<16xf32> -> vector<16xi32>
          %add3A_2087 = arith.constant 32767 : i32
          %add3A_2088 = vector.broadcast %add3A_2087 : i32 to vector<16xi32>
          %add3A_2089 = arith.addi %bitcast_convert_type3A_2086, %add3A_2088 : vector<16xi32>
          %shift_right_arithmetic3A_2090 = arith.constant 16 : i32
          %shift_right_arithmetic3A_2091 = vector.broadcast %shift_right_arithmetic3A_2090 : i32 to vector<16xi32>
          %shift_right_arithmetic3A_2092 = arith.shrsi %bitcast_convert_type3A_2086, %shift_right_arithmetic3A_2091 : vector<16xi32>
          %and3A_2093 = arith.constant 1 : i32
          %and3A_2094 = vector.broadcast %and3A_2093 : i32 to vector<16xi32>
          %and3A_2095 = arith.andi %shift_right_arithmetic3A_2092, %and3A_2094 : vector<16xi32>
          %add3A_2096 = arith.addi %add3A_2089, %and3A_2095 : vector<16xi32>
          %and3A_2097 = arith.constant -65536 : i32
          %and3A_2098 = vector.broadcast %and3A_2097 : i32 to vector<16xi32>
          %and3A_2099 = arith.andi %add3A_2096, %and3A_2098 : vector<16xi32>
          %bitcast_convert_type3A_2100 = tpu.bitcast %and3A_2099 : vector<16xi32> -> vector<16xf32>
          %bitcast_convert_type3A_2101 = tpu.bitcast %scan3A_1017 : vector<16xf32> -> vector<16xi32>
          %add3A_2102 = arith.constant 32767 : i32
          %add3A_2103 = vector.broadcast %add3A_2102 : i32 to vector<16xi32>
          %add3A_2104 = arith.addi %bitcast_convert_type3A_2101, %add3A_2103 : vector<16xi32>
          %shift_right_arithmetic3A_2105 = arith.constant 16 : i32
          %shift_right_arithmetic3A_2106 = vector.broadcast %shift_right_arithmetic3A_2105 : i32 to vector<16xi32>
          %shift_right_arithmetic3A_2107 = arith.shrsi %bitcast_convert_type3A_2101, %shift_right_arithmetic3A_2106 : vector<16xi32>
          %and3A_2108 = arith.constant 1 : i32
          %and3A_2109 = vector.broadcast %and3A_2108 : i32 to vector<16xi32>
          %and3A_2110 = arith.andi %shift_right_arithmetic3A_2107, %and3A_2109 : vector<16xi32>
          %add3A_2111 = arith.addi %add3A_2104, %and3A_2110 : vector<16xi32>
          %and3A_2112 = arith.constant -65536 : i32
          %and3A_2113 = vector.broadcast %and3A_2112 : i32 to vector<16xi32>
          %and3A_2114 = arith.andi %add3A_2111, %and3A_2113 : vector<16xi32>
          %bitcast_convert_type3A_2115 = tpu.bitcast %and3A_2114 : vector<16xi32> -> vector<16xf32>
          %bitcast_convert_type3A_2116 = tpu.bitcast %gather3A_1027 : vector<16xf32> -> vector<16xi32>
          %add3A_2117 = arith.constant 32767 : i32
          %add3A_2118 = vector.broadcast %add3A_2117 : i32 to vector<16xi32>
          %add3A_2119 = arith.addi %bitcast_convert_type3A_2116, %add3A_2118 : vector<16xi32>
          %shift_right_arithmetic3A_2120 = arith.constant 16 : i32
          %shift_right_arithmetic3A_2121 = vector.broadcast %shift_right_arithmetic3A_2120 : i32 to vector<16xi32>
          %shift_right_arithmetic3A_2122 = arith.shrsi %bitcast_convert_type3A_2116, %shift_right_arithmetic3A_2121 : vector<16xi32>
          %and3A_2123 = arith.constant 1 : i32
          %and3A_2124 = vector.broadcast %and3A_2123 : i32 to vector<16xi32>
          %and3A_2125 = arith.andi %shift_right_arithmetic3A_2122, %and3A_2124 : vector<16xi32>
          %add3A_2126 = arith.addi %add3A_2119, %and3A_2125 : vector<16xi32>
          %and3A_2127 = arith.constant -65536 : i32
          %and3A_2128 = vector.broadcast %and3A_2127 : i32 to vector<16xi32>
          %and3A_2129 = arith.andi %add3A_2126, %and3A_2128 : vector<16xi32>
          %bitcast_convert_type3A_2130 = tpu.bitcast %and3A_2129 : vector<16xi32> -> vector<16xf32>
          %bitcast_convert_type3A_2131 = tpu.bitcast %gather3A_1028 : vector<16xf32> -> vector<16xi32>
          %add3A_2132 = arith.constant 32767 : i32
          %add3A_2133 = vector.broadcast %add3A_2132 : i32 to vector<16xi32>
          %add3A_2134 = arith.addi %bitcast_convert_type3A_2131, %add3A_2133 : vector<16xi32>
          %shift_right_arithmetic3A_2135 = arith.constant 16 : i32
          %shift_right_arithmetic3A_2136 = vector.broadcast %shift_right_arithmetic3A_2135 : i32 to vector<16xi32>
          %shift_right_arithmetic3A_2137 = arith.shrsi %bitcast_convert_type3A_2131, %shift_right_arithmetic3A_2136 : vector<16xi32>
          %and3A_2138 = arith.constant 1 : i32
          %and3A_2139 = vector.broadcast %and3A_2138 : i32 to vector<16xi32>
          %and3A_2140 = arith.andi %shift_right_arithmetic3A_2137, %and3A_2139 : vector<16xi32>
          %add3A_2141 = arith.addi %add3A_2134, %and3A_2140 : vector<16xi32>
          %and3A_2142 = arith.constant -65536 : i32
          %and3A_2143 = vector.broadcast %and3A_2142 : i32 to vector<16xi32>
          %and3A_2144 = arith.andi %add3A_2141, %and3A_2143 : vector<16xi32>
          %bitcast_convert_type3A_2145 = tpu.bitcast %and3A_2144 : vector<16xi32> -> vector<16xf32>
          %bitcast_convert_type3A_2146 = tpu.bitcast %gather3A_1029 : vector<16xf32> -> vector<16xi32>
          %add3A_2147 = arith.constant 32767 : i32
          %add3A_2148 = vector.broadcast %add3A_2147 : i32 to vector<16xi32>
          %add3A_2149 = arith.addi %bitcast_convert_type3A_2146, %add3A_2148 : vector<16xi32>
          %shift_right_arithmetic3A_2150 = arith.constant 16 : i32
          %shift_right_arithmetic3A_2151 = vector.broadcast %shift_right_arithmetic3A_2150 : i32 to vector<16xi32>
          %shift_right_arithmetic3A_2152 = arith.shrsi %bitcast_convert_type3A_2146, %shift_right_arithmetic3A_2151 : vector<16xi32>
          %and3A_2153 = arith.constant 1 : i32
          %and3A_2154 = vector.broadcast %and3A_2153 : i32 to vector<16xi32>
          %and3A_2155 = arith.andi %shift_right_arithmetic3A_2152, %and3A_2154 : vector<16xi32>
          %add3A_2156 = arith.addi %add3A_2149, %and3A_2155 : vector<16xi32>
          %and3A_2157 = arith.constant -65536 : i32
          %and3A_2158 = vector.broadcast %and3A_2157 : i32 to vector<16xi32>
          %and3A_2159 = arith.andi %add3A_2156, %and3A_2158 : vector<16xi32>
          %bitcast_convert_type3A_2160 = tpu.bitcast %and3A_2159 : vector<16xi32> -> vector<16xf32>
          %mul3A_2161 = arith.mulf %bitcast_convert_type3A_1995, %bitcast_convert_type3A_2130 : vector<16xf32>
          %mul3A_2162 = arith.mulf %bitcast_convert_type3A_2010, %bitcast_convert_type3A_2145 : vector<16xf32>
          %add3A_2163 = arith.addf %mul3A_2161, %mul3A_2162 : vector<16xf32>
          %mul3A_2164 = arith.mulf %bitcast_convert_type3A_2025, %bitcast_convert_type3A_2160 : vector<16xf32>
          %add3A_2165 = arith.addf %add3A_2163, %mul3A_2164 : vector<16xf32>
          %mul3A_2166 = arith.mulf %bitcast_convert_type3A_2040, %bitcast_convert_type3A_2130 : vector<16xf32>
          %mul3A_2167 = arith.mulf %bitcast_convert_type3A_2055, %bitcast_convert_type3A_2145 : vector<16xf32>
          %add3A_2168 = arith.addf %mul3A_2166, %mul3A_2167 : vector<16xf32>
          %mul3A_2169 = arith.mulf %bitcast_convert_type3A_2070, %bitcast_convert_type3A_2160 : vector<16xf32>
          %add3A_2170 = arith.addf %add3A_2168, %mul3A_2169 : vector<16xf32>
          %mul3A_2171 = arith.mulf %bitcast_convert_type3A_2085, %bitcast_convert_type3A_2130 : vector<16xf32>
          %mul3A_2172 = arith.mulf %bitcast_convert_type3A_2100, %bitcast_convert_type3A_2145 : vector<16xf32>
          %add3A_2173 = arith.addf %mul3A_2171, %mul3A_2172 : vector<16xf32>
          %mul3A_2174 = arith.mulf %bitcast_convert_type3A_2115, %bitcast_convert_type3A_2160 : vector<16xf32>
          %add3A_2175 = arith.addf %add3A_2173, %mul3A_2174 : vector<16xf32>
          %add3A_2176 = arith.addf %scan3A_1018, %add3A_2165 : vector<16xf32>
          %add3A_2177 = arith.addf %scan3A_1019, %add3A_2170 : vector<16xf32>
          %add3A_2178 = arith.addf %scan3A_1020, %add3A_2175 : vector<16xf32>
          %add3A_2179 = arith.addf %scan3A_1021, %add3A_2165 : vector<16xf32>
          %add3A_2180 = arith.addf %scan3A_1022, %add3A_2170 : vector<16xf32>
          %add3A_2181 = arith.addf %scan3A_1023, %add3A_2175 : vector<16xf32>
          %bitcast_convert_type3A_2182 = tpu.bitcast %add3A_1940 : vector<16xf32> -> vector<16xi32>
          %add3A_2183 = arith.constant 32767 : i32
          %add3A_2184 = vector.broadcast %add3A_2183 : i32 to vector<16xi32>
          %add3A_2185 = arith.addi %bitcast_convert_type3A_2182, %add3A_2184 : vector<16xi32>
          %shift_right_arithmetic3A_2186 = arith.constant 16 : i32
          %shift_right_arithmetic3A_2187 = vector.broadcast %shift_right_arithmetic3A_2186 : i32 to vector<16xi32>
          %shift_right_arithmetic3A_2188 = arith.shrsi %bitcast_convert_type3A_2182, %shift_right_arithmetic3A_2187 : vector<16xi32>
          %and3A_2189 = arith.constant 1 : i32
          %and3A_2190 = vector.broadcast %and3A_2189 : i32 to vector<16xi32>
          %and3A_2191 = arith.andi %shift_right_arithmetic3A_2188, %and3A_2190 : vector<16xi32>
          %add3A_2192 = arith.addi %add3A_2185, %and3A_2191 : vector<16xi32>
          %and3A_2193 = arith.constant -65536 : i32
          %and3A_2194 = vector.broadcast %and3A_2193 : i32 to vector<16xi32>
          %and3A_2195 = arith.andi %add3A_2192, %and3A_2194 : vector<16xi32>
          %bitcast_convert_type3A_2196 = tpu.bitcast %and3A_2195 : vector<16xi32> -> vector<16xf32>
          %bitcast_convert_type3A_2197 = tpu.bitcast %add3A_1945 : vector<16xf32> -> vector<16xi32>
          %add3A_2198 = arith.constant 32767 : i32
          %add3A_2199 = vector.broadcast %add3A_2198 : i32 to vector<16xi32>
          %add3A_2200 = arith.addi %bitcast_convert_type3A_2197, %add3A_2199 : vector<16xi32>
          %shift_right_arithmetic3A_2201 = arith.constant 16 : i32
          %shift_right_arithmetic3A_2202 = vector.broadcast %shift_right_arithmetic3A_2201 : i32 to vector<16xi32>
          %shift_right_arithmetic3A_2203 = arith.shrsi %bitcast_convert_type3A_2197, %shift_right_arithmetic3A_2202 : vector<16xi32>
          %and3A_2204 = arith.constant 1 : i32
          %and3A_2205 = vector.broadcast %and3A_2204 : i32 to vector<16xi32>
          %and3A_2206 = arith.andi %shift_right_arithmetic3A_2203, %and3A_2205 : vector<16xi32>
          %add3A_2207 = arith.addi %add3A_2200, %and3A_2206 : vector<16xi32>
          %and3A_2208 = arith.constant -65536 : i32
          %and3A_2209 = vector.broadcast %and3A_2208 : i32 to vector<16xi32>
          %and3A_2210 = arith.andi %add3A_2207, %and3A_2209 : vector<16xi32>
          %bitcast_convert_type3A_2211 = tpu.bitcast %and3A_2210 : vector<16xi32> -> vector<16xf32>
          %bitcast_convert_type3A_2212 = tpu.bitcast %add3A_1950 : vector<16xf32> -> vector<16xi32>
          %add3A_2213 = arith.constant 32767 : i32
          %add3A_2214 = vector.broadcast %add3A_2213 : i32 to vector<16xi32>
          %add3A_2215 = arith.addi %bitcast_convert_type3A_2212, %add3A_2214 : vector<16xi32>
          %shift_right_arithmetic3A_2216 = arith.constant 16 : i32
          %shift_right_arithmetic3A_2217 = vector.broadcast %shift_right_arithmetic3A_2216 : i32 to vector<16xi32>
          %shift_right_arithmetic3A_2218 = arith.shrsi %bitcast_convert_type3A_2212, %shift_right_arithmetic3A_2217 : vector<16xi32>
          %and3A_2219 = arith.constant 1 : i32
          %and3A_2220 = vector.broadcast %and3A_2219 : i32 to vector<16xi32>
          %and3A_2221 = arith.andi %shift_right_arithmetic3A_2218, %and3A_2220 : vector<16xi32>
          %add3A_2222 = arith.addi %add3A_2215, %and3A_2221 : vector<16xi32>
          %and3A_2223 = arith.constant -65536 : i32
          %and3A_2224 = vector.broadcast %and3A_2223 : i32 to vector<16xi32>
          %and3A_2225 = arith.andi %add3A_2222, %and3A_2224 : vector<16xi32>
          %bitcast_convert_type3A_2226 = tpu.bitcast %and3A_2225 : vector<16xi32> -> vector<16xf32>
          %bitcast_convert_type3A_2227 = tpu.bitcast %add3A_1955 : vector<16xf32> -> vector<16xi32>
          %add3A_2228 = arith.constant 32767 : i32
          %add3A_2229 = vector.broadcast %add3A_2228 : i32 to vector<16xi32>
          %add3A_2230 = arith.addi %bitcast_convert_type3A_2227, %add3A_2229 : vector<16xi32>
          %shift_right_arithmetic3A_2231 = arith.constant 16 : i32
          %shift_right_arithmetic3A_2232 = vector.broadcast %shift_right_arithmetic3A_2231 : i32 to vector<16xi32>
          %shift_right_arithmetic3A_2233 = arith.shrsi %bitcast_convert_type3A_2227, %shift_right_arithmetic3A_2232 : vector<16xi32>
          %and3A_2234 = arith.constant 1 : i32
          %and3A_2235 = vector.broadcast %and3A_2234 : i32 to vector<16xi32>
          %and3A_2236 = arith.andi %shift_right_arithmetic3A_2233, %and3A_2235 : vector<16xi32>
          %add3A_2237 = arith.addi %add3A_2230, %and3A_2236 : vector<16xi32>
          %and3A_2238 = arith.constant -65536 : i32
          %and3A_2239 = vector.broadcast %and3A_2238 : i32 to vector<16xi32>
          %and3A_2240 = arith.andi %add3A_2237, %and3A_2239 : vector<16xi32>
          %bitcast_convert_type3A_2241 = tpu.bitcast %and3A_2240 : vector<16xi32> -> vector<16xf32>
          %bitcast_convert_type3A_2242 = tpu.bitcast %add3A_1960 : vector<16xf32> -> vector<16xi32>
          %add3A_2243 = arith.constant 32767 : i32
          %add3A_2244 = vector.broadcast %add3A_2243 : i32 to vector<16xi32>
          %add3A_2245 = arith.addi %bitcast_convert_type3A_2242, %add3A_2244 : vector<16xi32>
          %shift_right_arithmetic3A_2246 = arith.constant 16 : i32
          %shift_right_arithmetic3A_2247 = vector.broadcast %shift_right_arithmetic3A_2246 : i32 to vector<16xi32>
          %shift_right_arithmetic3A_2248 = arith.shrsi %bitcast_convert_type3A_2242, %shift_right_arithmetic3A_2247 : vector<16xi32>
          %and3A_2249 = arith.constant 1 : i32
          %and3A_2250 = vector.broadcast %and3A_2249 : i32 to vector<16xi32>
          %and3A_2251 = arith.andi %shift_right_arithmetic3A_2248, %and3A_2250 : vector<16xi32>
          %add3A_2252 = arith.addi %add3A_2245, %and3A_2251 : vector<16xi32>
          %and3A_2253 = arith.constant -65536 : i32
          %and3A_2254 = vector.broadcast %and3A_2253 : i32 to vector<16xi32>
          %and3A_2255 = arith.andi %add3A_2252, %and3A_2254 : vector<16xi32>
          %bitcast_convert_type3A_2256 = tpu.bitcast %and3A_2255 : vector<16xi32> -> vector<16xf32>
          %bitcast_convert_type3A_2257 = tpu.bitcast %add3A_1965 : vector<16xf32> -> vector<16xi32>
          %add3A_2258 = arith.constant 32767 : i32
          %add3A_2259 = vector.broadcast %add3A_2258 : i32 to vector<16xi32>
          %add3A_2260 = arith.addi %bitcast_convert_type3A_2257, %add3A_2259 : vector<16xi32>
          %shift_right_arithmetic3A_2261 = arith.constant 16 : i32
          %shift_right_arithmetic3A_2262 = vector.broadcast %shift_right_arithmetic3A_2261 : i32 to vector<16xi32>
          %shift_right_arithmetic3A_2263 = arith.shrsi %bitcast_convert_type3A_2257, %shift_right_arithmetic3A_2262 : vector<16xi32>
          %and3A_2264 = arith.constant 1 : i32
          %and3A_2265 = vector.broadcast %and3A_2264 : i32 to vector<16xi32>
          %and3A_2266 = arith.andi %shift_right_arithmetic3A_2263, %and3A_2265 : vector<16xi32>
          %add3A_2267 = arith.addi %add3A_2260, %and3A_2266 : vector<16xi32>
          %and3A_2268 = arith.constant -65536 : i32
          %and3A_2269 = vector.broadcast %and3A_2268 : i32 to vector<16xi32>
          %and3A_2270 = arith.andi %add3A_2267, %and3A_2269 : vector<16xi32>
          %bitcast_convert_type3A_2271 = tpu.bitcast %and3A_2270 : vector<16xi32> -> vector<16xf32>
          %bitcast_convert_type3A_2272 = tpu.bitcast %add3A_1970 : vector<16xf32> -> vector<16xi32>
          %add3A_2273 = arith.constant 32767 : i32
          %add3A_2274 = vector.broadcast %add3A_2273 : i32 to vector<16xi32>
          %add3A_2275 = arith.addi %bitcast_convert_type3A_2272, %add3A_2274 : vector<16xi32>
          %shift_right_arithmetic3A_2276 = arith.constant 16 : i32
          %shift_right_arithmetic3A_2277 = vector.broadcast %shift_right_arithmetic3A_2276 : i32 to vector<16xi32>
          %shift_right_arithmetic3A_2278 = arith.shrsi %bitcast_convert_type3A_2272, %shift_right_arithmetic3A_2277 : vector<16xi32>
          %and3A_2279 = arith.constant 1 : i32
          %and3A_2280 = vector.broadcast %and3A_2279 : i32 to vector<16xi32>
          %and3A_2281 = arith.andi %shift_right_arithmetic3A_2278, %and3A_2280 : vector<16xi32>
          %add3A_2282 = arith.addi %add3A_2275, %and3A_2281 : vector<16xi32>
          %and3A_2283 = arith.constant -65536 : i32
          %and3A_2284 = vector.broadcast %and3A_2283 : i32 to vector<16xi32>
          %and3A_2285 = arith.andi %add3A_2282, %and3A_2284 : vector<16xi32>
          %bitcast_convert_type3A_2286 = tpu.bitcast %and3A_2285 : vector<16xi32> -> vector<16xf32>
          %bitcast_convert_type3A_2287 = tpu.bitcast %add3A_1975 : vector<16xf32> -> vector<16xi32>
          %add3A_2288 = arith.constant 32767 : i32
          %add3A_2289 = vector.broadcast %add3A_2288 : i32 to vector<16xi32>
          %add3A_2290 = arith.addi %bitcast_convert_type3A_2287, %add3A_2289 : vector<16xi32>
          %shift_right_arithmetic3A_2291 = arith.constant 16 : i32
          %shift_right_arithmetic3A_2292 = vector.broadcast %shift_right_arithmetic3A_2291 : i32 to vector<16xi32>
          %shift_right_arithmetic3A_2293 = arith.shrsi %bitcast_convert_type3A_2287, %shift_right_arithmetic3A_2292 : vector<16xi32>
          %and3A_2294 = arith.constant 1 : i32
          %and3A_2295 = vector.broadcast %and3A_2294 : i32 to vector<16xi32>
          %and3A_2296 = arith.andi %shift_right_arithmetic3A_2293, %and3A_2295 : vector<16xi32>
          %add3A_2297 = arith.addi %add3A_2290, %and3A_2296 : vector<16xi32>
          %and3A_2298 = arith.constant -65536 : i32
          %and3A_2299 = vector.broadcast %and3A_2298 : i32 to vector<16xi32>
          %and3A_2300 = arith.andi %add3A_2297, %and3A_2299 : vector<16xi32>
          %bitcast_convert_type3A_2301 = tpu.bitcast %and3A_2300 : vector<16xi32> -> vector<16xf32>
          %bitcast_convert_type3A_2302 = tpu.bitcast %add3A_1980 : vector<16xf32> -> vector<16xi32>
          %add3A_2303 = arith.constant 32767 : i32
          %add3A_2304 = vector.broadcast %add3A_2303 : i32 to vector<16xi32>
          %add3A_2305 = arith.addi %bitcast_convert_type3A_2302, %add3A_2304 : vector<16xi32>
          %shift_right_arithmetic3A_2306 = arith.constant 16 : i32
          %shift_right_arithmetic3A_2307 = vector.broadcast %shift_right_arithmetic3A_2306 : i32 to vector<16xi32>
          %shift_right_arithmetic3A_2308 = arith.shrsi %bitcast_convert_type3A_2302, %shift_right_arithmetic3A_2307 : vector<16xi32>
          %and3A_2309 = arith.constant 1 : i32
          %and3A_2310 = vector.broadcast %and3A_2309 : i32 to vector<16xi32>
          %and3A_2311 = arith.andi %shift_right_arithmetic3A_2308, %and3A_2310 : vector<16xi32>
          %add3A_2312 = arith.addi %add3A_2305, %and3A_2311 : vector<16xi32>
          %and3A_2313 = arith.constant -65536 : i32
          %and3A_2314 = vector.broadcast %and3A_2313 : i32 to vector<16xi32>
          %and3A_2315 = arith.andi %add3A_2312, %and3A_2314 : vector<16xi32>
          %bitcast_convert_type3A_2316 = tpu.bitcast %and3A_2315 : vector<16xi32> -> vector<16xf32>
          %mul3A_2317 = arith.mulf %bitcast_convert_type3A_1995, %bitcast_convert_type3A_2196 : vector<16xf32>
          %mul3A_2318 = arith.mulf %bitcast_convert_type3A_2010, %bitcast_convert_type3A_2241 : vector<16xf32>
          %add3A_2319 = arith.addf %mul3A_2317, %mul3A_2318 : vector<16xf32>
          %mul3A_2320 = arith.mulf %bitcast_convert_type3A_2025, %bitcast_convert_type3A_2286 : vector<16xf32>
          %add3A_2321 = arith.addf %add3A_2319, %mul3A_2320 : vector<16xf32>
          %mul3A_2322 = arith.mulf %bitcast_convert_type3A_1995, %bitcast_convert_type3A_2211 : vector<16xf32>
          %mul3A_2323 = arith.mulf %bitcast_convert_type3A_2010, %bitcast_convert_type3A_2256 : vector<16xf32>
          %add3A_2324 = arith.addf %mul3A_2322, %mul3A_2323 : vector<16xf32>
          %mul3A_2325 = arith.mulf %bitcast_convert_type3A_2025, %bitcast_convert_type3A_2301 : vector<16xf32>
          %add3A_2326 = arith.addf %add3A_2324, %mul3A_2325 : vector<16xf32>
          %mul3A_2327 = arith.mulf %bitcast_convert_type3A_1995, %bitcast_convert_type3A_2226 : vector<16xf32>
          %mul3A_2328 = arith.mulf %bitcast_convert_type3A_2010, %bitcast_convert_type3A_2271 : vector<16xf32>
          %add3A_2329 = arith.addf %mul3A_2327, %mul3A_2328 : vector<16xf32>
          %mul3A_2330 = arith.mulf %bitcast_convert_type3A_2025, %bitcast_convert_type3A_2316 : vector<16xf32>
          %add3A_2331 = arith.addf %add3A_2329, %mul3A_2330 : vector<16xf32>
          %mul3A_2332 = arith.mulf %bitcast_convert_type3A_2040, %bitcast_convert_type3A_2196 : vector<16xf32>
          %mul3A_2333 = arith.mulf %bitcast_convert_type3A_2055, %bitcast_convert_type3A_2241 : vector<16xf32>
          %add3A_2334 = arith.addf %mul3A_2332, %mul3A_2333 : vector<16xf32>
          %mul3A_2335 = arith.mulf %bitcast_convert_type3A_2070, %bitcast_convert_type3A_2286 : vector<16xf32>
          %add3A_2336 = arith.addf %add3A_2334, %mul3A_2335 : vector<16xf32>
          %mul3A_2337 = arith.mulf %bitcast_convert_type3A_2040, %bitcast_convert_type3A_2211 : vector<16xf32>
          %mul3A_2338 = arith.mulf %bitcast_convert_type3A_2055, %bitcast_convert_type3A_2256 : vector<16xf32>
          %add3A_2339 = arith.addf %mul3A_2337, %mul3A_2338 : vector<16xf32>
          %mul3A_2340 = arith.mulf %bitcast_convert_type3A_2070, %bitcast_convert_type3A_2301 : vector<16xf32>
          %add3A_2341 = arith.addf %add3A_2339, %mul3A_2340 : vector<16xf32>
          %mul3A_2342 = arith.mulf %bitcast_convert_type3A_2040, %bitcast_convert_type3A_2226 : vector<16xf32>
          %mul3A_2343 = arith.mulf %bitcast_convert_type3A_2055, %bitcast_convert_type3A_2271 : vector<16xf32>
          %add3A_2344 = arith.addf %mul3A_2342, %mul3A_2343 : vector<16xf32>
          %mul3A_2345 = arith.mulf %bitcast_convert_type3A_2070, %bitcast_convert_type3A_2316 : vector<16xf32>
          %add3A_2346 = arith.addf %add3A_2344, %mul3A_2345 : vector<16xf32>
          %mul3A_2347 = arith.mulf %bitcast_convert_type3A_2085, %bitcast_convert_type3A_2196 : vector<16xf32>
          %mul3A_2348 = arith.mulf %bitcast_convert_type3A_2100, %bitcast_convert_type3A_2241 : vector<16xf32>
          %add3A_2349 = arith.addf %mul3A_2347, %mul3A_2348 : vector<16xf32>
          %mul3A_2350 = arith.mulf %bitcast_convert_type3A_2115, %bitcast_convert_type3A_2286 : vector<16xf32>
          %add3A_2351 = arith.addf %add3A_2349, %mul3A_2350 : vector<16xf32>
          %mul3A_2352 = arith.mulf %bitcast_convert_type3A_2085, %bitcast_convert_type3A_2211 : vector<16xf32>
          %mul3A_2353 = arith.mulf %bitcast_convert_type3A_2100, %bitcast_convert_type3A_2256 : vector<16xf32>
          %add3A_2354 = arith.addf %mul3A_2352, %mul3A_2353 : vector<16xf32>
          %mul3A_2355 = arith.mulf %bitcast_convert_type3A_2115, %bitcast_convert_type3A_2301 : vector<16xf32>
          %add3A_2356 = arith.addf %add3A_2354, %mul3A_2355 : vector<16xf32>
          %mul3A_2357 = arith.mulf %bitcast_convert_type3A_2085, %bitcast_convert_type3A_2226 : vector<16xf32>
          %mul3A_2358 = arith.mulf %bitcast_convert_type3A_2100, %bitcast_convert_type3A_2271 : vector<16xf32>
          %add3A_2359 = arith.addf %mul3A_2357, %mul3A_2358 : vector<16xf32>
          %mul3A_2360 = arith.mulf %bitcast_convert_type3A_2115, %bitcast_convert_type3A_2316 : vector<16xf32>
          %add3A_2361 = arith.addf %add3A_2359, %mul3A_2360 : vector<16xf32>
          tpu.vector_store_idx %arg12[%broadcast_in_dim3A_3, %broadcast_in_dim3A_3, %add3A_1025], %add3A_2321 : memref<3x3x2048xf32, #tpu.memory_space<vmem>>[vector<16xi32>, vector<16xi32>, vector<16xi32>], vector<16xf32>,
          tpu.vector_store_idx %arg12[%broadcast_in_dim3A_3, %broadcast_in_dim3A_5, %add3A_1025], %add3A_2326 : memref<3x3x2048xf32, #tpu.memory_space<vmem>>[vector<16xi32>, vector<16xi32>, vector<16xi32>], vector<16xf32>,
          tpu.vector_store_idx %arg12[%broadcast_in_dim3A_3, %broadcast_in_dim3A_7, %add3A_1025], %add3A_2331 : memref<3x3x2048xf32, #tpu.memory_space<vmem>>[vector<16xi32>, vector<16xi32>, vector<16xi32>], vector<16xf32>,
          tpu.vector_store_idx %arg12[%broadcast_in_dim3A_5, %broadcast_in_dim3A_3, %add3A_1025], %add3A_2336 : memref<3x3x2048xf32, #tpu.memory_space<vmem>>[vector<16xi32>, vector<16xi32>, vector<16xi32>], vector<16xf32>,
          tpu.vector_store_idx %arg12[%broadcast_in_dim3A_5, %broadcast_in_dim3A_5, %add3A_1025], %add3A_2341 : memref<3x3x2048xf32, #tpu.memory_space<vmem>>[vector<16xi32>, vector<16xi32>, vector<16xi32>], vector<16xf32>,
          tpu.vector_store_idx %arg12[%broadcast_in_dim3A_5, %broadcast_in_dim3A_7, %add3A_1025], %add3A_2346 : memref<3x3x2048xf32, #tpu.memory_space<vmem>>[vector<16xi32>, vector<16xi32>, vector<16xi32>], vector<16xf32>,
          tpu.vector_store_idx %arg12[%broadcast_in_dim3A_7, %broadcast_in_dim3A_3, %add3A_1025], %add3A_2351 : memref<3x3x2048xf32, #tpu.memory_space<vmem>>[vector<16xi32>, vector<16xi32>, vector<16xi32>], vector<16xf32>,
          tpu.vector_store_idx %arg12[%broadcast_in_dim3A_7, %broadcast_in_dim3A_5, %add3A_1025], %add3A_2356 : memref<3x3x2048xf32, #tpu.memory_space<vmem>>[vector<16xi32>, vector<16xi32>, vector<16xi32>], vector<16xf32>,
          tpu.vector_store_idx %arg12[%broadcast_in_dim3A_7, %broadcast_in_dim3A_7, %add3A_1025], %add3A_2361 : memref<3x3x2048xf32, #tpu.memory_space<vmem>>[vector<16xi32>, vector<16xi32>, vector<16xi32>], vector<16xf32>,
          tpu.vector_store_idx %arg11[%broadcast_in_dim3A_3, %add3A_1025], %add3A_2176 : memref<3x2048xf32, #tpu.memory_space<vmem>>[vector<16xi32>, vector<16xi32>], vector<16xf32>,
          tpu.vector_store_idx %arg13[%broadcast_in_dim3A_3, %add3A_1025], %add3A_2179 : memref<3x2048xf32, #tpu.memory_space<vmem>>[vector<16xi32>, vector<16xi32>], vector<16xf32>,
          tpu.vector_store_idx %arg11[%broadcast_in_dim3A_5, %add3A_1025], %add3A_2177 : memref<3x2048xf32, #tpu.memory_space<vmem>>[vector<16xi32>, vector<16xi32>], vector<16xf32>,
          tpu.vector_store_idx %arg13[%broadcast_in_dim3A_5, %add3A_1025], %add3A_2180 : memref<3x2048xf32, #tpu.memory_space<vmem>>[vector<16xi32>, vector<16xi32>], vector<16xf32>,
          tpu.vector_store_idx %arg11[%broadcast_in_dim3A_7, %add3A_1025], %add3A_2178 : memref<3x2048xf32, #tpu.memory_space<vmem>>[vector<16xi32>, vector<16xi32>], vector<16xf32>,
          tpu.vector_store_idx %arg13[%broadcast_in_dim3A_7, %add3A_1025], %add3A_2181 : memref<3x2048xf32, #tpu.memory_space<vmem>>[vector<16xi32>, vector<16xi32>], vector<16xf32>,
          scf.yield %add3A_2321, %add3A_2326, %add3A_2331, %add3A_2336, %add3A_2341, %add3A_2346, %add3A_2351, %add3A_2356, %add3A_2361, %add3A_2176, %add3A_2177, %add3A_2178, %add3A_2179, %add3A_2180, %add3A_2181 : vector<16xf32>, vector<16xf32>, vector<16xf32>, vector<16xf32>, vector<16xf32>, vector<16xf32>, vector<16xf32>, vector<16xf32>, vector<16xf32>, vector<16xf32>, vector<16xf32>, vector<16xf32>, vector<16xf32>, vector<16xf32>, vector<16xf32>
        }
        %scan3A_1007 = arith.constant 31 : i32
      }
      %scan3A_32 = arith.constant 4 : i32
      "tpu.region"() ({
        %run_scoped3A = tpu.sem_alloc : memref<!tpu.dma_semaphore, #tpu.memory_space<semaphore_mem>>
        %dma_start3A = arith.constant 0 : i32
        %dma_start3A_33 = tpu.memref_slice %arg5[%dma_start3A, %mul3A_26] : memref<3x524288xf32, #tpu.memory_space<hbm>> -> memref<3x2048xf32, #tpu.memory_space<hbm>>
        %dma_start3A_34 = arith.constant 0 : i32
        %dma_start3A_35 = tpu.memref_slice %arg5[%dma_start3A_34, %mul3A_26] : memref<3x524288xf32, #tpu.memory_space<hbm>> -> memref<3x2048xf32, #tpu.memory_space<hbm>>
        tpu.enqueue_dma source(%arg11 : memref<3x2048xf32, #tpu.memory_space<vmem>>) target(%dma_start3A_35 : memref<3x2048xf32, #tpu.memory_space<hbm>>) target_semaphore(%run_scoped3A : memref<!tpu.dma_semaphore, #tpu.memory_space<semaphore_mem>>)
        %dma_wait3A = arith.constant 0 : i32
        %dma_wait3A_36 = tpu.memref_slice %arg5[%dma_wait3A, %mul3A_26] : memref<3x524288xf32, #tpu.memory_space<hbm>> -> memref<3x2048xf32, #tpu.memory_space<hbm>>
        %dma_wait3A_37 = arith.constant 0 : i32
        %dma_wait3A_38 = tpu.memref_slice %arg5[%dma_wait3A_37, %mul3A_26] : memref<3x524288xf32, #tpu.memory_space<hbm>> -> memref<3x2048xf32, #tpu.memory_space<hbm>>
        tpu.wait_dma2 semaphore(%run_scoped3A : memref<!tpu.dma_semaphore, #tpu.memory_space<semaphore_mem>>) src(%arg11 : memref<3x2048xf32, #tpu.memory_space<vmem>>) dst(%dma_wait3A_38 : memref<3x2048xf32, #tpu.memory_space<hbm>>)
        tpu.yield
      }) : () -> ()
      "tpu.region"() ({
        %run_scoped3A = tpu.sem_alloc : memref<!tpu.dma_semaphore, #tpu.memory_space<semaphore_mem>>
        %dma_start3A = arith.constant 0 : i32
        %dma_start3A_33 = arith.constant 0 : i32
        %dma_start3A_34 = tpu.memref_slice %arg6[%dma_start3A, %dma_start3A_33, %mul3A_26] : memref<3x3x524288xf32, #tpu.memory_space<hbm>> -> memref<3x3x2048xf32, #tpu.memory_space<hbm>>
        %dma_start3A_35 = arith.constant 0 : i32
        %dma_start3A_36 = arith.constant 0 : i32
        %dma_start3A_37 = tpu.memref_slice %arg6[%dma_start3A_35, %dma_start3A_36, %mul3A_26] : memref<3x3x524288xf32, #tpu.memory_space<hbm>> -> memref<3x3x2048xf32, #tpu.memory_space<hbm>>
        tpu.enqueue_dma source(%arg12 : memref<3x3x2048xf32, #tpu.memory_space<vmem>>) target(%dma_start3A_37 : memref<3x3x2048xf32, #tpu.memory_space<hbm>>) target_semaphore(%run_scoped3A : memref<!tpu.dma_semaphore, #tpu.memory_space<semaphore_mem>>)
        %dma_wait3A = arith.constant 0 : i32
        %dma_wait3A_38 = arith.constant 0 : i32
        %dma_wait3A_39 = tpu.memref_slice %arg6[%dma_wait3A, %dma_wait3A_38, %mul3A_26] : memref<3x3x524288xf32, #tpu.memory_space<hbm>> -> memref<3x3x2048xf32, #tpu.memory_space<hbm>>
        %dma_wait3A_40 = arith.constant 0 : i32
        %dma_wait3A_41 = arith.constant 0 : i32
        %dma_wait3A_42 = tpu.memref_slice %arg6[%dma_wait3A_40, %dma_wait3A_41, %mul3A_26] : memref<3x3x524288xf32, #tpu.memory_space<hbm>> -> memref<3x3x2048xf32, #tpu.memory_space<hbm>>
        tpu.wait_dma2 semaphore(%run_scoped3A : memref<!tpu.dma_semaphore, #tpu.memory_space<semaphore_mem>>) src(%arg12 : memref<3x3x2048xf32, #tpu.memory_space<vmem>>) dst(%dma_wait3A_42 : memref<3x3x2048xf32, #tpu.memory_space<hbm>>)
        tpu.yield
      }) : () -> ()
      "tpu.region"() ({
        %run_scoped3A = tpu.sem_alloc : memref<!tpu.dma_semaphore, #tpu.memory_space<semaphore_mem>>
        %dma_start3A = arith.constant 0 : i32
        %dma_start3A_33 = tpu.memref_slice %arg7[%dma_start3A, %mul3A_26] : memref<3x524288xf32, #tpu.memory_space<hbm>> -> memref<3x2048xf32, #tpu.memory_space<hbm>>
        %dma_start3A_34 = arith.constant 0 : i32
        %dma_start3A_35 = tpu.memref_slice %arg7[%dma_start3A_34, %mul3A_26] : memref<3x524288xf32, #tpu.memory_space<hbm>> -> memref<3x2048xf32, #tpu.memory_space<hbm>>
        tpu.enqueue_dma source(%arg13 : memref<3x2048xf32, #tpu.memory_space<vmem>>) target(%dma_start3A_35 : memref<3x2048xf32, #tpu.memory_space<hbm>>) target_semaphore(%run_scoped3A : memref<!tpu.dma_semaphore, #tpu.memory_space<semaphore_mem>>)
        %dma_wait3A = arith.constant 0 : i32
        %dma_wait3A_36 = tpu.memref_slice %arg7[%dma_wait3A, %mul3A_26] : memref<3x524288xf32, #tpu.memory_space<hbm>> -> memref<3x2048xf32, #tpu.memory_space<hbm>>
        %dma_wait3A_37 = arith.constant 0 : i32
        %dma_wait3A_38 = tpu.memref_slice %arg7[%dma_wait3A_37, %mul3A_26] : memref<3x524288xf32, #tpu.memory_space<hbm>> -> memref<3x2048xf32, #tpu.memory_space<hbm>>
        tpu.wait_dma2 semaphore(%run_scoped3A : memref<!tpu.dma_semaphore, #tpu.memory_space<semaphore_mem>>) src(%arg13 : memref<3x2048xf32, #tpu.memory_space<vmem>>) dst(%dma_wait3A_38 : memref<3x2048xf32, #tpu.memory_space<hbm>>)
        tpu.yield
      }) : () -> ()
    }
    %scan3A_18 = arith.constant 8 : i32
    return
  }
}

</mosaic_0001>

<sc_bundles>
// kernel: kernel.3.cloned.1.call-start
scs
__scs_entry_jumppad:
0x0: {  	(pc) =	sbr.rel $0x88, $3  }
0x1: {  	(tag) =	ssettag $0x0;
	lr =	simm.s32 $0x1  }
0x2: {  	[smem:$0x3F9E] =	sst lr;
	_ =	strace $0xD0000000  }
0x3: {  	_ = 	snop  }
0x4: {  	_ = 	snop  }
0x5: {  	_ = 	snop  }
0x6: {  	_ = 	snop  }
0x7: {  	_ = 	snop  }
__scs_overlays_trampoline_lowered:
0x8: {  	[smem:$0x3FAD] =	sst s0  }
0x9: {  	[smem:$0x3FAE] =	sst s1  }
0xa: {  	[smem:$0x3FAF] =	sst s2  }
0xb: {  	[smem:$0x3FB0] =	sst s3  }
0xc: {  	[smem:$0x3FB1] =	sst s4  }
0xd: {  	[smem:$0x3FB2] =	sst s5  }
0xe: {  	[smem:$0x3FB3] =	sst s6  }
0xf: {  	[smem:$0x3FB4] =	sst s7  }
0x10: {  	[smem:$0x3FB5] =	sst s8  }
0x11: {  	[smem:$0x3FB6] =	sst s9;
	s0 =	simm.s32 @!p0 $0x0  }
0x12: {  	s1 =	sld [smem:$0x3F9C];
	s0 =	simm.s32 @p0 $0x1  }
0x13: {  	[smem:$0x3FB7] =	sst s0;
	s0 =	simm.s32 @!p1 $0x0  }
0x14: {  	s2 =	sld [smem:$0x3F9B];
	s0 =	simm.s32 @p1 $0x1  }
0x15: {  	[smem:$0x3FB8] =	sst s0;
	s0 =	simm.s32 @!p2 $0x0  }
0x16: {  	s3 =	sld [smem:$0x3FDB];
	s0 =	simm.s32 @p2 $0x1  }
0x17: {  	s4 =	simm.s32 $0x1BF5;
	[smem:$0x3FBA] =	sst s0  }
0x18: {  	s0 =	sld [smem:$0x3F9D];
	_ =	swait.ge [sflag:s4], $0x0  }
0x19: {  	s7 =	sld [smem:$0x3F9E]  }
0x1a: {  	s8 =	sadd.s32 $0xFFFFE003, lr  }
0x1b: {  	s9 =	sadd.s32 $0xFFFFFEF7, lr;
	s5 =	simm.s32 $0xFFFFFFFF;
	p2 =	slt.u32 s8, $0xFFFFF086  }
0x1c: {  	p1 =	slt.u32 s9, $0xF7A;
	s5 =	simm.s32 @!p2 $0x0  }
0x1d: {  	s5 =	simm.s32 @p1 $0x1;
	p0 =	seq.s32 s7, s2  }
0x1e: {  	s7 =	smul.u32 @!p0 $0xF7A, s2;
	p2 =	seq.s32 @!p0 s5, $0x0  }
0x1f: {  	s9 =	smul.u32 $0xF7A, s1;
	s8 =	simm.s32 @!p0 $0x1BF5;
	p2 =	por !p2, p0  }
0x20: {  	[sflag:s8] =	ssyncset.s32 @!p0 $0xFFFFF086;
	s6 =	sadd.s32 @!p0 s3, s7;
	s7 =	simm.s32 @!p0 $0x108  }
0x21: {  	s3 =	sadd.s32 s3, s9;
	s6 =	sadd.s32 @!p0 $0x88, s6;
	s7 =	simm.s32 @p2 $0x1082  }
0x22: {  	[simem:s7], [sflag:s8] =	dma.local @!p0 [hbm:s6], $0xF7A  }
0x23: {  	s9 =	sor.u32 $0xD0000000, s2;
	s6 =	simm.s32 $0x108;
	_ =	swait.ge @!p0 [sflag:s8], $0x0  }
0x24: {  	s3 =	sadd.s32 $0x88, s3;
	s6 =	simm.s32 @!p1 $0x1082;
	[sflag:s4] =	ssyncset.s32 $0xFFFFF086  }
0x25: {  	[simem:s6], [sflag:s4] =	dma.local [hbm:s3], $0xF7A  }
0x26: {  	[smem:$0x3F9E] =	sst s1;
	(tag) =	ssettag s2;
	_ =	strace s9  }
0x27: {  	s1 =	sld [smem:$0x3FAE]  }
0x28: {  	s2 =	sld [smem:$0x3FAF]  }
0x29: {  	s4 =	sld [smem:$0x3FB1]  }
0x2a: {  	p0 =	seq.s32 s5, $0x0;
	s5 =	sld [smem:$0x3FB2]  }
0x2b: {  	s6 =	sld [smem:$0x3FB3]  }
0x2c: {  	s7 =	sld [smem:$0x3FB4]  }
0x2d: {  	s3 =	simm.s32 $0x108;
	s8 =	sld [smem:$0x3FB5]  }
0x2e: {  	s3 =	simm.s32 @!p0 $0x1082;
	s9 =	sld [smem:$0x3FB6]  }
0x2f: {  	lr =	sadd.s32 s0, s3;
	s0 =	sld [smem:$0x3FAD]  }
0x30: {  	s3 =	sld [smem:$0x3FB0]  }
0x31: {  	[smem:$0x3FB9] =	sst s10  }
0x32: {  	s10 =	sld [smem:$0x3FB7];
	_ =	sdelay $0x3  }
0x33: {  	p0 =	seq.s32 s10, $0x1;
	s10 =	sld [smem:$0x3FB9];
	_ =	sdelay $0x3  }
0x34: {  	[smem:$0x3FB9] =	sst s10  }
0x35: {  	s10 =	sld [smem:$0x3FB8];
	_ =	sdelay $0x3  }
0x36: {  	p1 =	seq.s32 s10, $0x1;
	s10 =	sld [smem:$0x3FB9];
	_ =	sdelay $0x3  }
0x37: {  	[smem:$0x3FB9] =	sst s10  }
0x38: {  	s10 =	sld [smem:$0x3FBA]  }
0x39: {  	_ = 	snop;
	(pc) =	sbr.ind lr, $3  }
0x3a: {  	_ = 	snop  }
0x3b: {  	_ = 	snop  }
0x3c: {  	p2 =	seq.s32 s10, $0x1;
	s10 =	sld [smem:$0x3FB9]  }
0x3d: {  	_ =	shalt  }
0x3e: {  	_ =	shalt  }
0x3f: {  	_ =	shalt  }
0x40: {  	_ =	shalt  }
0x41: {  	_ =	shalt  }
0x42: {  	_ =	shalt  }
0x43: {  	_ =	shalt  }
0x44: {  	_ =	shalt  }
0x45: {  	_ =	shalt  }
0x46: {  	_ =	shalt  }
0x47: {  	_ =	shalt  }
0x48: {  	_ =	shalt  }
0x49: {  	_ =	shalt  }
0x4a: {  	_ =	shalt  }
0x4b: {  	_ =	shalt  }
0x4c: {  	_ =	shalt  }
0x4d: {  	_ =	shalt  }
0x4e: {  	_ =	shalt  }
0x4f: {  	_ =	shalt  }
0x50: {  	_ =	shalt  }
0x51: {  	_ =	shalt  }
0x52: {  	_ =	shalt  }
0x53: {  	_ =	shalt  }
0x54: {  	_ =	shalt  }
0x55: {  	_ =	shalt  }
0x56: {  	_ =	shalt  }
0x57: {  	_ =	shalt  }
0x58: {  	_ =	shalt  }
0x59: {  	_ =	shalt  }
0x5a: {  	_ =	shalt  }
0x5b: {  	_ =	shalt  }
0x5c: {  	_ =	shalt  }
0x5d: {  	_ =	shalt  }
0x5e: {  	_ =	shalt  }
0x5f: {  	_ =	shalt  }
0x60: {  	_ =	shalt  }
0x61: {  	_ =	shalt  }
0x62: {  	_ =	shalt  }
0x63: {  	_ =	shalt  }
0x64: {  	_ =	shalt  }
0x65: {  	_ =	shalt  }
0x66: {  	_ =	shalt  }
0x67: {  	_ =	shalt  }
0x68: {  	_ =	shalt  }
0x69: {  	_ =	shalt  }
0x6a: {  	_ =	shalt  }
0x6b: {  	_ =	shalt  }
0x6c: {  	_ =	shalt  }
0x6d: {  	_ =	shalt  }
0x6e: {  	_ =	shalt  }
0x6f: {  	_ =	shalt  }
0x70: {  	_ =	shalt  }
0x71: {  	_ =	shalt  }
0x72: {  	_ =	shalt  }
0x73: {  	_ =	shalt  }
0x74: {  	_ =	shalt  }
0x75: {  	_ =	shalt  }
0x76: {  	_ =	shalt  }
0x77: {  	_ =	shalt  }
0x78: {  	_ =	shalt  }
0x79: {  	_ =	shalt  }
0x7a: {  	_ =	shalt  }
0x7b: {  	_ =	shalt  }
0x7c: {  	_ =	shalt  }
0x7d: {  	_ =	shalt  }
0x7e: {  	_ =	shalt  }
0x7f: {  	_ =	shalt  }
0x80: {  	_ =	shalt  }
0x81: {  	_ =	shalt  }
0x82: {  	_ =	shalt  }
0x83: {  	_ =	shalt  }
0x84: {  	_ =	shalt  }
0x85: {  	_ =	shalt  }
0x86: {  	_ =	shalt  }
0x87: {  	_ =	shalt  }
.Lfunc_end0:
.L_simem_size_0:
called_computation_lowered:
.L_overlay_start_0:
0x88: {  	s2 =	sld [smem:$0x3FD9]  }
0x89: {  	s3 =	sld [smem:$0x3FFE];
	_ =	sdelay $0x1  }
0x8a: {  	s1 =	srdreg.scid  }
0x8b: {  	s0 =	sand.u32 $0x1, s1  }
0x8c: {  	s14 =	sshll.u32 s0, $0xA;
	s2 =	sadd.s32 s3, s2  }
0x8d: {  	s2 =	sadd.s32 s2, s14  }
0x8e: {  	[smem:$0x3FC5] =	sst s2  }
0x8f: {  	_ = 	snop  }
0x90: {  	s2 =	sld [smem:$0x3FD0];
	_ =	sdelay $0x1  }
0x91: {  	s15 =	sld [smem:$0x3FC9]  }
0x92: {  	s5 =	simm.s32 $0xA;
	s6 =	simm.s32 $0x10;
	s4 =	sld [smem:$0x3FC8]  }
0x93: {  	[smem:s6], [sflag:s5] =	dma.local [hbm:s2], $0x1  }
0x94: {  	_ =	swait.eq [sflag:s5], $0x1  }
0x95: {  	s16 =	sld [smem:$0x10];
	[sflag:s5] =	ssyncset.done $0x0  }
0x96: {  	s17 =	sld [smem:$0x11];
	[sflag:s5] =	ssyncadd.s32 $0xFFFFFFFF  }
0x97: {  	s18 =	sld [smem:$0x12];
	(tm) =	ssettm $0x1  }
0x98: {  	s7 =	sld [smem:$0x3FFB];
	_ =	sdelay $0x3  }
0x99: {  	_ =	strace s7  }
0x9a: {  	s7 =	sld [smem:$0x3FFC];
	_ =	sdelay $0x3  }
0x9b: {  	_ =	strace s7  }
0x9c: {  	s7 =	sld [smem:$0x3FFD];
	_ =	sdelay $0x3  }
0x9d: {  	_ =	strace s7  }
0x9e: {  	_ =	strace $0x8FFFFFFF  }
0x9f: {  	s19 =	sld [smem:$0x3FDB];
	_ =	sdelay $0x1  }
0xa0: {  	s8 =	simm.s32 $_scs_section_size  }
0xa1: {  	s9 =	simm.s32 $_size__tile_overlayer_lowered;
	s10 =	simm.s32 $_tile_overlayer_lowered  }
0xa2: {  	s22 =	simm.s32 $0x1BFF;
	s21 =	sshll.u32 s10, $0x1;
	s7 =	sadd.s32 s8, s19  }
0xa3: {  	s11 =	simm.s32 $0x0;
	s20 =	sshll.u32 s9, $0x1;
	s9 =	sadd.s32 s21, s7  }
0xa4: {  	[timem:s11], [sflag:s22] =	dma.local [hbm:s9], s20  }
0xa5: {  	_ =	swait.ge [sflag:s22], s20  }
0xa6: {  	s8 =	ssub.s32 $0x0, s20;
	[sflag:s22] =	ssyncset.done $0x0  }
0xa7: {  	[sflag:s22] =	ssyncadd.s32 s8;
	_ =	sdelay $0x1  }
0xa8: {  	s23 =	simm.s32 $0x1B8B  }
0xa9: {  	_ =	swait.ge [sflag:s23], $0x1  }
0xaa: {  	[sflag:s23] =	ssyncset.done $0x0  }
0xab: {  	s25 =	simm.s32 $0x1B8E;
	s24 =	sld [smem:$0x3FFE];
	[sflag:s23] =	ssyncadd.s32 $0xFFFFFFFF  }
0xac: {  	s26 =	simm.s32 $execute0_lowered;
	[smem:$0x3FD2] =	sst s25  }
0xad: {  	s9 =	sshll.u32 s26, $0x1;
	_ =	strace $0x80000046;
	[dreg:$0x1] =	wrdreg $0xFFFFFFFF  }
0xae: {  	s28 =	simm.s32 $_size_execute0_lowered;
	s7 =	sadd.s32 s7, s9;
	[dreg:$0x0] =	wrdreg $0x0  }
0xaf: {  	s9 =	sshll.u32 s28, $0x1;
	[dreg:$0x2] =	wrdreg s7  }
0xb0: {  	[dreg:$0x3] =	wrdreg s9  }
0xb1: {  	[dreg:$0x4] =	wrdreg $0xC0  }
0xb2: {  	_ =	task [dreg:s11], $0x5FFFF  }
0xb3: {  	[dreg:$0x1] =	wrdreg $0xFFFFFFFF  }
0xb4: {  	[dreg:$0x0] =	wrdreg $0x60  }
0xb5: {  	[dreg:$0x2] =	wrdreg s15  }
0xb6: {  	[dreg:$0x3] =	wrdreg s4  }
0xb7: {  	[dreg:$0x4] =	wrdreg s24  }
0xb8: {  	[dreg:$0x5] =	wrdreg s16  }
0xb9: {  	[dreg:$0x6] =	wrdreg s17  }
0xba: {  	[dreg:$0x7] =	wrdreg s18  }
0xbb: {  	[dreg:$0x8] =	wrdreg $0x9  }
0xbc: {  	_ =	task.clear_ibuf [dreg:s11], $0x9FFFF;
	_ =	strace $0x90000046  }
0xbd: {  	s29 =	simm.s32 $0x9;
	_ =	strace $0x80000048  }
0xbe: {  	_ =	swait.ge [sflag:s29], $0x1  }
0xbf: {  	[sflag:s29] =	ssyncadd.s32 $0xFFFFFFFF  }
0xc0: {  	_ =	strace $0x90000048  }
0xc1: {  	_ =	sfence  }
0xc2: {  	s30 =	sld [smem:$0x0];
	_ =	sdelay $0x2  }
0xc3: {  	s31 =	sshll.u32 s1, $0xD;
	s1 =	sshrl.u32 s1, $0x2  }
0xc4: {  	s3 =	sand.u32 $0x4000, s31;
	s1 =	sadd.s32 s1, s30  }
0xc5: {  	s0 =	sor.u32 s3, s0;
	s1 =	sshll.u32 s1, $0x11  }
0xc6: {  	s0 =	sor.u32 s1, s0  }
0xc7: {  	s0 =	sadd.s32 $0x8F2B, s0  }
0xc8: {  	[sflag:s0] =	ssyncadd.remote.s32 $0x1  }
0xc9: {  	_ =	sfence.sel $0xFFFF  }
0xca: {  	[dreg:$0x0] =	wrdreg $0xFFFFFFFF;
	(pc) =	sbr.abs _section_cstart, $3  }
0xcb: {  	[dreg:$0x1] =	wrdreg $0xFFFFFFFF  }
0xcc: {  	_ =	task.clear_ibuf [dreg:s11], $0x2FFFF;
	_ =	strace $0x9FFFFFFF  }
0xcd: {  	(tm) =	ssettm $0x7FFFFFFF  }
tec
execute0_lowered:
.L_overlay_start_1:
0x0: {  	(tag) =	ssettag $0x1  }
0x1: {  	s1 =	rddreg [dreg:$0x0]  }
0x2: {  	s2 =	rddreg [dreg:$0x1]  }
0x3: {  	s8 =	rddreg [dreg:$0x2]  }
0x4: {  	s3 =	rddreg [dreg:$0x3]  }
0x5: {  	s4 =	rddreg [dreg:$0x4]  }
0x6: {  	s5 =	rddreg [dreg:$0x5]  }
0x7: {  	s0 =	rddreg [dreg:$0x6];
	s6 =	simm.s32 $0x0  }
0x8: {  	s7 =	srdreg.scid;
	s13 =	simm.s32 $0x2000;
	s14 =	simm.s32 $0x8000  }
0x9: {  	v0 =	vlaneseq.u32;
	s15 =	simm.s32 $0x6000;
	s16 =	simm.s32 $0xE000;
	s17 =	simm.s32 $0x200000  }
0xa: {  	s18 =	simm.s32 $0x0;
	[smem:$0x7FF] =	sst s6;
	s9 =	sand.u32 $0x1, s7;
	v1 =	vor.u32 $0x10, v0  }
0xb: {  	s7 =	stileid.u32;
	_ =	strace $0x80000047;
	s10 =	ssub.s32 $0x2, s9;
	[tilespmem:$0x1FFC0] =	vst v1;
	v1 =	vor.u32 $0x20, v0  }
0xc: {  	s12 =	sshll.u32 s7, $0xF;
	s9 =	sshll.u32 s9, $0xE;
	s11 =	sshrl.u32 s10, $0x1;
	[tilespmem:$0x1FFD0] =	vst v1;
	v1 =	vor.u32 $0x30, v0  }
0xd: {  	s8 =	sadd.s32 $0x800, s8;
	v5 =	vor.u32 $0x50, v0;
	v6 =	vor.u32 $0x60, v0;
	s9 =	sor.u32 s9, s12;
	s10 =	ssub.s32 s10, s11;
	[tilespmem:$0x1FFE0] =	vst v1;
	v1 =	vor.u32 $0x40, v0  }
0xe: {  	v7 =	vor.u32 $0x70, v0;
	v8 =	vor.u32 $0x80, v0;
	v9 =	vor.u32 $0x90, v0;
	s12 =	simm.s32 $0x1800;
	s11 =	simm.s32 $0x1;
	s10 =	smax.u32 s10, $0x1;
	[tilespmem:$0x1FFF0] =	vst v1  }
.LBB2_1:
0xf: {  	[tilespmem:s6], [sflag:$0x1] =	stream.linear.gather [hbm4b:s8+s6], $0x1800, $0x38;
	[tilespmem:$0x10000] =	vst v63  }
0x10: {  	_ =	swait.ge [sflag:s11], $0x1800  }
0x11: {  	[sflag:s11] =	ssyncset.done $0x0  }
0x12: {  	s19 =	simm.s32 $0x0;
	[sflag:s11] =	ssyncadd.s32 $0xFFFFE800  }
.LBB2_2:
0x13: {  	s20 =	sshll.u32 s19, $0xB  }
0x14: {  	s20 =	sadd.s32 s9, s20  }
0x15: {  	s21 =	sshrl.u32 s20, $0x3  }
0x16: {  	s22 =	sadd.s32 s1, s21;
	s21 =	simm.s32 $0x0  }
0x17: {  	[tilespmem:s12], [sflag:$0x1] =	stream.linear.gather [hbm4b:s22+s21], $0x800, $0x38;
	[tilespmem:$0x10000] =	vst v63  }
0x18: {  	_ =	swait.ge [sflag:s11], $0x800  }
0x19: {  	[sflag:s11] =	ssyncset.done $0x0  }
0x1a: {  	s31 =	sadd.s32 s2, s20;
	[sflag:s11] =	ssyncadd.s32 $0xFFFFF800  }
0x1b: {  	[tilespmem:s13], [sflag:$0x1] =	stream.linear.gather [hbm4b:s31+s21], $0x4000, $0x38;
	[tilespmem:$0x10000] =	vst v63  }
0x1c: {  	_ =	swait.ge [sflag:s11], $0x4000  }
0x1d: {  	[sflag:s11] =	ssyncset.done $0x0  }
0x1e: {  	[sflag:s11] =	ssyncadd.s32 $0xFFFFC000  }
.LBB2_3:
0x1f: {  	s22 =	sshll.u32 s21, $0x4  }
0x20: {  	v11 =	vor.u32 s22, v0  }
0x21: {  	v10 =	vshll.u32 v11, $0x5;
	_ =	sdelay $0x3  }
0x22: {  	v13 =	vld.idx.msk [tilespmem:v9+s6+$0x0], $0xffff  }
0x23: {  	v12 =	vld.idx.msk [tilespmem:v10+s12+$0x0], $0xffff;
	_ =	sdelay $0x4  }
0x24: {  	v12 =	vmul.f32 v13, v12;
	_ =	sdelay $0x1  }
0x25: {  	v13 =	vmul.f32 $6.366197460e-01, v12;
	_ =	sdelay $0x1  }
0x26: {  	v13 =	vadd.f32 $1.258291200e+07, v13;
	_ =	sdelay $0x1  }
0x27: {  	v14 =	vadd.f32 $-1.258291200e+07, v13  }
0x28: {  	v1 =	vld [tilespmem:$0x1FFE0]  }
0x29: {  	v13 =	vmul.f32 $1.570312500e+00, v14;
	_ =	sdelay $0x1  }
0x2a: {  	v12 =	vsub.f32 v12, v13;
	v13 =	vmul.f32 $4.837512970e-04, v14;
	_ =	sdelay $0x1  }
0x2b: {  	v17 =	vshrl.u32 v11, $0x2;
	v15 =	vmul.f32 $7.549790120e-08, v14;
	v13 =	vsub.f32 v12, v13  }
0x2c: {  	v11 =	vshll.u32 v17, $0xA  }
0x2d: {  	v29 =	vand.u32 $0x60, v10;
	v12 =	vor.u32 $0x180, v11;
	v15 =	vsub.f32 v13, v15  }
0x2e: {  	v28 =	vld.idx.msk [tilespmem:v1+s6+$0x0], $0xffff;
	v13 =	vor.u32 v29, v12  }
0x2f: {  	v1 =	vld [tilespmem:$0x1FFF0];
	v16 =	vmul.f32 v15, v15;
	_ =	sdelay $0x1  }
0x30: {  	v18 =	vmul.f32 $1.951529560e-04, v16  }
0x31: {  	v19 =	vmul.f32 $2.443315680e-05, v16  }
0x32: {  	v21 =	vld.idx.msk [tilespmem:v13+s13+$0x0], $0xffff;
	v13 =	vor.u32 $0x200, v11;
	v18 =	vsub.f32 $8.332161230e-03, v18  }
0x33: {  	v19 =	vadd.f32 $-1.388731650e-03, v19;
	v22 =	vor.u32 v29, v13  }
0x34: {  	v18 =	vmul.f32 v18, v16  }
0x35: {  	v17 =	vshll.u32 v17, $0x9;
	v14 =	vtrunc.f32 v14;
	v19 =	vmul.f32 v19, v16  }
0x36: {  	v33 =	vld.idx.msk [tilespmem:v1+s6+$0x0], $0xffff;
	v25 =	vcvt.f32.s32 v14;
	v20 =	vmul.f32 v16, v15;
	v18 =	vadd.f32 $-1.666665520e-01, v18  }
0x37: {  	v1 =	vld [tilespmem:$0x1FFC0];
	v23 =	vmul.f32 $5.000000000e-01, v16;
	v16 =	vmul.f32 v16, v16;
	v19 =	vadd.f32 $4.166664560e-02, v19  }
0x38: {  	v24 =	vmul.f32 $6.366197460e-01, v21;
	v27 =	vld.idx.msk [tilespmem:v22+s13+$0x0], $0xffff;
	v22 =	vadd.s32 $0x1, v25;
	v14 =	vmul.f32 v18, v20  }
0x39: {  	v18 =	vsub.f32 $1.000000000e+00, v23;
	v16 =	vmul.f32 v19, v16;
	v22 =	vand.u32 $0x2, v22  }
0x3a: {  	v19 =	vadd.f32 $1.258291200e+07, v24;
	v20 =	vor.u32 v29, v11;
	vm5 =	veq.s32 v22, $0x0  }
0x3b: {  	v23 =	vadd.f32 v14, v15;
	v16 =	vadd.f32 v16, v18;
	v18 =	vand.u32 $0x1, v25  }
0x3c: {  	v26 =	vadd.f32 $-1.258291200e+07, v19;
	v14 =	vor.u32 $0x80, v11;
	vm0 =	veq.s32 v18, $0x0  }
0x3d: {  	v15 =	vor.u32 $0x100, v11;
	v25 =	vand.u32 $0x2, v25;
	v19 =	vsel vm0, v16, v23  }
0x3e: {  	v18 =	vld.idx.msk [tilespmem:v0+s6+$0x0], $0xffff;
	v24 =	vmul.f32 $1.570312500e+00, v26;
	v16 =	vsel vm0, v23, v16;
	v23 =	vsub.f32 $0.0e+00, v19  }
0x3f: {  	v32 =	vld.idx.msk [tilespmem:v8+s6+$0x0], $0xffff;
	vm6 =	veq.s32 v25, $0x0;
	v38 =	vmul.f32 $6.366197460e-01, v27;
	v34 =	vsub.f32 $0.0e+00, v16  }
0x40: {  	v25 =	vld.idx.msk [tilespmem:v1+s6+$0x0], $0xffff;
	v22 =	vmul.f32 $4.837512970e-04, v26;
	v21 =	vsub.f32 v21, v24;
	v30 =	vsel vm5, v19, v23  }
0x41: {  	v36 =	vld.idx.msk [tilespmem:v5+s6+$0x0], $0xffff;
	v38 =	vadd.f32 $1.258291200e+07, v38;
	v34 =	vsel vm6, v16, v34;
	v31 =	vsub.f32 $1.000000000e+00, v30  }
0x42: {  	v19 =	vsub.f32 v21, v22;
	v21 =	vmul.f32 $7.549790120e-08, v26;
	v26 =	vtrunc.f32 v26  }
0x43: {  	v38 =	vadd.f32 $-1.258291200e+07, v38;
	v42 =	vcvt.f32.s32 v26;
	v18 =	vmul.f32 v31, v18  }
0x44: {  	v35 =	vsub.f32 v19, v21;
	v21 =	vmul.f32 v31, v28;
	v28 =	vmul.f32 v34, v32  }
0x45: {  	v23 =	vld.idx.msk [tilespmem:v7+s6+$0x0], $0xffff;
	v16 =	vor.u32 $0x280, v11;
	v33 =	vmul.f32 v31, v33;
	v25 =	vmul.f32 v31, v25  }
0x46: {  	v59 =	vor.u32 v29, v16;
	v36 =	vmul.f32 v31, v36;
	v60 =	vmul.f32 $1.570312500e+00, v38  }
0x47: {  	v61 =	vld.idx.msk [tilespmem:v6+s6+$0x0], $0xffff;
	v24 =	vor.u32 v29, v15;
	v62 =	vmul.f32 $4.837512970e-04, v38;
	v63 =	vmul.f32 $7.549790120e-08, v38  }
0x48: {  	v38 =	vtrunc.f32 v38;
	v51 =	vand.u32 $0x2, v42;
	v57 =	vadd.s32 $0x1, v42  }
0x49: {  	v38 =	vcvt.f32.s32 v38;
	v37 =	vmul.f32 v35, v35;
	v19 =	vadd.f32 v18, v30  }
0x4a: {  	v39 =	vmul.f32 v34, v23;
	v23 =	vsub.f32 v21, v28;
	v27 =	vsub.f32 v27, v60  }
0x4b: {  	v21 =	vadd.f32 v21, v28;
	v32 =	vld.idx.msk [tilespmem:v59+s13+$0x0], $0xffff;
	v40 =	vmul.f32 $1.951529560e-04, v37;
	v41 =	vmul.f32 $2.443315680e-05, v37  }
0x4c: {  	v25 =	vadd.f32 v25, v30;
	v34 =	vmul.f32 v34, v61;
	v27 =	vsub.f32 v27, v62  }
0x4d: {  	vm8 =	veq.s32 v51, $0x0;
	v40 =	vsub.f32 $8.332161230e-03, v40;
	v26 =	vadd.f32 $-1.388731650e-03, v41  }
0x4e: {  	v43 =	vmul.f32 v37, v35;
	v44 =	vmul.f32 $5.000000000e-01, v37;
	v27 =	vsub.f32 v27, v63  }
0x4f: {  	v18 =	vadd.f32 v33, v39;
	v28 =	vmul.f32 v40, v37;
	v26 =	vmul.f32 v26, v37  }
0x50: {  	v47 =	vsub.f32 $1.000000000e+00, v44;
	v45 =	vmul.f32 $6.366197460e-01, v32;
	v40 =	vmul.f32 v27, v27  }
0x51: {  	v41 =	vand.u32 $0x2, v57;
	v37 =	vmul.f32 v37, v37;
	v28 =	vadd.f32 $-1.666665520e-01, v28  }
0x52: {  	v26 =	vadd.f32 $4.166664560e-02, v26;
	v48 =	vadd.f32 $1.258291200e+07, v45;
	v52 =	vmul.f32 $1.951529560e-04, v40  }
0x53: {  	vm9 =	veq.s32 v41, $0x0;
	v55 =	vmul.f32 $2.443315680e-05, v40;
	v61 =	vmul.f32 $5.000000000e-01, v40  }
0x54: {  	v28 =	vmul.f32 v28, v43;
	v26 =	vmul.f32 v26, v37;
	v37 =	vadd.f32 $-1.258291200e+07, v48  }
0x55: {  	v60 =	vmul.f32 v40, v27;
	v43 =	vsub.f32 $8.332161230e-03, v52;
	v58 =	vadd.f32 $-1.388731650e-03, v55  }
0x56: {  	v44 =	vsub.f32 $1.000000000e+00, v61;
	v28 =	vadd.f32 v28, v35;
	v53 =	vmul.f32 $1.570312500e+00, v37  }
0x57: {  	v49 =	vadd.f32 v26, v47;
	v56 =	vmul.f32 $4.837512970e-04, v37;
	v43 =	vmul.f32 v43, v40  }
0x58: {  	v26 =	vand.u32 $0x1, v42;
	v59 =	vmul.f32 $7.549790120e-08, v37;
	v42 =	vmul.f32 v58, v40  }
0x59: {  	v40 =	vmul.f32 v40, v40;
	v37 =	vtrunc.f32 v37;
	vm7 =	veq.s32 v26, $0x0  }
0x5a: {  	v26 =	vsub.f32 v36, v34;
	v37 =	vcvt.f32.s32 v37;
	v50 =	vsel vm7, v28, v49  }
0x5b: {  	v28 =	vsel vm7, v49, v28;
	v32 =	vsub.f32 v32, v53;
	v43 =	vadd.f32 $-1.666665520e-01, v43  }
0x5c: {  	v42 =	vadd.f32 $4.166664560e-02, v42;
	v49 =	vand.u32 $0x1, v38;
	v53 =	vand.u32 $0x2, v38  }
0x5d: {  	v38 =	vadd.s32 $0x1, v38;
	v54 =	vsub.f32 $0.0e+00, v50;
	v32 =	vsub.f32 v32, v56  }
0x5e: {  	v48 =	vsub.f32 $0.0e+00, v28;
	vm10 =	veq.s32 v49, $0x0;
	vm11 =	veq.s32 v53, $0x0  }
0x5f: {  	v1 =	vld [tilespmem:$0x1FFD0];
	v38 =	vand.u32 $0x2, v38;
	v62 =	vmul.f32 v43, v60;
	v32 =	vsub.f32 v32, v59  }
0x60: {  	v40 =	vmul.f32 v42, v40;
	vm12 =	veq.s32 v38, $0x0;
	v35 =	vsel vm8, v50, v54  }
0x61: {  	v42 =	vsel vm9, v28, v48;
	v41 =	vadd.f32 v62, v27;
	v63 =	vmul.f32 v32, v32  }
0x62: {  	v40 =	vadd.f32 v40, v44;
	v59 =	vand.u32 $0x1, v37;
	v62 =	vand.u32 $0x2, v37  }
0x63: {  	v37 =	vadd.s32 $0x1, v37;
	v27 =	vmul.f32 $1.951529560e-04, v63;
	v50 =	vmul.f32 $2.443315680e-05, v63  }
0x64: {  	v44 =	vshrl.u32 v42, $0x10;
	v47 =	vshrl.u32 v35, $0x10;
	vm13 =	veq.s32 v59, $0x0  }
0x65: {  	vm14 =	veq.s32 v62, $0x0;
	v28 =	vsub.f32 $8.332161230e-03, v27;
	v52 =	vadd.f32 $-1.388731650e-03, v50  }
0x66: {  	v37 =	vand.u32 $0x2, v37;
	v45 =	vand.u32 $0x1, v44;
	v51 =	vsel vm10, v41, v40  }
0x67: {  	v56 =	vld.idx.msk [tilespmem:v1+s6+$0x0], $0xffff;
	v27 =	vsub.f32 v33, v39;
	v28 =	vmul.f32 v28, v63;
	v39 =	vmul.f32 v52, v63  }
0x68: {  	v40 =	vsel vm10, v40, v41;
	v54 =	vmul.f32 v63, v32;
	v55 =	vmul.f32 $5.000000000e-01, v63  }
0x69: {  	v43 =	vmul.f32 v63, v63;
	v28 =	vadd.f32 $-1.666665520e-01, v28;
	v39 =	vadd.f32 $4.166664560e-02, v39  }
0x6a: {  	vm15 =	veq.s32 v37, $0x0;
	v46 =	vsub.f32 $0.0e+00, v51;
	v58 =	vsub.f32 $0.0e+00, v40  }
0x6b: {  	v57 =	vsub.f32 $1.000000000e+00, v55;
	v28 =	vmul.f32 v28, v54;
	v39 =	vmul.f32 v39, v43  }
0x6c: {  	v31 =	vmul.f32 v31, v56;
	v60 =	vsel vm12, v40, v58;
	v33 =	vsel vm11, v51, v46  }
0x6d: {  	v46 =	vshrl.u32 v60, $0x10;
	v32 =	vadd.f32 v28, v32;
	v39 =	vadd.f32 v39, v57  }
0x6e: {  	v30 =	vadd.f32 v31, v30;
	v37 =	vand.u32 $0x1, v46;
	v48 =	vshrl.u32 v33, $0x10  }
0x6f: {  	v28 =	vadd.f32 v36, v34;
	v61 =	vsel vm13, v32, v39;
	v32 =	vsel vm13, v39, v32  }
0x70: {  	v34 =	vadd.s32 v37, v60;
	v37 =	vand.u32 $0x1, v47;
	v43 =	vsub.f32 $0.0e+00, v32  }
0x71: {  	v34 =	vadd.s32 $0x7FFF, v34;
	v35 =	vadd.s32 v37, v35;
	v63 =	vsub.f32 $0.0e+00, v61  }
0x72: {  	v34 =	vand.u32 $0xFFFF0000, v34;
	v35 =	vadd.s32 $0x7FFF, v35;
	v31 =	vsel vm15, v32, v43  }
0x73: {  	v36 =	vsel vm14, v61, v63;
	v32 =	vadd.s32 v45, v42;
	v38 =	vshrl.u32 v31, $0x10  }
0x74: {  	v32 =	vadd.s32 $0x7FFF, v32;
	v50 =	vshrl.u32 v36, $0x10;
	v38 =	vand.u32 $0x1, v38  }
0x75: {  	v32 =	vand.u32 $0xFFFF0000, v32;
	v37 =	vand.u32 $0x1, v50;
	v31 =	vadd.s32 v38, v31  }
0x76: {  	v38 =	vand.u32 $0x1, v48;
	v36 =	vadd.s32 v37, v36;
	v31 =	vadd.s32 $0x7FFF, v31  }
0x77: {  	v33 =	vadd.s32 v38, v33;
	v36 =	vadd.s32 $0x7FFF, v36;
	v31 =	vand.u32 $0xFFFF0000, v31  }
0x78: {  	v33 =	vadd.s32 $0x7FFF, v33;
	v36 =	vand.u32 $0xFFFF0000, v36;
	v49 =	vmul.f32 v31, v34  }
0x79: {  	v33 =	vand.u32 $0xFFFF0000, v33;
	v55 =	vmul.f32 v36, v34;
	v61 =	vmul.f32 v36, v32  }
0x7a: {  	v35 =	vand.u32 $0xFFFF0000, v35;
	v63 =	vmul.f32 v31, v32;
	v53 =	vmul.f32 v31, v33  }
0x7b: {  	v22 =	vor.u32 v29, v14;
	v56 =	vmul.f32 v36, v33;
	v36 =	vmul.f32 v36, v35  }
0x7c: {  	v31 =	vmul.f32 v31, v35;
	v33 =	vsub.f32 $0.0e+00, v33;
	v51 =	vshrl.u32 v49, $0x10  }
0x7d: {  	v57 =	vshrl.u32 v55, $0x10;
	v52 =	vand.u32 $0x1, v51;
	v54 =	vshrl.u32 v53, $0x10  }
0x7e: {  	v58 =	vshrl.u32 v56, $0x10;
	v50 =	vshrl.u32 v33, $0x10;
	v37 =	vadd.s32 v52, v49  }
0x7f: {  	v39 =	vand.u32 $0x1, v54;
	v42 =	vand.u32 $0x1, v58;
	v58 =	vshrl.u32 v21, $0x10  }
0x80: {  	v37 =	vadd.s32 $0x7FFF, v37;
	v38 =	vadd.s32 v39, v53;
	v39 =	vand.u32 $0x1, v57  }
0x81: {  	v59 =	vadd.s32 v42, v56;
	v56 =	vshrl.u32 v23, $0x10;
	v57 =	vshrl.u32 v18, $0x10  }
0x82: {  	v37 =	vand.u32 $0xFFFF0000, v37;
	v38 =	vadd.s32 $0x7FFF, v38;
	v39 =	vadd.s32 v39, v55  }
0x83: {  	v40 =	vadd.s32 $0x7FFF, v59;
	v55 =	vshrl.u32 v19, $0x10;
	v38 =	vand.u32 $0xFFFF0000, v38  }
0x84: {  	v59 =	vshrl.u32 v25, $0x10;
	v40 =	vand.u32 $0xFFFF0000, v40;
	v60 =	vmul.f32 v38, v35  }
0x85: {  	v39 =	vadd.s32 $0x7FFF, v39;
	v38 =	vmul.f32 v38, v32;
	v62 =	vmul.f32 v40, v35  }
0x86: {  	v40 =	vmul.f32 v40, v32;
	v39 =	vand.u32 $0xFFFF0000, v39;
	v32 =	vmul.f32 v34, v32  }
0x87: {  	v35 =	vmul.f32 v34, v35;
	v41 =	vsub.f32 v60, v61;
	v36 =	vadd.f32 v38, v36  }
0x88: {  	v44 =	vadd.f32 v62, v63;
	v31 =	vsub.f32 v40, v31;
	v52 =	vshrl.u32 v32, $0x10  }
0x89: {  	v51 =	vshrl.u32 v35, $0x10;
	v54 =	vand.u32 $0x1, v52;
	v45 =	vshrl.u32 v41, $0x10  }
0x8a: {  	v47 =	vshrl.u32 v36, $0x10;
	v48 =	vshrl.u32 v44, $0x10;
	v49 =	vshrl.u32 v31, $0x10  }
0x8b: {  	v32 =	vadd.s32 v54, v32;
	v46 =	vand.u32 $0x1, v45;
	v40 =	vand.u32 $0x1, v47  }
0x8c: {  	v32 =	vadd.s32 $0x7FFF, v32;
	v34 =	vadd.s32 v46, v41;
	v41 =	vand.u32 $0x1, v48  }
0x8d: {  	v36 =	vadd.s32 v40, v36;
	v40 =	vand.u32 $0x1, v49;
	v34 =	vadd.s32 $0x7FFF, v34  }
0x8e: {  	v38 =	vadd.s32 v41, v44;
	v36 =	vadd.s32 $0x7FFF, v36;
	v31 =	vadd.s32 v40, v31  }
0x8f: {  	v40 =	vand.u32 $0x1, v50;
	v41 =	vand.u32 $0x1, v51;
	v34 =	vand.u32 $0xFFFF0000, v34  }
0x90: {  	v38 =	vadd.s32 $0x7FFF, v38;
	v36 =	vand.u32 $0xFFFF0000, v36;
	v33 =	vadd.s32 v40, v33  }
0x91: {  	v31 =	vadd.s32 $0x7FFF, v31;
	v35 =	vadd.s32 v41, v35;
	v33 =	vadd.s32 $0x7FFF, v33  }
0x92: {  	v38 =	vand.u32 $0xFFFF0000, v38;
	v35 =	vadd.s32 $0x7FFF, v35;
	v53 =	vand.u32 $0xFFFF0000, v33  }
0x93: {  	v42 =	vand.u32 $0xFFFF0000, v35;
	v33 =	vand.u32 $0x1, v55;
	v35 =	vand.u32 $0x1, v56  }
0x94: {  	v31 =	vand.u32 $0xFFFF0000, v31;
	v19 =	vadd.s32 v33, v19;
	v23 =	vadd.s32 v35, v23  }
0x95: {  	v33 =	vand.u32 $0x1, v57;
	v35 =	vand.u32 $0x1, v59;
	v19 =	vadd.s32 $0x7FFF, v19  }
0x96: {  	v23 =	vadd.s32 $0x7FFF, v23;
	v18 =	vadd.s32 v33, v18;
	v33 =	vand.u32 $0x1, v58  }
0x97: {  	v19 =	vand.u32 $0xFFFF0000, v19;
	v23 =	vand.u32 $0xFFFF0000, v23;
	v18 =	vadd.s32 $0x7FFF, v18  }
0x98: {  	v60 =	vand.u32 $0xFFFF0000, v18;
	v18 =	vadd.s32 v33, v21;
	v21 =	vadd.s32 v35, v25  }
0x99: {  	v25 =	vshrl.u32 v26, $0x10;
	v18 =	vadd.s32 $0x7FFF, v18;
	v21 =	vadd.s32 $0x7FFF, v21  }
0x9a: {  	v18 =	vand.u32 $0xFFFF0000, v18;
	v61 =	vand.u32 $0xFFFF0000, v21;
	v21 =	vand.u32 $0x1, v25  }
0x9b: {  	v25 =	vshrl.u32 v27, $0x10;
	v21 =	vadd.s32 v21, v26;
	v26 =	vshrl.u32 v28, $0x10  }
0x9c: {  	v25 =	vand.u32 $0x1, v25;
	v55 =	vmul.f32 v38, v18;
	v21 =	vadd.s32 $0x7FFF, v21  }
0x9d: {  	v26 =	vand.u32 $0x1, v26;
	v62 =	vand.u32 $0xFFFF0000, v21;
	v21 =	vadd.s32 v25, v27  }
0x9e: {  	v25 =	vadd.s32 v26, v28;
	v26 =	vshrl.u32 v30, $0x10;
	v27 =	vmul.f32 v19, v37  }
0x9f: {  	v28 =	vmul.f32 v34, v18;
	v18 =	vmul.f32 v18, v42;
	v21 =	vadd.s32 $0x7FFF, v21  }
0xa0: {  	v25 =	vadd.s32 $0x7FFF, v25;
	v26 =	vand.u32 $0x1, v26;
	v56 =	vmul.f32 v38, v62  }
0xa1: {  	v21 =	vand.u32 $0xFFFF0000, v21;
	v63 =	vand.u32 $0xFFFF0000, v25;
	v25 =	vadd.s32 v26, v30  }
0xa2: {  	v26 =	vadd.f32 v28, v27;
	v25 =	vadd.s32 $0x7FFF, v25;
	v27 =	vmul.f32 v36, v21  }
0xa3: {  	v28 =	vmul.f32 v34, v61;
	v30 =	vand.u32 $0xFFFF0000, v25;
	v25 =	vmul.f32 v23, v37  }
0xa4: {  	v33 =	vadd.f32 v26, v27;
	v26 =	vmul.f32 v60, v37;
	v27 =	vmul.f32 v34, v62  }
0xa5: {  	v57 =	vmul.f32 v31, v21;
	v25 =	vadd.f32 v28, v25;
	v28 =	vmul.f32 v36, v63  }
0xa6: {  	v54 =	vmul.f32 v36, v30;
	v26 =	vadd.f32 v27, v26;
	v27 =	vmul.f32 v19, v39  }
0xa7: {  	v34 =	vadd.f32 v25, v28;
	v25 =	vmul.f32 v23, v39;
	v28 =	vmul.f32 v38, v61  }
0xa8: {  	v35 =	vadd.f32 v26, v54;
	v26 =	vmul.f32 v60, v39;
	v27 =	vadd.f32 v55, v27  }
0xa9: {  	v19 =	vmul.f32 v19, v53;
	v25 =	vadd.f32 v28, v25;
	v28 =	vmul.f32 v31, v63  }
0xaa: {  	v31 =	vmul.f32 v31, v30;
	v26 =	vadd.f32 v56, v26;
	v37 =	vadd.f32 v27, v57  }
0xab: {  	v32 =	vand.u32 $0xFFFF0000, v32;
	v36 =	vadd.f32 v25, v28;
	v25 =	vadd.f32 v18, v19  }
0xac: {  	v18 =	vor.u32 $0x80, v17;
	v38 =	vadd.f32 v26, v31;
	v31 =	vor.u32 v29, v17  }
0xad: {  	v27 =	vmul.f32 v23, v53;
	v19 =	vor.u32 $0x100, v17;
	v58 =	vor.u32 v29, v18  }
0xae: {  	v20 =	vld.idx.msk [tilespmem:v20+s13+$0x0], $0xffff;
	v26 =	vmul.f32 v21, v32;
	v47 =	vor.u32 v29, v19;
	v21 =	vor.u32 $0x2000, v17  }
0xaf: {  	v24 =	vld.idx.msk [tilespmem:v24+s13+$0x0], $0xffff;
	v23 =	vor.u32 $0x2080, v17;
	v28 =	vmul.f32 v61, v42;
	v59 =	vor.u32 v29, v21  }
0xb0: {  	v22 =	vld.idx.msk [tilespmem:v22+s13+$0x0], $0xffff;
	v48 =	vor.u32 v29, v23;
	v39 =	vadd.f32 v25, v26;
	v25 =	vor.u32 $0x2100, v17  }
0xb1: {  	v40 =	vmul.f32 v60, v53;
	v26 =	vor.u32 $0x4000, v17;
	v50 =	vor.u32 v29, v25;
	[tilespmem:v31+s14+$0x0] =	vst.idx.msk $0xffff, v33  }
0xb2: {  	v49 =	vadd.f32 v28, v27;
	v27 =	vor.u32 $0x4080, v17;
	v51 =	vor.u32 v29, v26;
	[tilespmem:v58+s14+$0x0] =	vst.idx.msk $0xffff, v34  }
0xb3: {  	v60 =	vmul.f32 v62, v42;
	v28 =	vor.u32 $0x4100, v17;
	v61 =	vor.u32 v29, v27;
	[tilespmem:v47+s14+$0x0] =	vst.idx.msk $0xffff, v35  }
0xb4: {  	v62 =	vmul.f32 v63, v32;
	v63 =	vor.u32 v29, v28;
	[tilespmem:v59+s14+$0x0] =	vst.idx.msk $0xffff, v37  }
0xb5: {  	v30 =	vmul.f32 v30, v32;
	v29 =	vadd.f32 v60, v40;
	[tilespmem:v48+s14+$0x0] =	vst.idx.msk $0xffff, v36  }
0xb6: {  	v41 =	vadd.f32 v49, v62;
	[tilespmem:v50+s14+$0x0] =	vst.idx.msk $0xffff, v38  }
0xb7: {  	v40 =	vadd.f32 v29, v30;
	[tilespmem:v51+s14+$0x0] =	vst.idx.msk $0xffff, v39  }
0xb8: {  	[tilespmem:v61+s14+$0x0] =	vst.idx.msk $0xffff, v41  }
0xb9: {  	v29 =	vimm.f32 $0.0e+00;
	[tilespmem:v63+s14+$0x0] =	vst.idx.msk $0xffff, v40  }
0xba: {  	[tilespmem:v31+s15+$0x0] =	vst.idx.msk $0xffff, v29  }
0xbb: {  	[tilespmem:v31+s16+$0x0] =	vst.idx.msk $0xffff, v20  }
0xbc: {  	[tilespmem:v58+s15+$0x0] =	vst.idx.msk $0xffff, v29  }
0xbd: {  	[tilespmem:v58+s16+$0x0] =	vst.idx.msk $0xffff, v22  }
0xbe: {  	[tilespmem:v47+s15+$0x0] =	vst.idx.msk $0xffff, v29  }
0xbf: {  	s23 =	simm.s32 $0x150;
	s22 =	simm.s32 $0x1;
	v30 =	vimm.f32 $0.0e+00;
	v31 =	vimm.f32 $0.0e+00;
	[tilespmem:v47+s16+$0x0] =	vst.idx.msk $0xffff, v24  }
.LBB2_4:
0xc0: {  	v32 =	vor.u32 s22, v10  }
0xc1: {  	v42 =	vor.u32 s23, v0;
	_ =	sdelay $0x3  }
0xc2: {  	v43 =	vld.idx.msk [tilespmem:v32+s12+$0x0], $0xffff  }
0xc3: {  	v42 =	vld.idx.msk [tilespmem:v42+s6+$0x0], $0xffff;
	_ =	sdelay $0x4  }
0xc4: {  	v32 =	vand.u32 $0x7F, v32;
	v42 =	vmul.f32 v42, v43  }
0xc5: {  	v60 =	vor.u32 v12, v32  }
0xc6: {  	v43 =	vmul.f32 $6.366197460e-01, v42;
	_ =	sdelay $0x1  }
0xc7: {  	v43 =	vadd.f32 $1.258291200e+07, v43;
	_ =	sdelay $0x1  }
0xc8: {  	v46 =	vld.idx.msk [tilespmem:v60+s13+$0x0], $0xffff;
	v44 =	vadd.f32 $-1.258291200e+07, v43;
	_ =	sdelay $0x1  }
0xc9: {  	v45 =	vmul.f32 $1.570312500e+00, v44;
	_ =	sdelay $0x1  }
0xca: {  	v61 =	vmul.f32 $4.837512970e-04, v44;
	v42 =	vsub.f32 v42, v45  }
0xcb: {  	v49 =	vmul.f32 $6.366197460e-01, v46  }
0xcc: {  	v62 =	vmul.f32 $7.549790120e-08, v44;
	v42 =	vsub.f32 v42, v61  }
0xcd: {  	v49 =	vadd.f32 $1.258291200e+07, v49  }
0xce: {  	s31 =	sadd.s32 $0xFFFFFFA0, s23;
	v45 =	vsub.f32 v42, v62  }
0xcf: {  	v53 =	vor.u32 s31, v0;
	v55 =	vadd.f32 $-1.258291200e+07, v49  }
0xd0: {  	v50 =	vor.u32 v13, v32;
	v44 =	vtrunc.f32 v44;
	v48 =	vmul.f32 v45, v45  }
0xd1: {  	s24 =	sadd.s32 $0xFFFFFF70, s23;
	v54 =	vor.u32 v16, v32;
	v44 =	vcvt.f32.s32 v44;
	v57 =	vmul.f32 $1.570312500e+00, v55  }
0xd2: {  	s25 =	sadd.s32 $0xFFFFFFF0, s23;
	v43 =	vor.u32 s24, v0;
	v47 =	vmul.f32 $1.951529560e-04, v48;
	v51 =	vmul.f32 $2.443315680e-05, v48  }
0xd3: {  	v49 =	vor.u32 s25, v0;
	v63 =	vmul.f32 $4.837512970e-04, v55;
	v61 =	vmul.f32 $7.549790120e-08, v55  }
0xd4: {  	v55 =	vtrunc.f32 v55;
	v52 =	vsub.f32 $8.332161230e-03, v47;
	v51 =	vadd.f32 $-1.388731650e-03, v51  }
0xd5: {  	v55 =	vcvt.f32.s32 v55;
	v42 =	vor.u32 v11, v32;
	v46 =	vsub.f32 v46, v57  }
0xd6: {  	v62 =	vand.u32 $0x1, v44;
	v52 =	vmul.f32 v52, v48;
	v51 =	vmul.f32 v51, v48  }
0xd7: {  	v46 =	vsub.f32 v46, v63;
	v56 =	vmul.f32 v48, v45;
	v58 =	vmul.f32 $5.000000000e-01, v48  }
0xd8: {  	v48 =	vmul.f32 v48, v48;
	v52 =	vadd.f32 $-1.666665520e-01, v52;
	v51 =	vadd.f32 $4.166664560e-02, v51  }
0xd9: {  	v63 =	vadd.s32 $0x1, v44;
	v44 =	vand.u32 $0x2, v44;
	v46 =	vsub.f32 v46, v61  }
0xda: {  	v50 =	vld.idx.msk [tilespmem:v50+s13+$0x0], $0xffff;
	v60 =	vsub.f32 $1.000000000e+00, v58;
	v52 =	vmul.f32 v52, v56;
	v48 =	vmul.f32 v51, v48  }
0xdb: {  	s26 =	sadd.s32 $0xFFFFFFB0, s23;
	vm0 =	veq.s32 v62, $0x0;
	vm6 =	veq.s32 v44, $0x0;
	v59 =	vmul.f32 v46, v46  }
0xdc: {  	s30 =	sadd.s32 $0xFFFFFF80, s23;
	v51 =	vor.u32 s26, v0;
	v45 =	vadd.f32 v52, v45;
	v48 =	vadd.f32 v48, v60  }
0xdd: {  	v47 =	vor.u32 s30, v0;
	v62 =	vmul.f32 $1.951529560e-04, v59;
	v61 =	vmul.f32 $2.443315680e-05, v59  }
0xde: {  	v58 =	vld.idx.msk [tilespmem:v49+s6+$0x0], $0xffff;
	v1 =	vmul.f32 $5.000000000e-01, v59;
	v57 =	vsel vm0, v45, v48;
	v45 =	vsel vm0, v48, v45  }
0xdf: {  	v52 =	vld.idx.msk [tilespmem:v53+s6+$0x0], $0xffff;
	v48 =	vand.u32 $0x2, v63;
	v63 =	vmul.f32 $6.366197460e-01, v50;
	v53 =	vsub.f32 $0.0e+00, v45  }
0xe0: {  	v1 =	vsub.f32 $1.000000000e+00, v1;
	v60 =	vsub.f32 $0.0e+00, v57;
	vm5 =	veq.s32 v48, $0x0  }
0xe1: {  	s29 =	sadd.s32 $0xFFFFFFE0, s23;
	v51 =	vld.idx.msk [tilespmem:v51+s6+$0x0], $0xffff;
	v48 =	vadd.f32 $1.258291200e+07, v63;
	v49 =	vsel vm5, v45, v53;
	v45 =	vsub.f32 $8.332161230e-03, v62  }
0xe2: {  	v57 =	vsel vm6, v57, v60;
	v60 =	vadd.f32 $-1.388731650e-03, v61;
	v61 =	vor.u32 s29, v0  }
0xe3: {  	v62 =	vmul.f32 v59, v46;
	v48 =	vadd.f32 $-1.258291200e+07, v48;
	v45 =	vmul.f32 v45, v59  }
0xe4: {  	v54 =	vld.idx.msk [tilespmem:v54+s13+$0x0], $0xffff;
	v53 =	vsub.f32 $1.000000000e+00, v49;
	v58 =	vmul.f32 v57, v58;
	v60 =	vmul.f32 v60, v59  }
0xe5: {  	v59 =	vmul.f32 v59, v59;
	v63 =	vmul.f32 $1.570312500e+00, v48;
	v45 =	vadd.f32 $-1.666665520e-01, v45  }
0xe6: {  	v52 =	vmul.f32 v53, v52;
	v51 =	vmul.f32 v53, v51;
	v60 =	vadd.f32 $4.166664560e-02, v60  }
0xe7: {  	s28 =	sadd.s32 $0xFFFFFFD0, s23;
	v50 =	vsub.f32 v50, v63;
	v63 =	vmul.f32 $4.837512970e-04, v48;
	v45 =	vmul.f32 v45, v62  }
0xe8: {  	v56 =	vor.u32 s28, v0;
	v59 =	vmul.f32 v60, v59;
	v60 =	vmul.f32 $7.549790120e-08, v48  }
0xe9: {  	s30 =	sadd.s32 $0xFFFFFFC0, s23;
	v44 =	vsub.f32 v52, v58;
	v62 =	vmul.f32 $6.366197460e-01, v54;
	v48 =	vtrunc.f32 v48  }
0xea: {  	v50 =	vsub.f32 v50, v63;
	v63 =	vor.u32 s30, v0;
	v46 =	vadd.f32 v45, v46  }
0xeb: {  	v1 =	vadd.f32 v59, v1;
	v59 =	vld.idx.msk [tilespmem:v61+s6+$0x0], $0xffff;
	v61 =	vand.u32 $0x1, v55;
	v45 =	vadd.f32 v52, v58  }
0xec: {  	v50 =	vsub.f32 v50, v60;
	v60 =	vadd.f32 $1.258291200e+07, v62;
	vm7 =	veq.s32 v61, $0x0  }
0xed: {  	v52 =	vld.idx.msk [tilespmem:v56+s6+$0x0], $0xffff;
	v56 =	vsel vm7, v46, v1;
	v1 =	vsel vm7, v1, v46;
	v46 =	vand.u32 $0x2, v55  }
0xee: {  	v55 =	vadd.s32 $0x1, v55;
	v58 =	vmul.f32 v50, v50;
	v60 =	vadd.f32 $-1.258291200e+07, v60  }
0xef: {  	v61 =	vsub.f32 $0.0e+00, v56;
	vm8 =	veq.s32 v46, $0x0;
	v55 =	vand.u32 $0x2, v55  }
0xf0: {  	vm9 =	veq.s32 v55, $0x0;
	v46 =	vmul.f32 $1.951529560e-04, v58;
	v62 =	vmul.f32 $1.570312500e+00, v60  }
0xf1: {  	v55 =	vsub.f32 $0.0e+00, v1;
	v56 =	vsel vm8, v56, v61;
	v61 =	vmul.f32 $2.443315680e-05, v58  }
0xf2: {  	v2 =	vsub.f32 $8.332161230e-03, v46;
	v54 =	vsub.f32 v54, v62;
	v62 =	vmul.f32 $4.837512970e-04, v60  }
0xf3: {  	v59 =	vmul.f32 v57, v59;
	v57 =	vmul.f32 v57, v52;
	v52 =	vadd.f32 $-1.388731650e-03, v61  }
0xf4: {  	v61 =	vmul.f32 $7.549790120e-08, v60;
	v2 =	vmul.f32 v2, v58;
	v54 =	vsub.f32 v54, v62  }
0xf5: {  	v3 =	vcvt.f32.s32 v48;
	v1 =	vsel vm9, v1, v55;
	v52 =	vmul.f32 v52, v58  }
0xf6: {  	v62 =	vmul.f32 v58, v50;
	v2 =	vadd.f32 $-1.666665520e-01, v2;
	v54 =	vsub.f32 v54, v61  }
0xf7: {  	s31 =	sadd.s32 $0xFFFFFF90, s23;
	v61 =	vmul.f32 $5.000000000e-01, v58;
	v58 =	vmul.f32 v58, v58;
	v52 =	vadd.f32 $4.166664560e-02, v52  }
0xf8: {  	v55 =	vor.u32 s31, v0;
	v60 =	vtrunc.f32 v60;
	v2 =	vmul.f32 v2, v62  }
0xf9: {  	v43 =	vld.idx.msk [tilespmem:v43+s6+$0x0], $0xffff;
	v62 =	vsub.f32 $1.000000000e+00, v61;
	v52 =	vmul.f32 v52, v58;
	v58 =	vmul.f32 v54, v54  }
0xfa: {  	v46 =	vadd.f32 v51, v59;
	v60 =	vcvt.f32.s32 v60;
	v61 =	vld.idx.msk [tilespmem:v47+s6+$0x0], $0xffff;
	v47 =	vsub.f32 v51, v59  }
0xfb: {  	v2 =	vadd.f32 v2, v50;
	v48 =	vadd.f32 v52, v62;
	v52 =	vmul.f32 $1.951529560e-04, v58  }
0xfc: {  	v50 =	vand.u32 $0x1, v3;
	v62 =	vand.u32 $0x2, v3;
	v3 =	vadd.s32 $0x1, v3  }
0xfd: {  	vm10 =	veq.s32 v50, $0x0;
	v50 =	vld.idx.msk [tilespmem:v63+s6+$0x0], $0xffff;
	v63 =	vmul.f32 $2.443315680e-05, v58;
	v52 =	vsub.f32 $8.332161230e-03, v52  }
0xfe: {  	vm11 =	veq.s32 v62, $0x0;
	v62 =	vmul.f32 v53, v43;
	v51 =	vsel vm10, v2, v48  }
0xff: {  	v2 =	vsel vm10, v48, v2;
	v59 =	vsub.f32 $0.0e+00, v51;
	v48 =	vmul.f32 v52, v58  }
0x100: {  	v3 =	vand.u32 $0x2, v3;
	v61 =	vmul.f32 v53, v61;
	v52 =	vadd.f32 $-1.388731650e-03, v63  }
0x101: {  	v59 =	vsel vm11, v51, v59;
	v51 =	vmul.f32 v58, v54;
	v48 =	vadd.f32 $-1.666665520e-01, v48  }
0x102: {  	vm12 =	veq.s32 v3, $0x0;
	v52 =	vmul.f32 v52, v58;
	v63 =	vmul.f32 v53, v50  }
0x103: {  	v50 =	vadd.f32 v61, v49;
	v61 =	vsub.f32 $0.0e+00, v2;
	v51 =	vmul.f32 v48, v51  }
0x104: {  	v48 =	vmul.f32 v58, v58;
	v4 =	vadd.f32 $4.166664560e-02, v52;
	v58 =	vmul.f32 $5.000000000e-01, v58  }
0x105: {  	v55 =	vld.idx.msk [tilespmem:v55+s6+$0x0], $0xffff;
	v43 =	vor.u32 v14, v32;
	v52 =	vadd.f32 v62, v49;
	v2 =	vsel vm12, v2, v61  }
0x106: {  	v61 =	vadd.s32 $0x1, v60;
	v4 =	vmul.f32 v4, v48;
	v58 =	vsub.f32 $1.000000000e+00, v58  }
0x107: {  	v62 =	vand.u32 $0x2, v61;
	v48 =	vsub.f32 v63, v57;
	v54 =	vadd.f32 v51, v54  }
0x108: {  	v51 =	vadd.f32 v63, v57;
	v3 =	vadd.f32 v4, v58;
	v4 =	vand.u32 $0x1, v60  }
0x109: {  	v63 =	vand.u32 $0x2, v60;
	vm15 =	veq.s32 v62, $0x0;
	vm13 =	veq.s32 v4, $0x0  }
0x10a: {  	v4 =	vmul.f32 v53, v55;
	v53 =	vsel vm13, v54, v3;
	v3 =	vsel vm13, v3, v54  }
0x10b: {  	vm14 =	veq.s32 v63, $0x0;
	v60 =	vshrl.u32 v1, $0x10;
	v63 =	vsub.f32 $0.0e+00, v3  }
0x10c: {  	v55 =	vsub.f32 $0.0e+00, v53;
	v49 =	vadd.f32 v4, v49;
	v4 =	vand.u32 $0x1, v60  }
0x10d: {  	v1 =	vadd.s32 v4, v1;
	v4 =	vshrl.u32 v2, $0x10;
	v3 =	vsel vm15, v3, v63  }
0x10e: {  	v62 =	vshrl.u32 v59, $0x10;
	v4 =	vand.u32 $0x1, v4;
	v61 =	vshrl.u32 v3, $0x10  }
0x10f: {  	v53 =	vsel vm14, v53, v55;
	v2 =	vadd.s32 v4, v2;
	v54 =	vand.u32 $0x1, v61  }
0x110: {  	v4 =	vshrl.u32 v56, $0x10;
	v60 =	vshrl.u32 v53, $0x10;
	v3 =	vadd.s32 v54, v3  }
0x111: {  	v2 =	vadd.s32 $0x7FFF, v2;
	v4 =	vand.u32 $0x1, v4;
	v3 =	vadd.s32 $0x7FFF, v3  }
0x112: {  	v2 =	vand.u32 $0xFFFF0000, v2;
	v54 =	vand.u32 $0x1, v62;
	v3 =	vand.u32 $0xFFFF0000, v3  }
0x113: {  	v4 =	vadd.s32 v4, v56;
	v56 =	vand.u32 $0x1, v60;
	v63 =	vmul.f32 v3, v2  }
0x114: {  	v1 =	vadd.s32 $0x7FFF, v1;
	v54 =	vadd.s32 v54, v59;
	v53 =	vadd.s32 v56, v53  }
0x115: {  	v4 =	vadd.s32 $0x7FFF, v4;
	v54 =	vadd.s32 $0x7FFF, v54;
	v61 =	vshrl.u32 v63, $0x10  }
0x116: {  	v53 =	vadd.s32 $0x7FFF, v53;
	v54 =	vand.u32 $0xFFFF0000, v54;
	v62 =	vand.u32 $0x1, v61  }
0x117: {  	v53 =	vand.u32 $0xFFFF0000, v53;
	v55 =	vadd.s32 v62, v63;
	v63 =	vmul.f32 v3, v54  }
0x118: {  	v1 =	vand.u32 $0xFFFF0000, v1;
	v4 =	vand.u32 $0xFFFF0000, v4;
	v59 =	vmul.f32 v53, v54  }
0x119: {  	v58 =	vmul.f32 v53, v2;
	v54 =	vsub.f32 $0.0e+00, v54;
	v60 =	vshrl.u32 v63, $0x10  }
0x11a: {  	v55 =	vadd.s32 $0x7FFF, v55;
	v57 =	vand.u32 $0x1, v60;
	v60 =	vshrl.u32 v59, $0x10  }
0x11b: {  	v56 =	vadd.s32 v57, v63;
	v57 =	vshrl.u32 v58, $0x10;
	v60 =	vand.u32 $0x1, v60  }
0x11c: {  	v56 =	vadd.s32 $0x7FFF, v56;
	v57 =	vand.u32 $0x1, v57;
	v61 =	vadd.s32 v60, v59  }
0x11d: {  	v60 =	vmul.f32 v53, v1;
	v53 =	vmul.f32 v53, v4;
	v56 =	vand.u32 $0xFFFF0000, v56  }
0x11e: {  	v57 =	vadd.s32 v57, v58;
	v58 =	vadd.s32 $0x7FFF, v61;
	v61 =	vmul.f32 v3, v1  }
0x11f: {  	v55 =	vand.u32 $0xFFFF0000, v55;
	v3 =	vmul.f32 v3, v4;
	v59 =	vmul.f32 v56, v4  }
0x120: {  	v58 =	vand.u32 $0xFFFF0000, v58;
	v56 =	vmul.f32 v56, v1;
	v57 =	vadd.s32 $0x7FFF, v57  }
0x121: {  	v57 =	vand.u32 $0xFFFF0000, v57;
	v59 =	vsub.f32 v59, v60;
	v60 =	vmul.f32 v58, v4  }
0x122: {  	v58 =	vmul.f32 v58, v1;
	v53 =	vadd.f32 v56, v53;
	v4 =	vmul.f32 v2, v4  }
0x123: {  	v1 =	vmul.f32 v2, v1;
	v62 =	vadd.f32 v60, v61;
	v63 =	vshrl.u32 v59, $0x10  }
0x124: {  	v3 =	vsub.f32 v58, v3;
	v60 =	vshrl.u32 v53, $0x10;
	v2 =	vand.u32 $0x1, v63  }
0x125: {  	v58 =	vand.u32 $0x1, v60;
	v63 =	vshrl.u32 v54, $0x10;
	v60 =	vshrl.u32 v4, $0x10  }
0x126: {  	v2 =	vadd.s32 v2, v59;
	v61 =	vshrl.u32 v62, $0x10;
	v53 =	vadd.s32 v58, v53  }
0x127: {  	v2 =	vadd.s32 $0x7FFF, v2;
	v59 =	vand.u32 $0x1, v61;
	v53 =	vadd.s32 $0x7FFF, v53  }
0x128: {  	v61 =	vshrl.u32 v46, $0x10;
	v2 =	vand.u32 $0xFFFF0000, v2;
	v56 =	vadd.s32 v59, v62  }
0x129: {  	v62 =	vshrl.u32 v3, $0x10;
	v53 =	vand.u32 $0xFFFF0000, v53;
	v59 =	vand.u32 $0x1, v60  }
0x12a: {  	v60 =	vshrl.u32 v44, $0x10;
	v56 =	vadd.s32 $0x7FFF, v56;
	v58 =	vand.u32 $0x1, v62  }
0x12b: {  	v4 =	vadd.s32 v59, v4;
	v59 =	vshrl.u32 v52, $0x10;
	v60 =	vand.u32 $0x1, v60  }
0x12c: {  	v62 =	vshrl.u32 v45, $0x10;
	v56 =	vand.u32 $0xFFFF0000, v56;
	v3 =	vadd.s32 v58, v3  }
0x12d: {  	v58 =	vand.u32 $0x1, v63;
	v59 =	vand.u32 $0x1, v59;
	v44 =	vadd.s32 v60, v44  }
0x12e: {  	v63 =	vshrl.u32 v50, $0x10;
	v60 =	vshrl.u32 v48, $0x10;
	v4 =	vadd.s32 $0x7FFF, v4  }
0x12f: {  	v3 =	vadd.s32 $0x7FFF, v3;
	v54 =	vadd.s32 v58, v54;
	v58 =	vshrl.u32 v1, $0x10  }
0x130: {  	v52 =	vadd.s32 v59, v52;
	v44 =	vadd.s32 $0x7FFF, v44;
	v59 =	vand.u32 $0x1, v63  }
0x131: {  	v63 =	vshrl.u32 v49, $0x10;
	v4 =	vand.u32 $0xFFFF0000, v4;
	v3 =	vand.u32 $0xFFFF0000, v3  }
0x132: {  	v58 =	vand.u32 $0x1, v58;
	v52 =	vadd.s32 $0x7FFF, v52;
	v44 =	vand.u32 $0xFFFF0000, v44  }
0x133: {  	v50 =	vadd.s32 v59, v50;
	v54 =	vadd.s32 $0x7FFF, v54;
	v1 =	vadd.s32 v58, v1  }
0x134: {  	v52 =	vand.u32 $0xFFFF0000, v52;
	v58 =	vand.u32 $0x1, v61;
	v50 =	vadd.s32 $0x7FFF, v50  }
0x135: {  	v61 =	vshrl.u32 v47, $0x10;
	v54 =	vand.u32 $0xFFFF0000, v54;
	v46 =	vadd.s32 v58, v46  }
0x136: {  	v58 =	vand.u32 $0x1, v62;
	v50 =	vand.u32 $0xFFFF0000, v50;
	v62 =	vshrl.u32 v51, $0x10  }
0x137: {  	v1 =	vadd.s32 $0x7FFF, v1;
	v46 =	vadd.s32 $0x7FFF, v46;
	v45 =	vadd.s32 v58, v45  }
0x138: {  	v58 =	vand.u32 $0x1, v60;
	v59 =	vand.u32 $0x1, v62;
	v1 =	vand.u32 $0xFFFF0000, v1  }
0x139: {  	v62 =	vshrl.u32 v34, $0x10;
	v46 =	vand.u32 $0xFFFF0000, v46;
	v45 =	vadd.s32 $0x7FFF, v45  }
0x13a: {  	v48 =	vadd.s32 v58, v48;
	v58 =	vand.u32 $0x1, v61;
	v51 =	vadd.s32 v59, v51  }
0x13b: {  	v59 =	vmul.f32 v52, v55;
	v61 =	vmul.f32 v2, v50;
	v45 =	vand.u32 $0xFFFF0000, v45  }
0x13c: {  	v48 =	vadd.s32 $0x7FFF, v48;
	v47 =	vadd.s32 v58, v47;
	v51 =	vadd.s32 $0x7FFF, v51  }
0x13d: {  	v58 =	vand.u32 $0x1, v63;
	v63 =	vand.u32 $0x1, v62;
	v48 =	vand.u32 $0xFFFF0000, v48  }
0x13e: {  	v47 =	vadd.s32 $0x7FFF, v47;
	v60 =	vmul.f32 v2, v45;
	v49 =	vadd.s32 v58, v49  }
0x13f: {  	v51 =	vand.u32 $0xFFFF0000, v51;
	v47 =	vand.u32 $0xFFFF0000, v47;
	v49 =	vadd.s32 $0x7FFF, v49  }
0x140: {  	v58 =	vadd.f32 v60, v59;
	v59 =	vmul.f32 v53, v47;
	v60 =	vmul.f32 v44, v55  }
0x141: {  	v2 =	vmul.f32 v2, v48;
	v49 =	vand.u32 $0xFFFF0000, v49;
	v55 =	vmul.f32 v46, v55  }
0x142: {  	v58 =	vadd.f32 v58, v59;
	v59 =	vadd.f32 v61, v60;
	v60 =	vmul.f32 v52, v57  }
0x143: {  	v61 =	vmul.f32 v56, v45;
	v2 =	vadd.f32 v2, v55;
	v55 =	vmul.f32 v53, v51  }
0x144: {  	v62 =	vshrl.u32 v41, $0x10;
	v53 =	vmul.f32 v53, v49;
	v52 =	vmul.f32 v52, v54  }
0x145: {  	v45 =	vmul.f32 v45, v4;
	v60 =	vadd.f32 v61, v60;
	v61 =	vmul.f32 v3, v47  }
0x146: {  	v55 =	vadd.f32 v59, v55;
	v2 =	vadd.f32 v2, v53;
	v59 =	vmul.f32 v44, v57  }
0x147: {  	v57 =	vmul.f32 v46, v57;
	v47 =	vmul.f32 v47, v1;
	v45 =	vadd.f32 v45, v52  }
0x148: {  	v44 =	vmul.f32 v44, v54;
	v46 =	vmul.f32 v46, v54;
	v52 =	vshrl.u32 v38, $0x10  }
0x149: {  	v53 =	vadd.f32 v60, v61;
	v60 =	vmul.f32 v56, v50;
	v56 =	vmul.f32 v56, v48  }
0x14a: {  	v61 =	vor.u32 v15, v32;
	v50 =	vmul.f32 v50, v4;
	v4 =	vmul.f32 v48, v4  }
0x14b: {  	v45 =	vadd.f32 v45, v47;
	v48 =	vshrl.u32 v37, $0x10;
	v59 =	vadd.f32 v60, v59  }
0x14c: {  	v60 =	vmul.f32 v3, v51;
	v56 =	vadd.f32 v56, v57;
	v3 =	vmul.f32 v3, v49  }
0x14d: {  	v57 =	vmul.f32 v51, v1;
	v1 =	vmul.f32 v49, v1;
	v49 =	vshrl.u32 v36, $0x10  }
0x14e: {  	v44 =	vadd.f32 v50, v44;
	v4 =	vadd.f32 v4, v46;
	v51 =	vand.u32 $0x1, v49  }
0x14f: {  	v49 =	vshrl.u32 v40, $0x10;
	v59 =	vadd.f32 v59, v60;
	v3 =	vadd.f32 v56, v3  }
0x150: {  	v60 =	vshrl.u32 v33, $0x10;
	v44 =	vadd.f32 v44, v57;
	v56 =	vand.u32 $0x1, v52  }
0x151: {  	v1 =	vadd.f32 v4, v1;
	v46 =	vand.u32 $0x1, v60;
	v60 =	vadd.s32 v56, v38  }
0x152: {  	v57 =	vld.idx.msk [tilespmem:v61+s13+$0x0], $0xffff;
	v61 =	vshrl.u32 v39, $0x10;
	v38 =	vand.u32 $0x1, v49;
	v4 =	vadd.s32 v46, v33  }
0x153: {  	v33 =	vadd.s32 v63, v34;
	v46 =	vshrl.u32 v35, $0x10;
	v38 =	vadd.s32 v38, v40  }
0x154: {  	v4 =	vadd.s32 $0x7FFF, v4;
	v33 =	vadd.s32 $0x7FFF, v33;
	v34 =	vand.u32 $0x1, v46  }
0x155: {  	v4 =	vand.u32 $0xFFFF0000, v4;
	v47 =	vadd.s32 v34, v35;
	v34 =	vand.u32 $0x1, v48  }
0x156: {  	v46 =	vand.u32 $0xFFFF0000, v33;
	v33 =	vadd.s32 $0x7FFF, v47;
	v50 =	vadd.s32 v34, v37  }
0x157: {  	v34 =	vadd.s32 v51, v36;
	v47 =	vand.u32 $0xFFFF0000, v33;
	v33 =	vadd.s32 $0x7FFF, v50  }
0x158: {  	v35 =	vld.idx.msk [tilespmem:v42+s13+$0x0], $0xffff;
	v54 =	vadd.s32 $0x7FFF, v34;
	v34 =	vand.u32 $0x1, v61;
	v52 =	vshrl.u32 v57, $0x10  }
0x159: {  	v37 =	vld.idx.msk [tilespmem:v43+s13+$0x0], $0xffff;
	v42 =	vand.u32 $0xFFFF0000, v33;
	v43 =	vand.u32 $0xFFFF0000, v54;
	v33 =	vadd.s32 $0x7FFF, v60  }
0x15a: {  	v63 =	vadd.s32 v34, v39;
	v39 =	vand.u32 $0x1, v62;
	v54 =	vand.u32 $0x1, v52  }
0x15b: {  	v48 =	vand.u32 $0xFFFF0000, v33;
	v33 =	vadd.s32 $0x7FFF, v63;
	v34 =	vadd.s32 v39, v41  }
0x15c: {  	v36 =	vadd.s32 v54, v57;
	v63 =	vadd.s32 $0x7FFF, v38;
	v38 =	vshrl.u32 v58, $0x10  }
0x15d: {  	v50 =	vshrl.u32 v35, $0x10;
	v36 =	vadd.s32 $0x7FFF, v36;
	v34 =	vadd.s32 $0x7FFF, v34  }
0x15e: {  	v52 =	vand.u32 $0xFFFF0000, v63;
	v63 =	vshrl.u32 v45, $0x10;
	v51 =	vshrl.u32 v37, $0x10  }
0x15f: {  	v39 =	vand.u32 $0x1, v50;
	v49 =	vand.u32 $0xFFFF0000, v36;
	v50 =	vand.u32 $0xFFFF0000, v33  }
0x160: {  	v33 =	vand.u32 $0x1, v38;
	v41 =	vand.u32 $0x1, v51;
	v35 =	vadd.s32 v39, v35  }
0x161: {  	v60 =	vmul.f32 v49, v47;
	v51 =	vand.u32 $0xFFFF0000, v34;
	v39 =	vshrl.u32 v55, $0x10  }
0x162: {  	v33 =	vadd.s32 v33, v58;
	v58 =	vshrl.u32 v2, $0x10;
	v37 =	vadd.s32 v41, v37  }
0x163: {  	v35 =	vadd.s32 $0x7FFF, v35;
	v34 =	vand.u32 $0x1, v39;
	v33 =	vadd.s32 $0x7FFF, v33  }
0x164: {  	v37 =	vadd.s32 $0x7FFF, v37;
	v35 =	vand.u32 $0xFFFF0000, v35;
	v34 =	vadd.s32 v34, v55  }
0x165: {  	v37 =	vand.u32 $0xFFFF0000, v37;
	v56 =	vmul.f32 v35, v4;
	v61 =	vmul.f32 v35, v42  }
0x166: {  	v34 =	vadd.s32 $0x7FFF, v34;
	v57 =	vmul.f32 v37, v46;
	v62 =	vmul.f32 v37, v43  }
0x167: {  	v41 =	vmul.f32 v49, v48;
	v38 =	vand.u32 $0xFFFF0000, v33;
	v39 =	vand.u32 $0xFFFF0000, v34  }
0x168: {  	v36 =	vadd.f32 v57, v56;
	v40 =	vadd.f32 v62, v61;
	v56 =	vmul.f32 v35, v50  }
0x169: {  	v35 =	vand.u32 $0x1, v58;
	v61 =	vshrl.u32 v59, $0x10;
	v62 =	vshrl.u32 v3, $0x10  }
0x16a: {  	v57 =	vshrl.u32 v1, $0x10;
	v58 =	vmul.f32 v38, v4;
	v2 =	vadd.s32 v35, v2  }
0x16b: {  	v34 =	vand.u32 $0x1, v61;
	v35 =	vand.u32 $0x1, v62;
	v62 =	vmul.f32 v39, v4  }
0x16c: {  	v54 =	vadd.f32 v60, v36;
	v2 =	vadd.s32 $0x7FFF, v2;
	v60 =	vshrl.u32 v53, $0x10  }
0x16d: {  	v34 =	vadd.s32 v34, v59;
	v3 =	vadd.s32 v35, v3;
	v36 =	vshrl.u32 v44, $0x10  }
0x16e: {  	v35 =	vand.u32 $0x1, v57;
	v2 =	vand.u32 $0xFFFF0000, v2;
	v33 =	vand.u32 $0x1, v60  }
0x16f: {  	v34 =	vadd.s32 $0x7FFF, v34;
	v3 =	vadd.s32 $0x7FFF, v3;
	v1 =	vadd.s32 v35, v1  }
0x170: {  	v33 =	vadd.s32 v33, v53;
	v55 =	vand.u32 $0xFFFF0000, v34;
	v3 =	vand.u32 $0xFFFF0000, v3  }
0x171: {  	v34 =	vand.u32 $0x1, v36;
	v1 =	vadd.s32 $0x7FFF, v1;
	v33 =	vadd.s32 $0x7FFF, v33  }
0x172: {  	v4 =	vmul.f32 v2, v4;
	v53 =	vand.u32 $0xFFFF0000, v33;
	v33 =	vand.u32 $0x1, v63  }
0x173: {  	v34 =	vadd.s32 v34, v44;
	v1 =	vand.u32 $0xFFFF0000, v1;
	v33 =	vadd.s32 v33, v45  }
0x174: {  	v34 =	vadd.s32 $0x7FFF, v34;
	v59 =	vmul.f32 v53, v46;
	v33 =	vadd.s32 $0x7FFF, v33  }
0x175: {  	v63 =	vmul.f32 v55, v46;
	v45 =	vand.u32 $0xFFFF0000, v34;
	v44 =	vand.u32 $0xFFFF0000, v33  }
0x176: {  	v57 =	vmul.f32 v45, v47;
	v60 =	vadd.f32 v59, v58;
	v61 =	vmul.f32 v44, v47  }
0x177: {  	v35 =	vadd.f32 v63, v62;
	v62 =	vmul.f32 v53, v43;
	v63 =	vmul.f32 v39, v42  }
0x178: {  	v59 =	vmul.f32 v37, v51;
	v33 =	vadd.f32 v60, v61;
	v60 =	vmul.f32 v3, v46  }
0x179: {  	v47 =	vmul.f32 v1, v47;
	v61 =	vmul.f32 v38, v42  }
0x17a: {  	v34 =	vadd.f32 v35, v57;
	v38 =	vmul.f32 v38, v50;
	v4 =	vadd.f32 v60, v4  }
0x17b: {  	v60 =	vmul.f32 v55, v43;
	v36 =	vadd.f32 v62, v61;
	v61 =	vmul.f32 v44, v48  }
0x17c: {  	v46 =	vor.u32 v17, v32;
	v44 =	vmul.f32 v44, v52;
	v55 =	vmul.f32 v55, v51  }
0x17d: {  	v62 =	vadd.f32 v60, v63;
	v63 =	vmul.f32 v45, v48;
	v35 =	vadd.f32 v4, v47  }
0x17e: {  	v37 =	vadd.f32 v36, v61;
	v4 =	vmul.f32 v2, v42;
	v60 =	vmul.f32 v3, v43  }
0x17f: {  	v61 =	vmul.f32 v53, v51;
	v47 =	vor.u32 v18, v32;
	v36 =	vadd.f32 v62, v63  }
0x180: {  	v4 =	vadd.f32 v60, v4;
	v62 =	vmul.f32 v1, v48;
	v48 =	vor.u32 v19, v32  }
0x181: {  	v57 =	vor.u32 v21, v32;
	v2 =	vmul.f32 v2, v50;
	v3 =	vmul.f32 v3, v51  }
0x182: {  	v43 =	vadd.f32 v61, v38;
	v38 =	vadd.f32 v4, v62;
	v4 =	vor.u32 v23, v32  }
0x183: {  	[tilespmem:v46+s14+$0x0] =	vst.idx.msk $0xffff, v33;
	v63 =	vmul.f32 v39, v50;
	v61 =	vor.u32 v25, v32  }
0x184: {  	v45 =	vmul.f32 v45, v52;
	v62 =	vor.u32 v26, v32;
	[tilespmem:v47+s14+$0x0] =	vst.idx.msk $0xffff, v34  }
0x185: {  	v60 =	vadd.f32 v55, v63;
	v63 =	vor.u32 v27, v32;
	[tilespmem:v48+s14+$0x0] =	vst.idx.msk $0xffff, v35  }
0x186: {  	v2 =	vadd.f32 v3, v2;
	v32 =	vor.u32 v28, v32;
	[tilespmem:v57+s14+$0x0] =	vst.idx.msk $0xffff, v37  }
0x187: {  	v1 =	vmul.f32 v1, v52;
	v39 =	vadd.f32 v43, v44;
	[tilespmem:v4+s14+$0x0] =	vst.idx.msk $0xffff, v36  }
0x188: {  	v3 =	vadd.f32 v41, v40;
	v41 =	vadd.f32 v60, v45;
	[tilespmem:v61+s14+$0x0] =	vst.idx.msk $0xffff, v38  }
0x189: {  	v31 =	vadd.f32 v54, v31;
	v40 =	vadd.f32 v2, v1;
	[tilespmem:v62+s14+$0x0] =	vst.idx.msk $0xffff, v39  }
0x18a: {  	v1 =	vmul.f32 v49, v52;
	v4 =	vadd.f32 v59, v56;
	[tilespmem:v63+s14+$0x0] =	vst.idx.msk $0xffff, v41  }
0x18b: {  	v20 =	vadd.f32 v54, v20;
	[tilespmem:v32+s14+$0x0] =	vst.idx.msk $0xffff, v40  }
0x18c: {  	p0 =	sne.s32 s23, $0x17D0;
	v30 =	vadd.f32 v3, v30;
	v1 =	vadd.f32 v1, v4;
	[tilespmem:v46+s15+$0x0] =	vst.idx.msk $0xffff, v31  }
.Ltmp0:
0x18d: {  	v22 =	vadd.f32 v3, v22;
	[tilespmem:v46+s16+$0x0] =	vst.idx.msk $0xffff, v20;
	(pc) =	sbr.rel @p0 .LBB2_4-.Ltmp0, $4  }
0x18e: {  	v29 =	vadd.f32 v1, v29;
	[tilespmem:v47+s15+$0x0] =	vst.idx.msk $0xffff, v30  }
0x18f: {  	v24 =	vadd.f32 v1, v24;
	[tilespmem:v47+s16+$0x0] =	vst.idx.msk $0xffff, v22  }
0x190: {  	[tilespmem:v48+s15+$0x0] =	vst.idx.msk $0xffff, v29  }
0x191: {  	s22 =	sadd.s32 $0x1, s22;
	s23 =	sadd.s32 $0xC0, s23;
	[tilespmem:v48+s16+$0x0] =	vst.idx.msk $0xffff, v24  }
0x192: {  	s21 =	sadd.s32 $0x1, s21  }
0x193: {  	p0 =	sne.s32 s21, $0x4  }
.Ltmp1:
0x194: {  	_ = 	snop;
	(pc) =	sbr.rel @p0 .LBB2_3-.Ltmp1, $1  }
0x195: {  	_ =	sdelay $0x3  }
0x196: {  	s20 =	sshrl.u32 s20, $0x1  }
0x197: {  	s21 =	sadd.s32 s3, s20  }
0x198: {  	[hbm4b:s21+s6] =	stream.linear.scatter [tilespmem:s15], [sflag:$0x1], $0x2000, $0x38;
	[tilespmem:$0x10000] =	vst v63  }
0x199: {  	_ =	swait.ge [sflag:s11], $0x2000  }
0x19a: {  	[sflag:s11] =	ssyncset.done $0x0  }
0x19b: {  	s31 =	sadd.s32 s4, s20;
	[sflag:s11] =	ssyncadd.s32 $0xFFFFE000  }
0x19c: {  	[hbm4b:s31+s13] =	stream.strided.scatter [tilespmem:s14], [sflag:$0x1], $0x6000, s17, s13, $0x38;
	[tilespmem:$0x10000] =	vst v63  }
0x19d: {  	s19 =	sadd.s32 $0x1, s19;
	_ =	swait.ge [sflag:s11], $0x6000  }
0x19e: {  	p0 =	sne.s32 s19, $0x8;
	[sflag:s11] =	ssyncset.done $0x0  }
.Ltmp2:
0x19f: {  	s20 =	sadd.s32 s5, s20;
	[sflag:s11] =	ssyncadd.s32 $0xFFFFA000;
	(pc) =	sbr.rel @p0 .LBB2_2-.Ltmp2, $4  }
0x1a0: {  	[hbm4b:s20+s6] =	stream.linear.scatter [tilespmem:s16], [sflag:$0x1], $0x2000, $0x38;
	[tilespmem:$0x10000] =	vst v63  }
0x1a1: {  	_ =	swait.ge [sflag:s11], $0x2000  }
0x1a2: {  	[sflag:s11] =	ssyncset.done $0x0  }
0x1a3: {  	[sflag:s11] =	ssyncadd.s32 $0xFFFFE000  }
0x1a4: {  	s18 =	sadd.s32 $0x1, s18  }
0x1a5: {  	p0 =	sne.s32 s18, s10  }
.Ltmp3:
0x1a6: {  	_ = 	snop;
	(pc) =	sbr.rel @p0 .LBB2_1-.Ltmp3, $1  }
0x1a7: {  	_ =	sdelay $0x3  }
0x1a8: {  	_ =	sfence.sel $0x180000  }
0x1a9: {  	[bflag:$0x0] =	sbarrier.arrive $0xFFFF  }
0x1aa: {  	p0 =	sne.s32 s7, $0x0;
	_ =	strace $0x90000047  }
0x1ab: {  	s0 =	sadd.s32 @!p0 $0x100000, s0;
	[bflag:$0x2] =	sbarrier.arrive $0xFFFF  }
0x1ac: {  	[sflag:s0] =	ssyncadd.tile.s32 @!p0 $0x1;
	_ =	shalt  }
.Lfunc_end2:
_tile_overlayer_lowered:
.L_overlay_start_2:
0x1ad: {  	(tag) =	ssettag $0x2  }
0x1ae: {  	s0 =	rddreg [dreg:$0x0];
	s2 =	stileid.u32  }
0x1af: {  	s1 =	rddreg [dreg:$0x1];
	p0 =	sne.s32 s2, $0x0  }
0x1b0: {  	s3 =	rddreg [dreg:$0x2];
	[bflag:$0x3] =	sbarrier.arrive $0xFFFF;
	s2 =	simm.s32 @!p0 $0x1C01  }
0x1b1: {  	[timem:s3], [sflag:s2] =	dma.local @!p0 [hbm:s0], s1  }
0x1b2: {  	s0 =	simm.s32 @!p0 $0x1  }
0x1b3: {  	_ =	swait.ge @!p0 [sflag:s0], s1  }
0x1b4: {  	s1 =	ssub.s32 @!p0 $0x0, s1;
	[sflag:s0] =	ssyncset.done @!p0 $0x0  }
0x1b5: {  	[sflag:s0] =	ssyncadd.s32 @!p0 s1  }
0x1b6: {  	[bflag:$0x3] =	sbarrier.arrive $0xFFFF  }
0x1b7: {  	_ =	shalt  }

</sc_bundles>
